<compile_context>
chip_gen: v7x
topology: tpu7x:2x2x1
jax: 0.10.2.dev20260603
libtpu: 0.0.44.dev20260713+nightly
codegen_flags: <defaults>
</compile_context>

<pallas_src>
import functools

import jax
import jax.numpy as jnp
from jax import lax
from jax.experimental import pallas as pl
from jax.experimental.pallas import tpu as pltpu
from jax.experimental.pallas import tpu_sc as plsc

N = 10000
E = 320000
NN = 2 * N
NNP = 20480
EE = 2 * E
NC, NS = 2, 16
NW = NC * NS
EPT = EE // NW
K = 80
NCHUNK = EPT // K
RPT = NNP // NS
ZR = 128

_mesh = plsc.VectorSubcoreMesh(core_axis_name="c", subcore_axis_name="s")


def _deg_body(dst_hbm, parts_hbm, dbuf, ones_b, zbuf, acc_sh):
    c = lax.axis_index("c")
    s = lax.axis_index("s")
    wid = s * NC + c

    def _init(r, _):
        zbuf[r, :] = jnp.zeros((16,), jnp.float32)
        return 0

    lax.fori_loop(0, ZR, _init, 0)

    def _ones(r, _):
        ones_b[r, :] = jnp.ones((16,), jnp.float32)
        return 0

    lax.fori_loop(0, K, _ones, 0)

    for q in range(RPT // ZR):
        pltpu.sync_copy(zbuf, acc_sh.at[pl.ds(s * RPT + q * ZR, ZR)])
    plsc.subcore_barrier()

    def _chunk(ch, _):
        pltpu.sync_copy(dst_hbm.at[pl.ds(wid * EPT + ch * K, K)], dbuf)
        pltpu.sync_copy(ones_b, acc_sh.at[dbuf], add=True)
        return 0

    lax.fori_loop(0, NCHUNK, _chunk, 0)
    plsc.subcore_barrier()
    pltpu.sync_copy(acc_sh.at[pl.ds(s * RPT, RPT)],
                    parts_hbm.at[c, pl.ds(s * RPT, RPT)])


_sc_params = pltpu.CompilerParams(use_tc_tiling_on_sc=False)

_deg_pass = pl.kernel(
    _deg_body,
    out_type=jax.ShapeDtypeStruct((NC, NNP, 16), jnp.float32),
    mesh=_mesh,
    compiler_params=_sc_params,
    scratch_types=[
        pltpu.VMEM((K,), jnp.int32),
        pltpu.VMEM((K, 16), jnp.float32),
        pltpu.VMEM((ZR, 16), jnp.float32),
        pltpu.VMEM_SHARED((NNP, 16), jnp.float32),
    ],
)


def _layer_body(C, hs_hbm, src_hbm, dst_hbm, parts_hbm,
                sbuf, dbuf, rows, zbuf, acc_sh):
    c = lax.axis_index("c")
    s = lax.axis_index("s")
    wid = s * NC + c

    def _init(r, _):
        for j in range(C // 16):
            zbuf[r, pl.ds(j * 16, 16)] = jnp.zeros((16,), jnp.float32)
        return 0

    lax.fori_loop(0, ZR, _init, 0)
    for q in range(RPT // ZR):
        pltpu.sync_copy(zbuf, acc_sh.at[pl.ds(s * RPT + q * ZR, ZR)])
    plsc.subcore_barrier()

    def _chunk(ch, _):
        pltpu.sync_copy(src_hbm.at[pl.ds(wid * EPT + ch * K, K)], sbuf)
        pltpu.sync_copy(dst_hbm.at[pl.ds(wid * EPT + ch * K, K)], dbuf)
        pltpu.sync_copy(hs_hbm.at[sbuf], rows)
        pltpu.sync_copy(rows, acc_sh.at[dbuf], add=True)
        return 0

    lax.fori_loop(0, NCHUNK, _chunk, 0)
    plsc.subcore_barrier()
    pltpu.sync_copy(acc_sh.at[pl.ds(s * RPT, RPT)],
                    parts_hbm.at[c, pl.ds(s * RPT, RPT)])


def _make_layer_pass(C):
    return pl.kernel(
        functools.partial(_layer_body, C),
        out_type=jax.ShapeDtypeStruct((NC, NNP, C), jnp.float32),
        mesh=_mesh,
        compiler_params=_sc_params,
        scratch_types=[
            pltpu.VMEM((K,), jnp.int32),
            pltpu.VMEM((K,), jnp.int32),
            pltpu.VMEM((K, C), jnp.float32),
            pltpu.VMEM((ZR, C), jnp.float32),
            pltpu.VMEM_SHARED((NNP, C), jnp.float32),
        ],
    )


_layer_pass = {C: _make_layer_pass(C) for C in (64, 32, 16)}


def _tc0_body(x_ref, w_ref, dp_ref, hs_ref, dinv_ref):
    deg = dp_ref[0, :, 0:1] + dp_ref[1, :, 0:1] + 1.0
    dinv = lax.rsqrt(deg)
    z = jnp.dot(x_ref[...], w_ref[...], preferred_element_type=jnp.float32)
    hs_ref[...] = z * dinv
    dinv_ref[...] = dinv


def _tc_mid_body(parts_ref, hs_ref, dinv_ref, b_ref, w_ref, out_ref):
    dinv = dinv_ref[...]
    acc = parts_ref[0] + parts_ref[1] + hs_ref[...]
    xh = jnp.maximum(acc * dinv + b_ref[...][None, :], 0.0)
    out_ref[...] = jnp.dot(
        xh, w_ref[...], preferred_element_type=jnp.float32) * dinv


def _tc3_body(parts_ref, hs_ref, dinv_ref, b_ref, attw_ref, ntnw_ref,
              wb_ref, nbias_ref, fcw_ref, fcb_ref, sw_ref, sb_ref, out_ref):
    emb = ((parts_ref[0] + parts_ref[1] + hs_ref[...]) * dinv_ref[...]
           + b_ref[...][None, :])

    def pool(eg):
        m = jnp.mean(eg, axis=0)
        ctx = jnp.sum(m[:, None] * attw_ref[...], axis=0)
        tg = jnp.tanh(ctx)
        logits = jnp.dot(eg, tg[:, None],
                         preferred_element_type=jnp.float32)
        sig = jax.nn.sigmoid(logits)
        return jnp.sum(eg * sig, axis=0)

    e1 = pool(emb[:N])
    e2 = pool(emb[N:NN])
    pmat = e1[:, None] * e2[None, :]
    scoring = jnp.sum(jnp.sum(pmat[:, :, None] * ntnw_ref[...], axis=0),
                      axis=0)
    cat = jnp.concatenate([e1, e2])
    blk = jnp.sum(wb_ref[...] * cat[None, :], axis=1)
    scores = jnp.maximum(scoring + blk + nbias_ref[:, 0], 0.0)
    sv = jnp.tanh(jnp.sum(scores[:, None] * fcw_ref[...], axis=0)
                  + fcb_ref[...])
    val = jnp.sum(sv * sw_ref[:, 0]) + sb_ref[...]
    out_ref[...] = jax.nn.sigmoid(val)


def _tc0(x, w, dp):
    return pl.pallas_call(
        _tc0_body,
        out_shape=[jax.ShapeDtypeStruct((NNP, w.shape[1]), jnp.float32),
                   jax.ShapeDtypeStruct((NNP, 1), jnp.float32)],
    )(x, w, dp)


def _tc_mid(parts, hs, dinv, b, w):
    return pl.pallas_call(
        _tc_mid_body,
        out_shape=jax.ShapeDtypeStruct((NNP, w.shape[1]), jnp.float32),
    )(parts, hs, dinv, b, w)


def _tc3(parts, hs, dinv, b, attw, ntnw, wb, nbias, fcw, fcb, sw, sb):
    return pl.pallas_call(
        _tc3_body,
        out_shape=jax.ShapeDtypeStruct((1,), jnp.float32),
    )(parts, hs, dinv, b, attw, ntnw, wb, nbias, fcw, fcb, sw, sb)


def kernel(features_1, features_2, edges_1, edges_2, W1, b1, W2, b2, W3, b3,
           att_W, ntn_W, ntn_Wb, ntn_bias, fc_W, fc_b, score_W, score_b):
    x = jnp.concatenate([features_1, features_2], axis=0)
    x = jnp.pad(x, ((0, NNP - NN), (0, 0)))
    src = jnp.concatenate([edges_1[0], edges_2[0] + N])
    dst = jnp.concatenate([edges_1[1], edges_2[1] + N])

    degparts = _deg_pass(dst)
    hs1, dinv = _tc0(x, W1, degparts)
    parts1 = _layer_pass[64](hs1, src, dst)
    hs2 = _tc_mid(parts1, hs1, dinv, b1, W2)
    parts2 = _layer_pass[32](hs2, src, dst)
    hs3 = _tc_mid(parts2, hs2, dinv, b2, W3)
    parts3 = _layer_pass[16](hs3, src, dst)
    return _tc3(parts3, hs3, dinv, b3, att_W, ntn_W, ntn_Wb, ntn_bias,
                fc_W, fc_b, score_W, score_b)

# --- scband reference (transcript-rebuilt; emitter-appended) ---
"""Pipeline reference for scband-sim-gnn-84585085927778 (READ-ONLY COPY).

The authoritative reference and input builder live on the scoring server;
editing this copy changes nothing except your own understanding.
"""

import jax, jax.numpy as jnp
import numpy as np

N_NODES = 10000
N_EDGES = 320000
D_IN, C1, C2, C3, TN = 128, 64, 32, 16, 16


def gcn_conv(x, edge_index, W, b):
    n = x.shape[0]
    loop = jnp.arange(n, dtype=edge_index.dtype)
    src = jnp.concatenate([edge_index[0], loop])
    dst = jnp.concatenate([edge_index[1], loop])
    deg = jnp.zeros((n,), dtype=x.dtype).at[dst].add(1.0)
    dinv = jnp.where(deg > 0, deg ** -0.5, 0.0)
    norm = dinv[src] * dinv[dst]
    h = x @ W
    msg = h[src] * norm[:, None]
    out = jnp.zeros((n, h.shape[1]), dtype=x.dtype).at[dst].add(msg)
    return out + b


def gcn_stack(feats, edges, W1, b1, W2, b2, W3, b3):
    h = jax.nn.relu(gcn_conv(feats, edges, W1, b1))
    h = jax.nn.relu(gcn_conv(h, edges, W2, b2))
    return gcn_conv(h, edges, W3, b3)


def attention_pool(emb, att_W):
    ctx = jnp.mean(emb @ att_W, axis=0)
    tg = jnp.tanh(ctx)
    sig = jax.nn.sigmoid(emb @ tg[:, None])
    return emb.T @ sig  # [C3, 1]


def ntn_module(e1, e2, ntn_W, ntn_Wb, ntn_bias):
    d = e1.shape[0]
    scoring = (e1.T @ ntn_W.reshape(d, -1)).reshape(d, -1)  # [d, TN]
    scoring = scoring.T @ e2  # [TN, 1]
    combined = jnp.concatenate([e1, e2], axis=0)  # [2d, 1]
    block = ntn_Wb @ combined  # [TN, 1]
    return jax.nn.relu(scoring + block + ntn_bias)


def setup_inputs(seed: int = 0):
    key = jax.random.key(seed)
    ks = jax.random.split(key, 20)
    inp = {}
    inp['features_1'] = jax.random.normal(ks[0], (N_NODES, D_IN), dtype=jnp.float32)
    inp['features_2'] = jax.random.normal(ks[1], (N_NODES, D_IN), dtype=jnp.float32)
    inp['edges_1'] = jax.random.randint(ks[2], (2, N_EDGES), 0, N_NODES, dtype=jnp.int32)
    inp['edges_2'] = jax.random.randint(ks[3], (2, N_EDGES), 0, N_NODES, dtype=jnp.int32)
    inp['W1'] = jax.random.normal(ks[4], (D_IN, C1), dtype=jnp.float32) * 0.05
    inp['b1'] = jnp.zeros((C1,), dtype=jnp.float32)
    inp['W2'] = jax.random.normal(ks[5], (C1, C2), dtype=jnp.float32) * 0.05
    inp['b2'] = jnp.zeros((C2,), dtype=jnp.float32)
    inp['W3'] = jax.random.normal(ks[6], (C2, C3), dtype=jnp.float32) * 0.05
    inp['b3'] = jnp.zeros((C3,), dtype=jnp.float32)
    inp['att_W'] = jax.random.normal(ks[7], (C3, C3), dtype=jnp.float32) * 0.1
    inp['ntn_W'] = jax.random.normal(ks[8], (C3, C3, TN), dtype=jnp.float32) * 0.1
    inp['ntn_Wb'] = jax.random.normal(ks[9], (TN, 2 * C3), dtype=jnp.float32) * 0.1
    inp['ntn_bias'] = jnp.zeros((TN, 1), dtype=jnp.float32)
    inp['fc_W'] = jax.random.normal(ks[10], (TN, 16), dtype=jnp.float32) * 0.1
    inp['fc_b'] = jnp.zeros((16,), dtype=jnp.float32)
    inp['score_W'] = jax.random.normal(ks[11], (16, 1), dtype=jnp.float32) * 0.1
    inp['score_b'] = jnp.zeros((1,), dtype=jnp.float32)
    return inp


def reference(features_1, features_2, edges_1, edges_2, W1, b1, W2, b2, W3, b3, att_W, ntn_W, ntn_Wb, ntn_bias, fc_W, fc_b, score_W, score_b):
    h1 = gcn_stack(features_1, edges_1, W1, b1, W2, b2, W3, b3)
    h2 = gcn_stack(features_2, edges_2, W1, b1, W2, b2, W3, b3)
    e1 = attention_pool(h1, att_W)
    e2 = attention_pool(h2, att_W)
    scores = ntn_module(e1, e2, ntn_W, ntn_Wb, ntn_bias)  # [TN, 1]
    s = scores.T  # [1, TN]
    s = jnp.tanh(s @ fc_W + fc_b)  # [1, 16]
    score = (s @ score_W + score_b)[0]  # [1]
    return jax.nn.sigmoid(score)

if __name__ == "__main__":
    import jax
    _d = setup_inputs()
    print(jax.jit(kernel)(*tuple(_d.values())))

</pallas_src>

<mosaic_0001>
#map = affine_map<(d0, d1) -> (0, 0)>
#map1 = affine_map<(d0, d1) -> (0)>
#map2 = affine_map<(d0, d1) -> (0, 0, 0)>
module attributes {stable_mosaic.version = 14 : i64} {
  func.func @_layer_body(%arg0: i32, %arg1: i32, %arg2: memref<20480x32xf32, #tpu.memory_space<hbm>>, %arg3: memref<640000xi32, #tpu.memory_space<hbm>>, %arg4: memref<640000xi32, #tpu.memory_space<hbm>>, %arg5: memref<2x20480x32xf32, #tpu.memory_space<hbm>>, %arg6: memref<80xi32, #tpu.memory_space<vmem>>, %arg7: memref<80xi32, #tpu.memory_space<vmem>>, %arg8: memref<80x32xf32, #tpu.memory_space<vmem>>, %arg9: memref<128x32xf32, #tpu.memory_space<vmem>>, %arg10: memref<20480x32xf32, #tpu.memory_space<vmem_shared>>) attributes {dimension_semantics = [#tpu.dimension_semantics<core_parallel>, #tpu.dimension_semantics<subcore_parallel>], iteration_bounds = array<i64: 2, 16>, scalar_prefetch = 0 : i64, scratch_operands = 5 : i64, tpu.core_type = #tpu.core_type<sc_vector_subcore>, window_params = [{transform_indices = #map}, {transform_indices = #map1}, {transform_indices = #map1}, {transform_indices = #map2}]} {
    %mul3A = arith.constant 2 : i32
    %mul3A_0 = arith.muli %arg1, %mul3A : i32
    %add3A = arith.addi %mul3A_0, %arg0 : i32
    %scan3A = arith.constant 0 : i32
    %scan3A_1 = arith.constant 0 : i32
    %scan3A_2 = arith.constant 128 : i32
    %scan3A_3 = arith.addi %scan3A_1, %scan3A_2 : i32
    %scan3A_4 = arith.constant 1 : i32
    %scan3A_5 = scf.for %scan3A_59 = %scan3A_1 to %scan3A_3 step %scan3A_4 iter_args(%scan3A_60 = %scan3A) -> (i32)  : i32 {
      %broadcast_in_dim3A = arith.constant 0.000000e+00 : f32
      %broadcast_in_dim3A_61 = vector.broadcast %broadcast_in_dim3A : f32 to vector<16xf32>
      %swap3A = arith.index_cast %scan3A_59 : i32 to index
      %swap3A_62 = arith.constant 0 : index
      %swap3A_63 = tpu.vector_load %arg9[%swap3A, %swap3A_62] {strides = array<i32>} : memref<128x32xf32, #tpu.memory_space<vmem>>, vector<1x16xf32>,
      %swap3A_64 = vector.shape_cast %swap3A_63 : vector<1x16xf32> to vector<16xf32>
      %swap3A_65 = vector.shape_cast %broadcast_in_dim3A_61 : vector<16xf32> to vector<1x16xf32>
      tpu.vector_store %arg9[%swap3A, %swap3A_62], %swap3A_65 {strides = array<i32>} : memref<128x32xf32, #tpu.memory_space<vmem>>, vector<1x16xf32>,
      %broadcast_in_dim3A_66 = arith.constant 0.000000e+00 : f32
      %broadcast_in_dim3A_67 = vector.broadcast %broadcast_in_dim3A_66 : f32 to vector<16xf32>
      %swap3A_68 = arith.index_cast %scan3A_59 : i32 to index
      %swap3A_69 = arith.constant 16 : index
      %swap3A_70 = tpu.vector_load %arg9[%swap3A_68, %swap3A_69] {strides = array<i32>} : memref<128x32xf32, #tpu.memory_space<vmem>>, vector<1x16xf32>,
      %swap3A_71 = vector.shape_cast %swap3A_70 : vector<1x16xf32> to vector<16xf32>
      %swap3A_72 = vector.shape_cast %broadcast_in_dim3A_67 : vector<16xf32> to vector<1x16xf32>
      tpu.vector_store %arg9[%swap3A_68, %swap3A_69], %swap3A_72 {strides = array<i32>} : memref<128x32xf32, #tpu.memory_space<vmem>>, vector<1x16xf32>,
      %scan3A_73 = arith.constant 0 : i32
      scf.yield %scan3A_73 : i32
    }
    %scan3A_6 = arith.constant 128 : i32
    %mul3A_7 = arith.constant 1280 : i32
    %mul3A_8 = arith.muli %arg1, %mul3A_7 : i32
    %add3A_9 = arith.constant 0 : i32
    %add3A_10 = arith.addi %mul3A_8, %add3A_9 : i32
    "tpu.region"() ({
      %run_scoped3A = tpu.sem_alloc : memref<!tpu.dma_semaphore, #tpu.memory_space<semaphore_mem>>
      %dma_start3A = arith.constant 0 : i32
      %dma_start3A_59 = tpu.memref_slice %arg10[%add3A_10, %dma_start3A] : memref<20480x32xf32, #tpu.memory_space<vmem_shared>> -> memref<128x32xf32, #tpu.memory_space<vmem_shared>>
      %dma_start3A_60 = arith.constant 0 : i32
      %dma_start3A_61 = tpu.memref_slice %arg10[%add3A_10, %dma_start3A_60] : memref<20480x32xf32, #tpu.memory_space<vmem_shared>> -> memref<128x32xf32, #tpu.memory_space<vmem_shared>>
      tpu.enqueue_dma source(%arg9 : memref<128x32xf32, #tpu.memory_space<vmem>>) target(%dma_start3A_61 : memref<128x32xf32, #tpu.memory_space<vmem_shared>>) target_semaphore(%run_scoped3A : memref<!tpu.dma_semaphore, #tpu.memory_space<semaphore_mem>>)
      %dma_wait3A = arith.constant 0 : i32
      %dma_wait3A_62 = tpu.memref_slice %arg10[%add3A_10, %dma_wait3A] : memref<20480x32xf32, #tpu.memory_space<vmem_shared>> -> memref<128x32xf32, #tpu.memory_space<vmem_shared>>
      %dma_wait3A_63 = arith.constant 0 : i32
      %dma_wait3A_64 = tpu.memref_slice %arg10[%add3A_10, %dma_wait3A_63] : memref<20480x32xf32, #tpu.memory_space<vmem_shared>> -> memref<128x32xf32, #tpu.memory_space<vmem_shared>>
      tpu.wait_dma2 semaphore(%run_scoped3A : memref<!tpu.dma_semaphore, #tpu.memory_space<semaphore_mem>>) src(%arg9 : memref<128x32xf32, #tpu.memory_space<vmem>>) dst(%dma_wait3A_64 : memref<128x32xf32, #tpu.memory_space<vmem_shared>>)
      tpu.yield
    }) : () -> ()
    %mul3A_11 = arith.constant 1280 : i32
    %mul3A_12 = arith.muli %arg1, %mul3A_11 : i32
    %add3A_13 = arith.constant 128 : i32
    %add3A_14 = arith.addi %mul3A_12, %add3A_13 : i32
    "tpu.region"() ({
      %run_scoped3A = tpu.sem_alloc : memref<!tpu.dma_semaphore, #tpu.memory_space<semaphore_mem>>
      %dma_start3A = arith.constant 0 : i32
      %dma_start3A_59 = tpu.memref_slice %arg10[%add3A_14, %dma_start3A] : memref<20480x32xf32, #tpu.memory_space<vmem_shared>> -> memref<128x32xf32, #tpu.memory_space<vmem_shared>>
      %dma_start3A_60 = arith.constant 0 : i32
      %dma_start3A_61 = tpu.memref_slice %arg10[%add3A_14, %dma_start3A_60] : memref<20480x32xf32, #tpu.memory_space<vmem_shared>> -> memref<128x32xf32, #tpu.memory_space<vmem_shared>>
      tpu.enqueue_dma source(%arg9 : memref<128x32xf32, #tpu.memory_space<vmem>>) target(%dma_start3A_61 : memref<128x32xf32, #tpu.memory_space<vmem_shared>>) target_semaphore(%run_scoped3A : memref<!tpu.dma_semaphore, #tpu.memory_space<semaphore_mem>>)
      %dma_wait3A = arith.constant 0 : i32
      %dma_wait3A_62 = tpu.memref_slice %arg10[%add3A_14, %dma_wait3A] : memref<20480x32xf32, #tpu.memory_space<vmem_shared>> -> memref<128x32xf32, #tpu.memory_space<vmem_shared>>
      %dma_wait3A_63 = arith.constant 0 : i32
      %dma_wait3A_64 = tpu.memref_slice %arg10[%add3A_14, %dma_wait3A_63] : memref<20480x32xf32, #tpu.memory_space<vmem_shared>> -> memref<128x32xf32, #tpu.memory_space<vmem_shared>>
      tpu.wait_dma2 semaphore(%run_scoped3A : memref<!tpu.dma_semaphore, #tpu.memory_space<semaphore_mem>>) src(%arg9 : memref<128x32xf32, #tpu.memory_space<vmem>>) dst(%dma_wait3A_64 : memref<128x32xf32, #tpu.memory_space<vmem_shared>>)
      tpu.yield
    }) : () -> ()
    %mul3A_15 = arith.constant 1280 : i32
    %mul3A_16 = arith.muli %arg1, %mul3A_15 : i32
    %add3A_17 = arith.constant 256 : i32
    %add3A_18 = arith.addi %mul3A_16, %add3A_17 : i32
    "tpu.region"() ({
      %run_scoped3A = tpu.sem_alloc : memref<!tpu.dma_semaphore, #tpu.memory_space<semaphore_mem>>
      %dma_start3A = arith.constant 0 : i32
      %dma_start3A_59 = tpu.memref_slice %arg10[%add3A_18, %dma_start3A] : memref<20480x32xf32, #tpu.memory_space<vmem_shared>> -> memref<128x32xf32, #tpu.memory_space<vmem_shared>>
      %dma_start3A_60 = arith.constant 0 : i32
      %dma_start3A_61 = tpu.memref_slice %arg10[%add3A_18, %dma_start3A_60] : memref<20480x32xf32, #tpu.memory_space<vmem_shared>> -> memref<128x32xf32, #tpu.memory_space<vmem_shared>>
      tpu.enqueue_dma source(%arg9 : memref<128x32xf32, #tpu.memory_space<vmem>>) target(%dma_start3A_61 : memref<128x32xf32, #tpu.memory_space<vmem_shared>>) target_semaphore(%run_scoped3A : memref<!tpu.dma_semaphore, #tpu.memory_space<semaphore_mem>>)
      %dma_wait3A = arith.constant 0 : i32
      %dma_wait3A_62 = tpu.memref_slice %arg10[%add3A_18, %dma_wait3A] : memref<20480x32xf32, #tpu.memory_space<vmem_shared>> -> memref<128x32xf32, #tpu.memory_space<vmem_shared>>
      %dma_wait3A_63 = arith.constant 0 : i32
      %dma_wait3A_64 = tpu.memref_slice %arg10[%add3A_18, %dma_wait3A_63] : memref<20480x32xf32, #tpu.memory_space<vmem_shared>> -> memref<128x32xf32, #tpu.memory_space<vmem_shared>>
      tpu.wait_dma2 semaphore(%run_scoped3A : memref<!tpu.dma_semaphore, #tpu.memory_space<semaphore_mem>>) src(%arg9 : memref<128x32xf32, #tpu.memory_space<vmem>>) dst(%dma_wait3A_64 : memref<128x32xf32, #tpu.memory_space<vmem_shared>>)
      tpu.yield
    }) : () -> ()
    %mul3A_19 = arith.constant 1280 : i32
    %mul3A_20 = arith.muli %arg1, %mul3A_19 : i32
    %add3A_21 = arith.constant 384 : i32
    %add3A_22 = arith.addi %mul3A_20, %add3A_21 : i32
    "tpu.region"() ({
      %run_scoped3A = tpu.sem_alloc : memref<!tpu.dma_semaphore, #tpu.memory_space<semaphore_mem>>
      %dma_start3A = arith.constant 0 : i32
      %dma_start3A_59 = tpu.memref_slice %arg10[%add3A_22, %dma_start3A] : memref<20480x32xf32, #tpu.memory_space<vmem_shared>> -> memref<128x32xf32, #tpu.memory_space<vmem_shared>>
      %dma_start3A_60 = arith.constant 0 : i32
      %dma_start3A_61 = tpu.memref_slice %arg10[%add3A_22, %dma_start3A_60] : memref<20480x32xf32, #tpu.memory_space<vmem_shared>> -> memref<128x32xf32, #tpu.memory_space<vmem_shared>>
      tpu.enqueue_dma source(%arg9 : memref<128x32xf32, #tpu.memory_space<vmem>>) target(%dma_start3A_61 : memref<128x32xf32, #tpu.memory_space<vmem_shared>>) target_semaphore(%run_scoped3A : memref<!tpu.dma_semaphore, #tpu.memory_space<semaphore_mem>>)
      %dma_wait3A = arith.constant 0 : i32
      %dma_wait3A_62 = tpu.memref_slice %arg10[%add3A_22, %dma_wait3A] : memref<20480x32xf32, #tpu.memory_space<vmem_shared>> -> memref<128x32xf32, #tpu.memory_space<vmem_shared>>
      %dma_wait3A_63 = arith.constant 0 : i32
      %dma_wait3A_64 = tpu.memref_slice %arg10[%add3A_22, %dma_wait3A_63] : memref<20480x32xf32, #tpu.memory_space<vmem_shared>> -> memref<128x32xf32, #tpu.memory_space<vmem_shared>>
      tpu.wait_dma2 semaphore(%run_scoped3A : memref<!tpu.dma_semaphore, #tpu.memory_space<semaphore_mem>>) src(%arg9 : memref<128x32xf32, #tpu.memory_space<vmem>>) dst(%dma_wait3A_64 : memref<128x32xf32, #tpu.memory_space<vmem_shared>>)
      tpu.yield
    }) : () -> ()
    %mul3A_23 = arith.constant 1280 : i32
    %mul3A_24 = arith.muli %arg1, %mul3A_23 : i32
    %add3A_25 = arith.constant 512 : i32
    %add3A_26 = arith.addi %mul3A_24, %add3A_25 : i32
    "tpu.region"() ({
      %run_scoped3A = tpu.sem_alloc : memref<!tpu.dma_semaphore, #tpu.memory_space<semaphore_mem>>
      %dma_start3A = arith.constant 0 : i32
      %dma_start3A_59 = tpu.memref_slice %arg10[%add3A_26, %dma_start3A] : memref<20480x32xf32, #tpu.memory_space<vmem_shared>> -> memref<128x32xf32, #tpu.memory_space<vmem_shared>>
      %dma_start3A_60 = arith.constant 0 : i32
      %dma_start3A_61 = tpu.memref_slice %arg10[%add3A_26, %dma_start3A_60] : memref<20480x32xf32, #tpu.memory_space<vmem_shared>> -> memref<128x32xf32, #tpu.memory_space<vmem_shared>>
      tpu.enqueue_dma source(%arg9 : memref<128x32xf32, #tpu.memory_space<vmem>>) target(%dma_start3A_61 : memref<128x32xf32, #tpu.memory_space<vmem_shared>>) target_semaphore(%run_scoped3A : memref<!tpu.dma_semaphore, #tpu.memory_space<semaphore_mem>>)
      %dma_wait3A = arith.constant 0 : i32
      %dma_wait3A_62 = tpu.memref_slice %arg10[%add3A_26, %dma_wait3A] : memref<20480x32xf32, #tpu.memory_space<vmem_shared>> -> memref<128x32xf32, #tpu.memory_space<vmem_shared>>
      %dma_wait3A_63 = arith.constant 0 : i32
      %dma_wait3A_64 = tpu.memref_slice %arg10[%add3A_26, %dma_wait3A_63] : memref<20480x32xf32, #tpu.memory_space<vmem_shared>> -> memref<128x32xf32, #tpu.memory_space<vmem_shared>>
      tpu.wait_dma2 semaphore(%run_scoped3A : memref<!tpu.dma_semaphore, #tpu.memory_space<semaphore_mem>>) src(%arg9 : memref<128x32xf32, #tpu.memory_space<vmem>>) dst(%dma_wait3A_64 : memref<128x32xf32, #tpu.memory_space<vmem_shared>>)
      tpu.yield
    }) : () -> ()
    %mul3A_27 = arith.constant 1280 : i32
    %mul3A_28 = arith.muli %arg1, %mul3A_27 : i32
    %add3A_29 = arith.constant 640 : i32
    %add3A_30 = arith.addi %mul3A_28, %add3A_29 : i32
    "tpu.region"() ({
      %run_scoped3A = tpu.sem_alloc : memref<!tpu.dma_semaphore, #tpu.memory_space<semaphore_mem>>
      %dma_start3A = arith.constant 0 : i32
      %dma_start3A_59 = tpu.memref_slice %arg10[%add3A_30, %dma_start3A] : memref<20480x32xf32, #tpu.memory_space<vmem_shared>> -> memref<128x32xf32, #tpu.memory_space<vmem_shared>>
      %dma_start3A_60 = arith.constant 0 : i32
      %dma_start3A_61 = tpu.memref_slice %arg10[%add3A_30, %dma_start3A_60] : memref<20480x32xf32, #tpu.memory_space<vmem_shared>> -> memref<128x32xf32, #tpu.memory_space<vmem_shared>>
      tpu.enqueue_dma source(%arg9 : memref<128x32xf32, #tpu.memory_space<vmem>>) target(%dma_start3A_61 : memref<128x32xf32, #tpu.memory_space<vmem_shared>>) target_semaphore(%run_scoped3A : memref<!tpu.dma_semaphore, #tpu.memory_space<semaphore_mem>>)
      %dma_wait3A = arith.constant 0 : i32
      %dma_wait3A_62 = tpu.memref_slice %arg10[%add3A_30, %dma_wait3A] : memref<20480x32xf32, #tpu.memory_space<vmem_shared>> -> memref<128x32xf32, #tpu.memory_space<vmem_shared>>
      %dma_wait3A_63 = arith.constant 0 : i32
      %dma_wait3A_64 = tpu.memref_slice %arg10[%add3A_30, %dma_wait3A_63] : memref<20480x32xf32, #tpu.memory_space<vmem_shared>> -> memref<128x32xf32, #tpu.memory_space<vmem_shared>>
      tpu.wait_dma2 semaphore(%run_scoped3A : memref<!tpu.dma_semaphore, #tpu.memory_space<semaphore_mem>>) src(%arg9 : memref<128x32xf32, #tpu.memory_space<vmem>>) dst(%dma_wait3A_64 : memref<128x32xf32, #tpu.memory_space<vmem_shared>>)
      tpu.yield
    }) : () -> ()
    %mul3A_31 = arith.constant 1280 : i32
    %mul3A_32 = arith.muli %arg1, %mul3A_31 : i32
    %add3A_33 = arith.constant 768 : i32
    %add3A_34 = arith.addi %mul3A_32, %add3A_33 : i32
    "tpu.region"() ({
      %run_scoped3A = tpu.sem_alloc : memref<!tpu.dma_semaphore, #tpu.memory_space<semaphore_mem>>
      %dma_start3A = arith.constant 0 : i32
      %dma_start3A_59 = tpu.memref_slice %arg10[%add3A_34, %dma_start3A] : memref<20480x32xf32, #tpu.memory_space<vmem_shared>> -> memref<128x32xf32, #tpu.memory_space<vmem_shared>>
      %dma_start3A_60 = arith.constant 0 : i32
      %dma_start3A_61 = tpu.memref_slice %arg10[%add3A_34, %dma_start3A_60] : memref<20480x32xf32, #tpu.memory_space<vmem_shared>> -> memref<128x32xf32, #tpu.memory_space<vmem_shared>>
      tpu.enqueue_dma source(%arg9 : memref<128x32xf32, #tpu.memory_space<vmem>>) target(%dma_start3A_61 : memref<128x32xf32, #tpu.memory_space<vmem_shared>>) target_semaphore(%run_scoped3A : memref<!tpu.dma_semaphore, #tpu.memory_space<semaphore_mem>>)
      %dma_wait3A = arith.constant 0 : i32
      %dma_wait3A_62 = tpu.memref_slice %arg10[%add3A_34, %dma_wait3A] : memref<20480x32xf32, #tpu.memory_space<vmem_shared>> -> memref<128x32xf32, #tpu.memory_space<vmem_shared>>
      %dma_wait3A_63 = arith.constant 0 : i32
      %dma_wait3A_64 = tpu.memref_slice %arg10[%add3A_34, %dma_wait3A_63] : memref<20480x32xf32, #tpu.memory_space<vmem_shared>> -> memref<128x32xf32, #tpu.memory_space<vmem_shared>>
      tpu.wait_dma2 semaphore(%run_scoped3A : memref<!tpu.dma_semaphore, #tpu.memory_space<semaphore_mem>>) src(%arg9 : memref<128x32xf32, #tpu.memory_space<vmem>>) dst(%dma_wait3A_64 : memref<128x32xf32, #tpu.memory_space<vmem_shared>>)
      tpu.yield
    }) : () -> ()
    %mul3A_35 = arith.constant 1280 : i32
    %mul3A_36 = arith.muli %arg1, %mul3A_35 : i32
    %add3A_37 = arith.constant 896 : i32
    %add3A_38 = arith.addi %mul3A_36, %add3A_37 : i32
    "tpu.region"() ({
      %run_scoped3A = tpu.sem_alloc : memref<!tpu.dma_semaphore, #tpu.memory_space<semaphore_mem>>
      %dma_start3A = arith.constant 0 : i32
      %dma_start3A_59 = tpu.memref_slice %arg10[%add3A_38, %dma_start3A] : memref<20480x32xf32, #tpu.memory_space<vmem_shared>> -> memref<128x32xf32, #tpu.memory_space<vmem_shared>>
      %dma_start3A_60 = arith.constant 0 : i32
      %dma_start3A_61 = tpu.memref_slice %arg10[%add3A_38, %dma_start3A_60] : memref<20480x32xf32, #tpu.memory_space<vmem_shared>> -> memref<128x32xf32, #tpu.memory_space<vmem_shared>>
      tpu.enqueue_dma source(%arg9 : memref<128x32xf32, #tpu.memory_space<vmem>>) target(%dma_start3A_61 : memref<128x32xf32, #tpu.memory_space<vmem_shared>>) target_semaphore(%run_scoped3A : memref<!tpu.dma_semaphore, #tpu.memory_space<semaphore_mem>>)
      %dma_wait3A = arith.constant 0 : i32
      %dma_wait3A_62 = tpu.memref_slice %arg10[%add3A_38, %dma_wait3A] : memref<20480x32xf32, #tpu.memory_space<vmem_shared>> -> memref<128x32xf32, #tpu.memory_space<vmem_shared>>
      %dma_wait3A_63 = arith.constant 0 : i32
      %dma_wait3A_64 = tpu.memref_slice %arg10[%add3A_38, %dma_wait3A_63] : memref<20480x32xf32, #tpu.memory_space<vmem_shared>> -> memref<128x32xf32, #tpu.memory_space<vmem_shared>>
      tpu.wait_dma2 semaphore(%run_scoped3A : memref<!tpu.dma_semaphore, #tpu.memory_space<semaphore_mem>>) src(%arg9 : memref<128x32xf32, #tpu.memory_space<vmem>>) dst(%dma_wait3A_64 : memref<128x32xf32, #tpu.memory_space<vmem_shared>>)
      tpu.yield
    }) : () -> ()
    %mul3A_39 = arith.constant 1280 : i32
    %mul3A_40 = arith.muli %arg1, %mul3A_39 : i32
    %add3A_41 = arith.constant 1024 : i32
    %add3A_42 = arith.addi %mul3A_40, %add3A_41 : i32
    "tpu.region"() ({
      %run_scoped3A = tpu.sem_alloc : memref<!tpu.dma_semaphore, #tpu.memory_space<semaphore_mem>>
      %dma_start3A = arith.constant 0 : i32
      %dma_start3A_59 = tpu.memref_slice %arg10[%add3A_42, %dma_start3A] : memref<20480x32xf32, #tpu.memory_space<vmem_shared>> -> memref<128x32xf32, #tpu.memory_space<vmem_shared>>
      %dma_start3A_60 = arith.constant 0 : i32
      %dma_start3A_61 = tpu.memref_slice %arg10[%add3A_42, %dma_start3A_60] : memref<20480x32xf32, #tpu.memory_space<vmem_shared>> -> memref<128x32xf32, #tpu.memory_space<vmem_shared>>
      tpu.enqueue_dma source(%arg9 : memref<128x32xf32, #tpu.memory_space<vmem>>) target(%dma_start3A_61 : memref<128x32xf32, #tpu.memory_space<vmem_shared>>) target_semaphore(%run_scoped3A : memref<!tpu.dma_semaphore, #tpu.memory_space<semaphore_mem>>)
      %dma_wait3A = arith.constant 0 : i32
      %dma_wait3A_62 = tpu.memref_slice %arg10[%add3A_42, %dma_wait3A] : memref<20480x32xf32, #tpu.memory_space<vmem_shared>> -> memref<128x32xf32, #tpu.memory_space<vmem_shared>>
      %dma_wait3A_63 = arith.constant 0 : i32
      %dma_wait3A_64 = tpu.memref_slice %arg10[%add3A_42, %dma_wait3A_63] : memref<20480x32xf32, #tpu.memory_space<vmem_shared>> -> memref<128x32xf32, #tpu.memory_space<vmem_shared>>
      tpu.wait_dma2 semaphore(%run_scoped3A : memref<!tpu.dma_semaphore, #tpu.memory_space<semaphore_mem>>) src(%arg9 : memref<128x32xf32, #tpu.memory_space<vmem>>) dst(%dma_wait3A_64 : memref<128x32xf32, #tpu.memory_space<vmem_shared>>)
      tpu.yield
    }) : () -> ()
    %mul3A_43 = arith.constant 1280 : i32
    %mul3A_44 = arith.muli %arg1, %mul3A_43 : i32
    %add3A_45 = arith.constant 1152 : i32
    %add3A_46 = arith.addi %mul3A_44, %add3A_45 : i32
    "tpu.region"() ({
      %run_scoped3A = tpu.sem_alloc : memref<!tpu.dma_semaphore, #tpu.memory_space<semaphore_mem>>
      %dma_start3A = arith.constant 0 : i32
      %dma_start3A_59 = tpu.memref_slice %arg10[%add3A_46, %dma_start3A] : memref<20480x32xf32, #tpu.memory_space<vmem_shared>> -> memref<128x32xf32, #tpu.memory_space<vmem_shared>>
      %dma_start3A_60 = arith.constant 0 : i32
      %dma_start3A_61 = tpu.memref_slice %arg10[%add3A_46, %dma_start3A_60] : memref<20480x32xf32, #tpu.memory_space<vmem_shared>> -> memref<128x32xf32, #tpu.memory_space<vmem_shared>>
      tpu.enqueue_dma source(%arg9 : memref<128x32xf32, #tpu.memory_space<vmem>>) target(%dma_start3A_61 : memref<128x32xf32, #tpu.memory_space<vmem_shared>>) target_semaphore(%run_scoped3A : memref<!tpu.dma_semaphore, #tpu.memory_space<semaphore_mem>>)
      %dma_wait3A = arith.constant 0 : i32
      %dma_wait3A_62 = tpu.memref_slice %arg10[%add3A_46, %dma_wait3A] : memref<20480x32xf32, #tpu.memory_space<vmem_shared>> -> memref<128x32xf32, #tpu.memory_space<vmem_shared>>
      %dma_wait3A_63 = arith.constant 0 : i32
      %dma_wait3A_64 = tpu.memref_slice %arg10[%add3A_46, %dma_wait3A_63] : memref<20480x32xf32, #tpu.memory_space<vmem_shared>> -> memref<128x32xf32, #tpu.memory_space<vmem_shared>>
      tpu.wait_dma2 semaphore(%run_scoped3A : memref<!tpu.dma_semaphore, #tpu.memory_space<semaphore_mem>>) src(%arg9 : memref<128x32xf32, #tpu.memory_space<vmem>>) dst(%dma_wait3A_64 : memref<128x32xf32, #tpu.memory_space<vmem_shared>>)
      tpu.yield
    }) : () -> ()
    %barrier3A = arith.constant 0 : index
    tpu.barrier barrier_id(%barrier3A)
    %scan3A_47 = arith.constant 0 : i32
    %scan3A_48 = arith.constant 0 : i32
    %scan3A_49 = arith.constant 250 : i32
    %scan3A_50 = arith.addi %scan3A_48, %scan3A_49 : i32
    %scan3A_51 = arith.constant 1 : i32
    %scan3A_52 = scf.for %scan3A_59 = %scan3A_48 to %scan3A_50 step %scan3A_51 iter_args(%scan3A_60 = %scan3A_47) -> (i32)  : i32 {
      %mul3A_61 = arith.constant 20000 : i32
      %mul3A_62 = arith.muli %add3A, %mul3A_61 : i32
      %mul3A_63 = arith.constant 80 : i32
      %mul3A_64 = arith.muli %scan3A_59, %mul3A_63 : i32
      %add3A_65 = arith.addi %mul3A_62, %mul3A_64 : i32
      "tpu.region"() ({
        %run_scoped3A = tpu.sem_alloc : memref<!tpu.dma_semaphore, #tpu.memory_space<semaphore_mem>>
        %dma_start3A = tpu.memref_slice %arg3[%add3A_65] : memref<640000xi32, #tpu.memory_space<hbm>> -> memref<80xi32, #tpu.memory_space<hbm>>
        %dma_start3A_72 = tpu.memref_slice %arg3[%add3A_65] : memref<640000xi32, #tpu.memory_space<hbm>> -> memref<80xi32, #tpu.memory_space<hbm>>
        tpu.enqueue_dma source(%dma_start3A_72 : memref<80xi32, #tpu.memory_space<hbm>>) target(%arg6 : memref<80xi32, #tpu.memory_space<vmem>>) target_semaphore(%run_scoped3A : memref<!tpu.dma_semaphore, #tpu.memory_space<semaphore_mem>>)
        %dma_wait3A = tpu.memref_slice %arg3[%add3A_65] : memref<640000xi32, #tpu.memory_space<hbm>> -> memref<80xi32, #tpu.memory_space<hbm>>
        %dma_wait3A_73 = tpu.memref_slice %arg3[%add3A_65] : memref<640000xi32, #tpu.memory_space<hbm>> -> memref<80xi32, #tpu.memory_space<hbm>>
        tpu.wait_dma2 semaphore(%run_scoped3A : memref<!tpu.dma_semaphore, #tpu.memory_space<semaphore_mem>>) src(%dma_wait3A_73 : memref<80xi32, #tpu.memory_space<hbm>>) dst(%arg6 : memref<80xi32, #tpu.memory_space<vmem>>)
        tpu.yield
      }) : () -> ()
      %mul3A_66 = arith.constant 20000 : i32
      %mul3A_67 = arith.muli %add3A, %mul3A_66 : i32
      %mul3A_68 = arith.constant 80 : i32
      %mul3A_69 = arith.muli %scan3A_59, %mul3A_68 : i32
      %add3A_70 = arith.addi %mul3A_67, %mul3A_69 : i32
      "tpu.region"() ({
        %run_scoped3A = tpu.sem_alloc : memref<!tpu.dma_semaphore, #tpu.memory_space<semaphore_mem>>
        %dma_start3A = tpu.memref_slice %arg4[%add3A_70] : memref<640000xi32, #tpu.memory_space<hbm>> -> memref<80xi32, #tpu.memory_space<hbm>>
        %dma_start3A_72 = tpu.memref_slice %arg4[%add3A_70] : memref<640000xi32, #tpu.memory_space<hbm>> -> memref<80xi32, #tpu.memory_space<hbm>>
        tpu.enqueue_dma source(%dma_start3A_72 : memref<80xi32, #tpu.memory_space<hbm>>) target(%arg7 : memref<80xi32, #tpu.memory_space<vmem>>) target_semaphore(%run_scoped3A : memref<!tpu.dma_semaphore, #tpu.memory_space<semaphore_mem>>)
        %dma_wait3A = tpu.memref_slice %arg4[%add3A_70] : memref<640000xi32, #tpu.memory_space<hbm>> -> memref<80xi32, #tpu.memory_space<hbm>>
        %dma_wait3A_73 = tpu.memref_slice %arg4[%add3A_70] : memref<640000xi32, #tpu.memory_space<hbm>> -> memref<80xi32, #tpu.memory_space<hbm>>
        tpu.wait_dma2 semaphore(%run_scoped3A : memref<!tpu.dma_semaphore, #tpu.memory_space<semaphore_mem>>) src(%dma_wait3A_73 : memref<80xi32, #tpu.memory_space<hbm>>) dst(%arg7 : memref<80xi32, #tpu.memory_space<vmem>>)
        tpu.yield
      }) : () -> ()
      "tpu.region"() ({
        %run_scoped3A = tpu.sem_alloc : memref<!tpu.dma_semaphore, #tpu.memory_space<semaphore_mem>>
        %dma_start3A = arith.constant 0 : i32
        %dma_start3A_72 = arith.constant 0 : i32
        %dma_start3A_73 = tpu.memref_slice %arg2[%dma_start3A, %dma_start3A_72] : memref<20480x32xf32, #tpu.memory_space<hbm>> -> memref<20480x32xf32, #tpu.memory_space<hbm>>
        tpu.enqueue_indirect_dma source(%dma_start3A_73 : memref<20480x32xf32, #tpu.memory_space<hbm>>) target(%arg8 : memref<80x32xf32, #tpu.memory_space<vmem>>) offsets(%arg6 : memref<80xi32, #tpu.memory_space<vmem>>) semaphore(%run_scoped3A : memref<!tpu.dma_semaphore, #tpu.memory_space<semaphore_mem>>)
        %dma_wait3A = arith.constant 0 : i32
        %dma_wait3A_74 = arith.constant 0 : i32
        %dma_wait3A_75 = tpu.memref_slice %arg2[%dma_wait3A, %dma_wait3A_74] : memref<20480x32xf32, #tpu.memory_space<hbm>> -> memref<20480x32xf32, #tpu.memory_space<hbm>>
        tpu.wait_indirect_dma semaphore(%run_scoped3A : memref<!tpu.dma_semaphore, #tpu.memory_space<semaphore_mem>>) src(%dma_wait3A_75 : memref<20480x32xf32, #tpu.memory_space<hbm>>) dst(%arg8 : memref<80x32xf32, #tpu.memory_space<vmem>>)
        tpu.yield
      }) : () -> ()
      "tpu.region"() ({
        %run_scoped3A = tpu.sem_alloc : memref<!tpu.dma_semaphore, #tpu.memory_space<semaphore_mem>>
        %dma_start3A = arith.constant 0 : i32
        %dma_start3A_72 = arith.constant 0 : i32
        %dma_start3A_73 = tpu.memref_slice %arg10[%dma_start3A, %dma_start3A_72] : memref<20480x32xf32, #tpu.memory_space<vmem_shared>> -> memref<20480x32xf32, #tpu.memory_space<vmem_shared>>
        tpu.enqueue_indirect_dma source(%arg8 : memref<80x32xf32, #tpu.memory_space<vmem>>) target(%dma_start3A_73 : memref<20480x32xf32, #tpu.memory_space<vmem_shared>>) offsets(%arg7 : memref<80xi32, #tpu.memory_space<vmem>>) semaphore(%run_scoped3A : memref<!tpu.dma_semaphore, #tpu.memory_space<semaphore_mem>>) {add = true}
        %dma_wait3A = arith.constant 0 : i32
        %dma_wait3A_74 = arith.constant 0 : i32
        %dma_wait3A_75 = tpu.memref_slice %arg10[%dma_wait3A, %dma_wait3A_74] : memref<20480x32xf32, #tpu.memory_space<vmem_shared>> -> memref<20480x32xf32, #tpu.memory_space<vmem_shared>>
        tpu.wait_indirect_dma semaphore(%run_scoped3A : memref<!tpu.dma_semaphore, #tpu.memory_space<semaphore_mem>>) src(%arg8 : memref<80x32xf32, #tpu.memory_space<vmem>>) dst(%dma_wait3A_75 : memref<20480x32xf32, #tpu.memory_space<vmem_shared>>)
        tpu.yield
      }) : () -> ()
      %scan3A_71 = arith.constant 0 : i32
      scf.yield %scan3A_71 : i32
    }
    %scan3A_53 = arith.constant 250 : i32
    %barrier3A_54 = arith.constant 0 : index
    tpu.barrier barrier_id(%barrier3A_54)
    %mul3A_55 = arith.constant 1280 : i32
    %mul3A_56 = arith.muli %arg1, %mul3A_55 : i32
    %mul3A_57 = arith.constant 1280 : i32
    %mul3A_58 = arith.muli %arg1, %mul3A_57 : i32
    "tpu.region"() ({
      %run_scoped3A = tpu.sem_alloc : memref<!tpu.dma_semaphore, #tpu.memory_space<semaphore_mem>>
      %dma_start3A = arith.constant 0 : i32
      %dma_start3A_59 = tpu.memref_slice %arg5[%arg0, %mul3A_58, %dma_start3A] : memref<2x20480x32xf32, #tpu.memory_space<hbm>> -> memref<1x1280x32xf32, #tpu.memory_space<hbm>>
      %dma_start3A_60 = tpu.memref_squeeze %dma_start3A_59 : memref<1x1280x32xf32, #tpu.memory_space<hbm>> -> memref<1280x32xf32, #tpu.memory_space<hbm>>
      %dma_start3A_61 = arith.constant 0 : i32
      %dma_start3A_62 = tpu.memref_slice %arg10[%mul3A_56, %dma_start3A_61] : memref<20480x32xf32, #tpu.memory_space<vmem_shared>> -> memref<1280x32xf32, #tpu.memory_space<vmem_shared>>
      tpu.enqueue_dma source(%dma_start3A_62 : memref<1280x32xf32, #tpu.memory_space<vmem_shared>>) target(%dma_start3A_60 : memref<1280x32xf32, #tpu.memory_space<hbm>>) target_semaphore(%run_scoped3A : memref<!tpu.dma_semaphore, #tpu.memory_space<semaphore_mem>>)
      %dma_wait3A = arith.constant 0 : i32
      %dma_wait3A_63 = tpu.memref_slice %arg5[%arg0, %mul3A_58, %dma_wait3A] : memref<2x20480x32xf32, #tpu.memory_space<hbm>> -> memref<1x1280x32xf32, #tpu.memory_space<hbm>>
      %dma_wait3A_64 = tpu.memref_squeeze %dma_wait3A_63 : memref<1x1280x32xf32, #tpu.memory_space<hbm>> -> memref<1280x32xf32, #tpu.memory_space<hbm>>
      %dma_wait3A_65 = arith.constant 0 : i32
      %dma_wait3A_66 = tpu.memref_slice %arg10[%mul3A_56, %dma_wait3A_65] : memref<20480x32xf32, #tpu.memory_space<vmem_shared>> -> memref<1280x32xf32, #tpu.memory_space<vmem_shared>>
      tpu.wait_dma2 semaphore(%run_scoped3A : memref<!tpu.dma_semaphore, #tpu.memory_space<semaphore_mem>>) src(%dma_wait3A_66 : memref<1280x32xf32, #tpu.memory_space<vmem_shared>>) dst(%dma_wait3A_64 : memref<1280x32xf32, #tpu.memory_space<hbm>>)
      tpu.yield
    }) : () -> ()
    return
  }
}

#map = affine_map<(d0, d1) -> (0, 0)>
#map1 = affine_map<(d0, d1) -> (0)>
#map2 = affine_map<(d0, d1) -> (0, 0, 0)>
module attributes {stable_mosaic.version = 14 : i64} {
  func.func @_layer_body(%arg0: i32, %arg1: i32, %arg2: memref<20480x64xf32, #tpu.memory_space<hbm>>, %arg3: memref<640000xi32, #tpu.memory_space<hbm>>, %arg4: memref<640000xi32, #tpu.memory_space<hbm>>, %arg5: memref<2x20480x64xf32, #tpu.memory_space<hbm>>, %arg6: memref<80xi32, #tpu.memory_space<vmem>>, %arg7: memref<80xi32, #tpu.memory_space<vmem>>, %arg8: memref<80x64xf32, #tpu.memory_space<vmem>>, %arg9: memref<128x64xf32, #tpu.memory_space<vmem>>, %arg10: memref<20480x64xf32, #tpu.memory_space<vmem_shared>>) attributes {dimension_semantics = [#tpu.dimension_semantics<core_parallel>, #tpu.dimension_semantics<subcore_parallel>], iteration_bounds = array<i64: 2, 16>, scalar_prefetch = 0 : i64, scratch_operands = 5 : i64, tpu.core_type = #tpu.core_type<sc_vector_subcore>, window_params = [{transform_indices = #map}, {transform_indices = #map1}, {transform_indices = #map1}, {transform_indices = #map2}]} {
    %mul3A = arith.constant 2 : i32
    %mul3A_0 = arith.muli %arg1, %mul3A : i32
    %add3A = arith.addi %mul3A_0, %arg0 : i32
    %scan3A = arith.constant 0 : i32
    %scan3A_1 = arith.constant 0 : i32
    %scan3A_2 = arith.constant 128 : i32
    %scan3A_3 = arith.addi %scan3A_1, %scan3A_2 : i32
    %scan3A_4 = arith.constant 1 : i32
    %scan3A_5 = scf.for %scan3A_59 = %scan3A_1 to %scan3A_3 step %scan3A_4 iter_args(%scan3A_60 = %scan3A) -> (i32)  : i32 {
      %broadcast_in_dim3A = arith.constant 0.000000e+00 : f32
      %broadcast_in_dim3A_61 = vector.broadcast %broadcast_in_dim3A : f32 to vector<16xf32>
      %swap3A = arith.index_cast %scan3A_59 : i32 to index
      %swap3A_62 = arith.constant 0 : index
      %swap3A_63 = tpu.vector_load %arg9[%swap3A, %swap3A_62] {strides = array<i32>} : memref<128x64xf32, #tpu.memory_space<vmem>>, vector<1x16xf32>,
      %swap3A_64 = vector.shape_cast %swap3A_63 : vector<1x16xf32> to vector<16xf32>
      %swap3A_65 = vector.shape_cast %broadcast_in_dim3A_61 : vector<16xf32> to vector<1x16xf32>
      tpu.vector_store %arg9[%swap3A, %swap3A_62], %swap3A_65 {strides = array<i32>} : memref<128x64xf32, #tpu.memory_space<vmem>>, vector<1x16xf32>,
      %broadcast_in_dim3A_66 = arith.constant 0.000000e+00 : f32
      %broadcast_in_dim3A_67 = vector.broadcast %broadcast_in_dim3A_66 : f32 to vector<16xf32>
      %swap3A_68 = arith.index_cast %scan3A_59 : i32 to index
      %swap3A_69 = arith.constant 16 : index
      %swap3A_70 = tpu.vector_load %arg9[%swap3A_68, %swap3A_69] {strides = array<i32>} : memref<128x64xf32, #tpu.memory_space<vmem>>, vector<1x16xf32>,
      %swap3A_71 = vector.shape_cast %swap3A_70 : vector<1x16xf32> to vector<16xf32>
      %swap3A_72 = vector.shape_cast %broadcast_in_dim3A_67 : vector<16xf32> to vector<1x16xf32>
      tpu.vector_store %arg9[%swap3A_68, %swap3A_69], %swap3A_72 {strides = array<i32>} : memref<128x64xf32, #tpu.memory_space<vmem>>, vector<1x16xf32>,
      %broadcast_in_dim3A_73 = arith.constant 0.000000e+00 : f32
      %broadcast_in_dim3A_74 = vector.broadcast %broadcast_in_dim3A_73 : f32 to vector<16xf32>
      %swap3A_75 = arith.index_cast %scan3A_59 : i32 to index
      %swap3A_76 = arith.constant 32 : index
      %swap3A_77 = tpu.vector_load %arg9[%swap3A_75, %swap3A_76] {strides = array<i32>} : memref<128x64xf32, #tpu.memory_space<vmem>>, vector<1x16xf32>,
      %swap3A_78 = vector.shape_cast %swap3A_77 : vector<1x16xf32> to vector<16xf32>
      %swap3A_79 = vector.shape_cast %broadcast_in_dim3A_74 : vector<16xf32> to vector<1x16xf32>
      tpu.vector_store %arg9[%swap3A_75, %swap3A_76], %swap3A_79 {strides = array<i32>} : memref<128x64xf32, #tpu.memory_space<vmem>>, vector<1x16xf32>,
      %broadcast_in_dim3A_80 = arith.constant 0.000000e+00 : f32
      %broadcast_in_dim3A_81 = vector.broadcast %broadcast_in_dim3A_80 : f32 to vector<16xf32>
      %swap3A_82 = arith.index_cast %scan3A_59 : i32 to index
      %swap3A_83 = arith.constant 48 : index
      %swap3A_84 = tpu.vector_load %arg9[%swap3A_82, %swap3A_83] {strides = array<i32>} : memref<128x64xf32, #tpu.memory_space<vmem>>, vector<1x16xf32>,
      %swap3A_85 = vector.shape_cast %swap3A_84 : vector<1x16xf32> to vector<16xf32>
      %swap3A_86 = vector.shape_cast %broadcast_in_dim3A_81 : vector<16xf32> to vector<1x16xf32>
      tpu.vector_store %arg9[%swap3A_82, %swap3A_83], %swap3A_86 {strides = array<i32>} : memref<128x64xf32, #tpu.memory_space<vmem>>, vector<1x16xf32>,
      %scan3A_87 = arith.constant 0 : i32
      scf.yield %scan3A_87 : i32
    }
    %scan3A_6 = arith.constant 128 : i32
    %mul3A_7 = arith.constant 1280 : i32
    %mul3A_8 = arith.muli %arg1, %mul3A_7 : i32
    %add3A_9 = arith.constant 0 : i32
    %add3A_10 = arith.addi %mul3A_8, %add3A_9 : i32
    "tpu.region"() ({
      %run_scoped3A = tpu.sem_alloc : memref<!tpu.dma_semaphore, #tpu.memory_space<semaphore_mem>>
      %dma_start3A = arith.constant 0 : i32
      %dma_start3A_59 = tpu.memref_slice %arg10[%add3A_10, %dma_start3A] : memref<20480x64xf32, #tpu.memory_space<vmem_shared>> -> memref<128x64xf32, #tpu.memory_space<vmem_shared>>
      %dma_start3A_60 = arith.constant 0 : i32
      %dma_start3A_61 = tpu.memref_slice %arg10[%add3A_10, %dma_start3A_60] : memref<20480x64xf32, #tpu.memory_space<vmem_shared>> -> memref<128x64xf32, #tpu.memory_space<vmem_shared>>
      tpu.enqueue_dma source(%arg9 : memref<128x64xf32, #tpu.memory_space<vmem>>) target(%dma_start3A_61 : memref<128x64xf32, #tpu.memory_space<vmem_shared>>) target_semaphore(%run_scoped3A : memref<!tpu.dma_semaphore, #tpu.memory_space<semaphore_mem>>)
      %dma_wait3A = arith.constant 0 : i32
      %dma_wait3A_62 = tpu.memref_slice %arg10[%add3A_10, %dma_wait3A] : memref<20480x64xf32, #tpu.memory_space<vmem_shared>> -> memref<128x64xf32, #tpu.memory_space<vmem_shared>>
      %dma_wait3A_63 = arith.constant 0 : i32
      %dma_wait3A_64 = tpu.memref_slice %arg10[%add3A_10, %dma_wait3A_63] : memref<20480x64xf32, #tpu.memory_space<vmem_shared>> -> memref<128x64xf32, #tpu.memory_space<vmem_shared>>
      tpu.wait_dma2 semaphore(%run_scoped3A : memref<!tpu.dma_semaphore, #tpu.memory_space<semaphore_mem>>) src(%arg9 : memref<128x64xf32, #tpu.memory_space<vmem>>) dst(%dma_wait3A_64 : memref<128x64xf32, #tpu.memory_space<vmem_shared>>)
      tpu.yield
    }) : () -> ()
    %mul3A_11 = arith.constant 1280 : i32
    %mul3A_12 = arith.muli %arg1, %mul3A_11 : i32
    %add3A_13 = arith.constant 128 : i32
    %add3A_14 = arith.addi %mul3A_12, %add3A_13 : i32
    "tpu.region"() ({
      %run_scoped3A = tpu.sem_alloc : memref<!tpu.dma_semaphore, #tpu.memory_space<semaphore_mem>>
      %dma_start3A = arith.constant 0 : i32
      %dma_start3A_59 = tpu.memref_slice %arg10[%add3A_14, %dma_start3A] : memref<20480x64xf32, #tpu.memory_space<vmem_shared>> -> memref<128x64xf32, #tpu.memory_space<vmem_shared>>
      %dma_start3A_60 = arith.constant 0 : i32
      %dma_start3A_61 = tpu.memref_slice %arg10[%add3A_14, %dma_start3A_60] : memref<20480x64xf32, #tpu.memory_space<vmem_shared>> -> memref<128x64xf32, #tpu.memory_space<vmem_shared>>
      tpu.enqueue_dma source(%arg9 : memref<128x64xf32, #tpu.memory_space<vmem>>) target(%dma_start3A_61 : memref<128x64xf32, #tpu.memory_space<vmem_shared>>) target_semaphore(%run_scoped3A : memref<!tpu.dma_semaphore, #tpu.memory_space<semaphore_mem>>)
      %dma_wait3A = arith.constant 0 : i32
      %dma_wait3A_62 = tpu.memref_slice %arg10[%add3A_14, %dma_wait3A] : memref<20480x64xf32, #tpu.memory_space<vmem_shared>> -> memref<128x64xf32, #tpu.memory_space<vmem_shared>>
      %dma_wait3A_63 = arith.constant 0 : i32
      %dma_wait3A_64 = tpu.memref_slice %arg10[%add3A_14, %dma_wait3A_63] : memref<20480x64xf32, #tpu.memory_space<vmem_shared>> -> memref<128x64xf32, #tpu.memory_space<vmem_shared>>
      tpu.wait_dma2 semaphore(%run_scoped3A : memref<!tpu.dma_semaphore, #tpu.memory_space<semaphore_mem>>) src(%arg9 : memref<128x64xf32, #tpu.memory_space<vmem>>) dst(%dma_wait3A_64 : memref<128x64xf32, #tpu.memory_space<vmem_shared>>)
      tpu.yield
    }) : () -> ()
    %mul3A_15 = arith.constant 1280 : i32
    %mul3A_16 = arith.muli %arg1, %mul3A_15 : i32
    %add3A_17 = arith.constant 256 : i32
    %add3A_18 = arith.addi %mul3A_16, %add3A_17 : i32
    "tpu.region"() ({
      %run_scoped3A = tpu.sem_alloc : memref<!tpu.dma_semaphore, #tpu.memory_space<semaphore_mem>>
      %dma_start3A = arith.constant 0 : i32
      %dma_start3A_59 = tpu.memref_slice %arg10[%add3A_18, %dma_start3A] : memref<20480x64xf32, #tpu.memory_space<vmem_shared>> -> memref<128x64xf32, #tpu.memory_space<vmem_shared>>
      %dma_start3A_60 = arith.constant 0 : i32
      %dma_start3A_61 = tpu.memref_slice %arg10[%add3A_18, %dma_start3A_60] : memref<20480x64xf32, #tpu.memory_space<vmem_shared>> -> memref<128x64xf32, #tpu.memory_space<vmem_shared>>
      tpu.enqueue_dma source(%arg9 : memref<128x64xf32, #tpu.memory_space<vmem>>) target(%dma_start3A_61 : memref<128x64xf32, #tpu.memory_space<vmem_shared>>) target_semaphore(%run_scoped3A : memref<!tpu.dma_semaphore, #tpu.memory_space<semaphore_mem>>)
      %dma_wait3A = arith.constant 0 : i32
      %dma_wait3A_62 = tpu.memref_slice %arg10[%add3A_18, %dma_wait3A] : memref<20480x64xf32, #tpu.memory_space<vmem_shared>> -> memref<128x64xf32, #tpu.memory_space<vmem_shared>>
      %dma_wait3A_63 = arith.constant 0 : i32
      %dma_wait3A_64 = tpu.memref_slice %arg10[%add3A_18, %dma_wait3A_63] : memref<20480x64xf32, #tpu.memory_space<vmem_shared>> -> memref<128x64xf32, #tpu.memory_space<vmem_shared>>
      tpu.wait_dma2 semaphore(%run_scoped3A : memref<!tpu.dma_semaphore, #tpu.memory_space<semaphore_mem>>) src(%arg9 : memref<128x64xf32, #tpu.memory_space<vmem>>) dst(%dma_wait3A_64 : memref<128x64xf32, #tpu.memory_space<vmem_shared>>)
      tpu.yield
    }) : () -> ()
    %mul3A_19 = arith.constant 1280 : i32
    %mul3A_20 = arith.muli %arg1, %mul3A_19 : i32
    %add3A_21 = arith.constant 384 : i32
    %add3A_22 = arith.addi %mul3A_20, %add3A_21 : i32
    "tpu.region"() ({
      %run_scoped3A = tpu.sem_alloc : memref<!tpu.dma_semaphore, #tpu.memory_space<semaphore_mem>>
      %dma_start3A = arith.constant 0 : i32
      %dma_start3A_59 = tpu.memref_slice %arg10[%add3A_22, %dma_start3A] : memref<20480x64xf32, #tpu.memory_space<vmem_shared>> -> memref<128x64xf32, #tpu.memory_space<vmem_shared>>
      %dma_start3A_60 = arith.constant 0 : i32
      %dma_start3A_61 = tpu.memref_slice %arg10[%add3A_22, %dma_start3A_60] : memref<20480x64xf32, #tpu.memory_space<vmem_shared>> -> memref<128x64xf32, #tpu.memory_space<vmem_shared>>
      tpu.enqueue_dma source(%arg9 : memref<128x64xf32, #tpu.memory_space<vmem>>) target(%dma_start3A_61 : memref<128x64xf32, #tpu.memory_space<vmem_shared>>) target_semaphore(%run_scoped3A : memref<!tpu.dma_semaphore, #tpu.memory_space<semaphore_mem>>)
      %dma_wait3A = arith.constant 0 : i32
      %dma_wait3A_62 = tpu.memref_slice %arg10[%add3A_22, %dma_wait3A] : memref<20480x64xf32, #tpu.memory_space<vmem_shared>> -> memref<128x64xf32, #tpu.memory_space<vmem_shared>>
      %dma_wait3A_63 = arith.constant 0 : i32
      %dma_wait3A_64 = tpu.memref_slice %arg10[%add3A_22, %dma_wait3A_63] : memref<20480x64xf32, #tpu.memory_space<vmem_shared>> -> memref<128x64xf32, #tpu.memory_space<vmem_shared>>
      tpu.wait_dma2 semaphore(%run_scoped3A : memref<!tpu.dma_semaphore, #tpu.memory_space<semaphore_mem>>) src(%arg9 : memref<128x64xf32, #tpu.memory_space<vmem>>) dst(%dma_wait3A_64 : memref<128x64xf32, #tpu.memory_space<vmem_shared>>)
      tpu.yield
    }) : () -> ()
    %mul3A_23 = arith.constant 1280 : i32
    %mul3A_24 = arith.muli %arg1, %mul3A_23 : i32
    %add3A_25 = arith.constant 512 : i32
    %add3A_26 = arith.addi %mul3A_24, %add3A_25 : i32
    "tpu.region"() ({
      %run_scoped3A = tpu.sem_alloc : memref<!tpu.dma_semaphore, #tpu.memory_space<semaphore_mem>>
      %dma_start3A = arith.constant 0 : i32
      %dma_start3A_59 = tpu.memref_slice %arg10[%add3A_26, %dma_start3A] : memref<20480x64xf32, #tpu.memory_space<vmem_shared>> -> memref<128x64xf32, #tpu.memory_space<vmem_shared>>
      %dma_start3A_60 = arith.constant 0 : i32
      %dma_start3A_61 = tpu.memref_slice %arg10[%add3A_26, %dma_start3A_60] : memref<20480x64xf32, #tpu.memory_space<vmem_shared>> -> memref<128x64xf32, #tpu.memory_space<vmem_shared>>
      tpu.enqueue_dma source(%arg9 : memref<128x64xf32, #tpu.memory_space<vmem>>) target(%dma_start3A_61 : memref<128x64xf32, #tpu.memory_space<vmem_shared>>) target_semaphore(%run_scoped3A : memref<!tpu.dma_semaphore, #tpu.memory_space<semaphore_mem>>)
      %dma_wait3A = arith.constant 0 : i32
      %dma_wait3A_62 = tpu.memref_slice %arg10[%add3A_26, %dma_wait3A] : memref<20480x64xf32, #tpu.memory_space<vmem_shared>> -> memref<128x64xf32, #tpu.memory_space<vmem_shared>>
      %dma_wait3A_63 = arith.constant 0 : i32
      %dma_wait3A_64 = tpu.memref_slice %arg10[%add3A_26, %dma_wait3A_63] : memref<20480x64xf32, #tpu.memory_space<vmem_shared>> -> memref<128x64xf32, #tpu.memory_space<vmem_shared>>
      tpu.wait_dma2 semaphore(%run_scoped3A : memref<!tpu.dma_semaphore, #tpu.memory_space<semaphore_mem>>) src(%arg9 : memref<128x64xf32, #tpu.memory_space<vmem>>) dst(%dma_wait3A_64 : memref<128x64xf32, #tpu.memory_space<vmem_shared>>)
      tpu.yield
    }) : () -> ()
    %mul3A_27 = arith.constant 1280 : i32
    %mul3A_28 = arith.muli %arg1, %mul3A_27 : i32
    %add3A_29 = arith.constant 640 : i32
    %add3A_30 = arith.addi %mul3A_28, %add3A_29 : i32
    "tpu.region"() ({
      %run_scoped3A = tpu.sem_alloc : memref<!tpu.dma_semaphore, #tpu.memory_space<semaphore_mem>>
      %dma_start3A = arith.constant 0 : i32
      %dma_start3A_59 = tpu.memref_slice %arg10[%add3A_30, %dma_start3A] : memref<20480x64xf32, #tpu.memory_space<vmem_shared>> -> memref<128x64xf32, #tpu.memory_space<vmem_shared>>
      %dma_start3A_60 = arith.constant 0 : i32
      %dma_start3A_61 = tpu.memref_slice %arg10[%add3A_30, %dma_start3A_60] : memref<20480x64xf32, #tpu.memory_space<vmem_shared>> -> memref<128x64xf32, #tpu.memory_space<vmem_shared>>
      tpu.enqueue_dma source(%arg9 : memref<128x64xf32, #tpu.memory_space<vmem>>) target(%dma_start3A_61 : memref<128x64xf32, #tpu.memory_space<vmem_shared>>) target_semaphore(%run_scoped3A : memref<!tpu.dma_semaphore, #tpu.memory_space<semaphore_mem>>)
      %dma_wait3A = arith.constant 0 : i32
      %dma_wait3A_62 = tpu.memref_slice %arg10[%add3A_30, %dma_wait3A] : memref<20480x64xf32, #tpu.memory_space<vmem_shared>> -> memref<128x64xf32, #tpu.memory_space<vmem_shared>>
      %dma_wait3A_63 = arith.constant 0 : i32
      %dma_wait3A_64 = tpu.memref_slice %arg10[%add3A_30, %dma_wait3A_63] : memref<20480x64xf32, #tpu.memory_space<vmem_shared>> -> memref<128x64xf32, #tpu.memory_space<vmem_shared>>
      tpu.wait_dma2 semaphore(%run_scoped3A : memref<!tpu.dma_semaphore, #tpu.memory_space<semaphore_mem>>) src(%arg9 : memref<128x64xf32, #tpu.memory_space<vmem>>) dst(%dma_wait3A_64 : memref<128x64xf32, #tpu.memory_space<vmem_shared>>)
      tpu.yield
    }) : () -> ()
    %mul3A_31 = arith.constant 1280 : i32
    %mul3A_32 = arith.muli %arg1, %mul3A_31 : i32
    %add3A_33 = arith.constant 768 : i32
    %add3A_34 = arith.addi %mul3A_32, %add3A_33 : i32
    "tpu.region"() ({
      %run_scoped3A = tpu.sem_alloc : memref<!tpu.dma_semaphore, #tpu.memory_space<semaphore_mem>>
      %dma_start3A = arith.constant 0 : i32
      %dma_start3A_59 = tpu.memref_slice %arg10[%add3A_34, %dma_start3A] : memref<20480x64xf32, #tpu.memory_space<vmem_shared>> -> memref<128x64xf32, #tpu.memory_space<vmem_shared>>
      %dma_start3A_60 = arith.constant 0 : i32
      %dma_start3A_61 = tpu.memref_slice %arg10[%add3A_34, %dma_start3A_60] : memref<20480x64xf32, #tpu.memory_space<vmem_shared>> -> memref<128x64xf32, #tpu.memory_space<vmem_shared>>
      tpu.enqueue_dma source(%arg9 : memref<128x64xf32, #tpu.memory_space<vmem>>) target(%dma_start3A_61 : memref<128x64xf32, #tpu.memory_space<vmem_shared>>) target_semaphore(%run_scoped3A : memref<!tpu.dma_semaphore, #tpu.memory_space<semaphore_mem>>)
      %dma_wait3A = arith.constant 0 : i32
      %dma_wait3A_62 = tpu.memref_slice %arg10[%add3A_34, %dma_wait3A] : memref<20480x64xf32, #tpu.memory_space<vmem_shared>> -> memref<128x64xf32, #tpu.memory_space<vmem_shared>>
      %dma_wait3A_63 = arith.constant 0 : i32
      %dma_wait3A_64 = tpu.memref_slice %arg10[%add3A_34, %dma_wait3A_63] : memref<20480x64xf32, #tpu.memory_space<vmem_shared>> -> memref<128x64xf32, #tpu.memory_space<vmem_shared>>
      tpu.wait_dma2 semaphore(%run_scoped3A : memref<!tpu.dma_semaphore, #tpu.memory_space<semaphore_mem>>) src(%arg9 : memref<128x64xf32, #tpu.memory_space<vmem>>) dst(%dma_wait3A_64 : memref<128x64xf32, #tpu.memory_space<vmem_shared>>)
      tpu.yield
    }) : () -> ()
    %mul3A_35 = arith.constant 1280 : i32
    %mul3A_36 = arith.muli %arg1, %mul3A_35 : i32
    %add3A_37 = arith.constant 896 : i32
    %add3A_38 = arith.addi %mul3A_36, %add3A_37 : i32
    "tpu.region"() ({
      %run_scoped3A = tpu.sem_alloc : memref<!tpu.dma_semaphore, #tpu.memory_space<semaphore_mem>>
      %dma_start3A = arith.constant 0 : i32
      %dma_start3A_59 = tpu.memref_slice %arg10[%add3A_38, %dma_start3A] : memref<20480x64xf32, #tpu.memory_space<vmem_shared>> -> memref<128x64xf32, #tpu.memory_space<vmem_shared>>
      %dma_start3A_60 = arith.constant 0 : i32
      %dma_start3A_61 = tpu.memref_slice %arg10[%add3A_38, %dma_start3A_60] : memref<20480x64xf32, #tpu.memory_space<vmem_shared>> -> memref<128x64xf32, #tpu.memory_space<vmem_shared>>
      tpu.enqueue_dma source(%arg9 : memref<128x64xf32, #tpu.memory_space<vmem>>) target(%dma_start3A_61 : memref<128x64xf32, #tpu.memory_space<vmem_shared>>) target_semaphore(%run_scoped3A : memref<!tpu.dma_semaphore, #tpu.memory_space<semaphore_mem>>)
      %dma_wait3A = arith.constant 0 : i32
      %dma_wait3A_62 = tpu.memref_slice %arg10[%add3A_38, %dma_wait3A] : memref<20480x64xf32, #tpu.memory_space<vmem_shared>> -> memref<128x64xf32, #tpu.memory_space<vmem_shared>>
      %dma_wait3A_63 = arith.constant 0 : i32
      %dma_wait3A_64 = tpu.memref_slice %arg10[%add3A_38, %dma_wait3A_63] : memref<20480x64xf32, #tpu.memory_space<vmem_shared>> -> memref<128x64xf32, #tpu.memory_space<vmem_shared>>
      tpu.wait_dma2 semaphore(%run_scoped3A : memref<!tpu.dma_semaphore, #tpu.memory_space<semaphore_mem>>) src(%arg9 : memref<128x64xf32, #tpu.memory_space<vmem>>) dst(%dma_wait3A_64 : memref<128x64xf32, #tpu.memory_space<vmem_shared>>)
      tpu.yield
    }) : () -> ()
    %mul3A_39 = arith.constant 1280 : i32
    %mul3A_40 = arith.muli %arg1, %mul3A_39 : i32
    %add3A_41 = arith.constant 1024 : i32
    %add3A_42 = arith.addi %mul3A_40, %add3A_41 : i32
    "tpu.region"() ({
      %run_scoped3A = tpu.sem_alloc : memref<!tpu.dma_semaphore, #tpu.memory_space<semaphore_mem>>
      %dma_start3A = arith.constant 0 : i32
      %dma_start3A_59 = tpu.memref_slice %arg10[%add3A_42, %dma_start3A] : memref<20480x64xf32, #tpu.memory_space<vmem_shared>> -> memref<128x64xf32, #tpu.memory_space<vmem_shared>>
      %dma_start3A_60 = arith.constant 0 : i32
      %dma_start3A_61 = tpu.memref_slice %arg10[%add3A_42, %dma_start3A_60] : memref<20480x64xf32, #tpu.memory_space<vmem_shared>> -> memref<128x64xf32, #tpu.memory_space<vmem_shared>>
      tpu.enqueue_dma source(%arg9 : memref<128x64xf32, #tpu.memory_space<vmem>>) target(%dma_start3A_61 : memref<128x64xf32, #tpu.memory_space<vmem_shared>>) target_semaphore(%run_scoped3A : memref<!tpu.dma_semaphore, #tpu.memory_space<semaphore_mem>>)
      %dma_wait3A = arith.constant 0 : i32
      %dma_wait3A_62 = tpu.memref_slice %arg10[%add3A_42, %dma_wait3A] : memref<20480x64xf32, #tpu.memory_space<vmem_shared>> -> memref<128x64xf32, #tpu.memory_space<vmem_shared>>
      %dma_wait3A_63 = arith.constant 0 : i32
      %dma_wait3A_64 = tpu.memref_slice %arg10[%add3A_42, %dma_wait3A_63] : memref<20480x64xf32, #tpu.memory_space<vmem_shared>> -> memref<128x64xf32, #tpu.memory_space<vmem_shared>>
      tpu.wait_dma2 semaphore(%run_scoped3A : memref<!tpu.dma_semaphore, #tpu.memory_space<semaphore_mem>>) src(%arg9 : memref<128x64xf32, #tpu.memory_space<vmem>>) dst(%dma_wait3A_64 : memref<128x64xf32, #tpu.memory_space<vmem_shared>>)
      tpu.yield
    }) : () -> ()
    %mul3A_43 = arith.constant 1280 : i32
    %mul3A_44 = arith.muli %arg1, %mul3A_43 : i32
    %add3A_45 = arith.constant 1152 : i32
    %add3A_46 = arith.addi %mul3A_44, %add3A_45 : i32
    "tpu.region"() ({
      %run_scoped3A = tpu.sem_alloc : memref<!tpu.dma_semaphore, #tpu.memory_space<semaphore_mem>>
      %dma_start3A = arith.constant 0 : i32
      %dma_start3A_59 = tpu.memref_slice %arg10[%add3A_46, %dma_start3A] : memref<20480x64xf32, #tpu.memory_space<vmem_shared>> -> memref<128x64xf32, #tpu.memory_space<vmem_shared>>
      %dma_start3A_60 = arith.constant 0 : i32
      %dma_start3A_61 = tpu.memref_slice %arg10[%add3A_46, %dma_start3A_60] : memref<20480x64xf32, #tpu.memory_space<vmem_shared>> -> memref<128x64xf32, #tpu.memory_space<vmem_shared>>
      tpu.enqueue_dma source(%arg9 : memref<128x64xf32, #tpu.memory_space<vmem>>) target(%dma_start3A_61 : memref<128x64xf32, #tpu.memory_space<vmem_shared>>) target_semaphore(%run_scoped3A : memref<!tpu.dma_semaphore, #tpu.memory_space<semaphore_mem>>)
      %dma_wait3A = arith.constant 0 : i32
      %dma_wait3A_62 = tpu.memref_slice %arg10[%add3A_46, %dma_wait3A] : memref<20480x64xf32, #tpu.memory_space<vmem_shared>> -> memref<128x64xf32, #tpu.memory_space<vmem_shared>>
      %dma_wait3A_63 = arith.constant 0 : i32
      %dma_wait3A_64 = tpu.memref_slice %arg10[%add3A_46, %dma_wait3A_63] : memref<20480x64xf32, #tpu.memory_space<vmem_shared>> -> memref<128x64xf32, #tpu.memory_space<vmem_shared>>
      tpu.wait_dma2 semaphore(%run_scoped3A : memref<!tpu.dma_semaphore, #tpu.memory_space<semaphore_mem>>) src(%arg9 : memref<128x64xf32, #tpu.memory_space<vmem>>) dst(%dma_wait3A_64 : memref<128x64xf32, #tpu.memory_space<vmem_shared>>)
      tpu.yield
    }) : () -> ()
    %barrier3A = arith.constant 0 : index
    tpu.barrier barrier_id(%barrier3A)
    %scan3A_47 = arith.constant 0 : i32
    %scan3A_48 = arith.constant 0 : i32
    %scan3A_49 = arith.constant 250 : i32
    %scan3A_50 = arith.addi %scan3A_48, %scan3A_49 : i32
    %scan3A_51 = arith.constant 1 : i32
    %scan3A_52 = scf.for %scan3A_59 = %scan3A_48 to %scan3A_50 step %scan3A_51 iter_args(%scan3A_60 = %scan3A_47) -> (i32)  : i32 {
      %mul3A_61 = arith.constant 20000 : i32
      %mul3A_62 = arith.muli %add3A, %mul3A_61 : i32
      %mul3A_63 = arith.constant 80 : i32
      %mul3A_64 = arith.muli %scan3A_59, %mul3A_63 : i32
      %add3A_65 = arith.addi %mul3A_62, %mul3A_64 : i32
      "tpu.region"() ({
        %run_scoped3A = tpu.sem_alloc : memref<!tpu.dma_semaphore, #tpu.memory_space<semaphore_mem>>
        %dma_start3A = tpu.memref_slice %arg3[%add3A_65] : memref<640000xi32, #tpu.memory_space<hbm>> -> memref<80xi32, #tpu.memory_space<hbm>>
        %dma_start3A_72 = tpu.memref_slice %arg3[%add3A_65] : memref<640000xi32, #tpu.memory_space<hbm>> -> memref<80xi32, #tpu.memory_space<hbm>>
        tpu.enqueue_dma source(%dma_start3A_72 : memref<80xi32, #tpu.memory_space<hbm>>) target(%arg6 : memref<80xi32, #tpu.memory_space<vmem>>) target_semaphore(%run_scoped3A : memref<!tpu.dma_semaphore, #tpu.memory_space<semaphore_mem>>)
        %dma_wait3A = tpu.memref_slice %arg3[%add3A_65] : memref<640000xi32, #tpu.memory_space<hbm>> -> memref<80xi32, #tpu.memory_space<hbm>>
        %dma_wait3A_73 = tpu.memref_slice %arg3[%add3A_65] : memref<640000xi32, #tpu.memory_space<hbm>> -> memref<80xi32, #tpu.memory_space<hbm>>
        tpu.wait_dma2 semaphore(%run_scoped3A : memref<!tpu.dma_semaphore, #tpu.memory_space<semaphore_mem>>) src(%dma_wait3A_73 : memref<80xi32, #tpu.memory_space<hbm>>) dst(%arg6 : memref<80xi32, #tpu.memory_space<vmem>>)
        tpu.yield
      }) : () -> ()
      %mul3A_66 = arith.constant 20000 : i32
      %mul3A_67 = arith.muli %add3A, %mul3A_66 : i32
      %mul3A_68 = arith.constant 80 : i32
      %mul3A_69 = arith.muli %scan3A_59, %mul3A_68 : i32
      %add3A_70 = arith.addi %mul3A_67, %mul3A_69 : i32
      "tpu.region"() ({
        %run_scoped3A = tpu.sem_alloc : memref<!tpu.dma_semaphore, #tpu.memory_space<semaphore_mem>>
        %dma_start3A = tpu.memref_slice %arg4[%add3A_70] : memref<640000xi32, #tpu.memory_space<hbm>> -> memref<80xi32, #tpu.memory_space<hbm>>
        %dma_start3A_72 = tpu.memref_slice %arg4[%add3A_70] : memref<640000xi32, #tpu.memory_space<hbm>> -> memref<80xi32, #tpu.memory_space<hbm>>
        tpu.enqueue_dma source(%dma_start3A_72 : memref<80xi32, #tpu.memory_space<hbm>>) target(%arg7 : memref<80xi32, #tpu.memory_space<vmem>>) target_semaphore(%run_scoped3A : memref<!tpu.dma_semaphore, #tpu.memory_space<semaphore_mem>>)
        %dma_wait3A = tpu.memref_slice %arg4[%add3A_70] : memref<640000xi32, #tpu.memory_space<hbm>> -> memref<80xi32, #tpu.memory_space<hbm>>
        %dma_wait3A_73 = tpu.memref_slice %arg4[%add3A_70] : memref<640000xi32, #tpu.memory_space<hbm>> -> memref<80xi32, #tpu.memory_space<hbm>>
        tpu.wait_dma2 semaphore(%run_scoped3A : memref<!tpu.dma_semaphore, #tpu.memory_space<semaphore_mem>>) src(%dma_wait3A_73 : memref<80xi32, #tpu.memory_space<hbm>>) dst(%arg7 : memref<80xi32, #tpu.memory_space<vmem>>)
        tpu.yield
      }) : () -> ()
      "tpu.region"() ({
        %run_scoped3A = tpu.sem_alloc : memref<!tpu.dma_semaphore, #tpu.memory_space<semaphore_mem>>
        %dma_start3A = arith.constant 0 : i32
        %dma_start3A_72 = arith.constant 0 : i32
        %dma_start3A_73 = tpu.memref_slice %arg2[%dma_start3A, %dma_start3A_72] : memref<20480x64xf32, #tpu.memory_space<hbm>> -> memref<20480x64xf32, #tpu.memory_space<hbm>>
        tpu.enqueue_indirect_dma source(%dma_start3A_73 : memref<20480x64xf32, #tpu.memory_space<hbm>>) target(%arg8 : memref<80x64xf32, #tpu.memory_space<vmem>>) offsets(%arg6 : memref<80xi32, #tpu.memory_space<vmem>>) semaphore(%run_scoped3A : memref<!tpu.dma_semaphore, #tpu.memory_space<semaphore_mem>>)
        %dma_wait3A = arith.constant 0 : i32
        %dma_wait3A_74 = arith.constant 0 : i32
        %dma_wait3A_75 = tpu.memref_slice %arg2[%dma_wait3A, %dma_wait3A_74] : memref<20480x64xf32, #tpu.memory_space<hbm>> -> memref<20480x64xf32, #tpu.memory_space<hbm>>
        tpu.wait_indirect_dma semaphore(%run_scoped3A : memref<!tpu.dma_semaphore, #tpu.memory_space<semaphore_mem>>) src(%dma_wait3A_75 : memref<20480x64xf32, #tpu.memory_space<hbm>>) dst(%arg8 : memref<80x64xf32, #tpu.memory_space<vmem>>)
        tpu.yield
      }) : () -> ()
      "tpu.region"() ({
        %run_scoped3A = tpu.sem_alloc : memref<!tpu.dma_semaphore, #tpu.memory_space<semaphore_mem>>
        %dma_start3A = arith.constant 0 : i32
        %dma_start3A_72 = arith.constant 0 : i32
        %dma_start3A_73 = tpu.memref_slice %arg10[%dma_start3A, %dma_start3A_72] : memref<20480x64xf32, #tpu.memory_space<vmem_shared>> -> memref<20480x64xf32, #tpu.memory_space<vmem_shared>>
        tpu.enqueue_indirect_dma source(%arg8 : memref<80x64xf32, #tpu.memory_space<vmem>>) target(%dma_start3A_73 : memref<20480x64xf32, #tpu.memory_space<vmem_shared>>) offsets(%arg7 : memref<80xi32, #tpu.memory_space<vmem>>) semaphore(%run_scoped3A : memref<!tpu.dma_semaphore, #tpu.memory_space<semaphore_mem>>) {add = true}
        %dma_wait3A = arith.constant 0 : i32
        %dma_wait3A_74 = arith.constant 0 : i32
        %dma_wait3A_75 = tpu.memref_slice %arg10[%dma_wait3A, %dma_wait3A_74] : memref<20480x64xf32, #tpu.memory_space<vmem_shared>> -> memref<20480x64xf32, #tpu.memory_space<vmem_shared>>
        tpu.wait_indirect_dma semaphore(%run_scoped3A : memref<!tpu.dma_semaphore, #tpu.memory_space<semaphore_mem>>) src(%arg8 : memref<80x64xf32, #tpu.memory_space<vmem>>) dst(%dma_wait3A_75 : memref<20480x64xf32, #tpu.memory_space<vmem_shared>>)
        tpu.yield
      }) : () -> ()
      %scan3A_71 = arith.constant 0 : i32
      scf.yield %scan3A_71 : i32
    }
    %scan3A_53 = arith.constant 250 : i32
    %barrier3A_54 = arith.constant 0 : index
    tpu.barrier barrier_id(%barrier3A_54)
    %mul3A_55 = arith.constant 1280 : i32
    %mul3A_56 = arith.muli %arg1, %mul3A_55 : i32
    %mul3A_57 = arith.constant 1280 : i32
    %mul3A_58 = arith.muli %arg1, %mul3A_57 : i32
    "tpu.region"() ({
      %run_scoped3A = tpu.sem_alloc : memref<!tpu.dma_semaphore, #tpu.memory_space<semaphore_mem>>
      %dma_start3A = arith.constant 0 : i32
      %dma_start3A_59 = tpu.memref_slice %arg5[%arg0, %mul3A_58, %dma_start3A] : memref<2x20480x64xf32, #tpu.memory_space<hbm>> -> memref<1x1280x64xf32, #tpu.memory_space<hbm>>
      %dma_start3A_60 = tpu.memref_squeeze %dma_start3A_59 : memref<1x1280x64xf32, #tpu.memory_space<hbm>> -> memref<1280x64xf32, #tpu.memory_space<hbm>>
      %dma_start3A_61 = arith.constant 0 : i32
      %dma_start3A_62 = tpu.memref_slice %arg10[%mul3A_56, %dma_start3A_61] : memref<20480x64xf32, #tpu.memory_space<vmem_shared>> -> memref<1280x64xf32, #tpu.memory_space<vmem_shared>>
      tpu.enqueue_dma source(%dma_start3A_62 : memref<1280x64xf32, #tpu.memory_space<vmem_shared>>) target(%dma_start3A_60 : memref<1280x64xf32, #tpu.memory_space<hbm>>) target_semaphore(%run_scoped3A : memref<!tpu.dma_semaphore, #tpu.memory_space<semaphore_mem>>)
      %dma_wait3A = arith.constant 0 : i32
      %dma_wait3A_63 = tpu.memref_slice %arg5[%arg0, %mul3A_58, %dma_wait3A] : memref<2x20480x64xf32, #tpu.memory_space<hbm>> -> memref<1x1280x64xf32, #tpu.memory_space<hbm>>
      %dma_wait3A_64 = tpu.memref_squeeze %dma_wait3A_63 : memref<1x1280x64xf32, #tpu.memory_space<hbm>> -> memref<1280x64xf32, #tpu.memory_space<hbm>>
      %dma_wait3A_65 = arith.constant 0 : i32
      %dma_wait3A_66 = tpu.memref_slice %arg10[%mul3A_56, %dma_wait3A_65] : memref<20480x64xf32, #tpu.memory_space<vmem_shared>> -> memref<1280x64xf32, #tpu.memory_space<vmem_shared>>
      tpu.wait_dma2 semaphore(%run_scoped3A : memref<!tpu.dma_semaphore, #tpu.memory_space<semaphore_mem>>) src(%dma_wait3A_66 : memref<1280x64xf32, #tpu.memory_space<vmem_shared>>) dst(%dma_wait3A_64 : memref<1280x64xf32, #tpu.memory_space<hbm>>)
      tpu.yield
    }) : () -> ()
    return
  }
}

#map = affine_map<(d0, d1) -> (0)>
#map1 = affine_map<(d0, d1) -> (0, 0, 0)>
module attributes {stable_mosaic.version = 14 : i64} {
  func.func @_deg_body(%arg0: i32, %arg1: i32, %arg2: memref<640000xi32, #tpu.memory_space<hbm>>, %arg3: memref<2x20480x16xf32, #tpu.memory_space<hbm>>, %arg4: memref<80xi32, #tpu.memory_space<vmem>>, %arg5: memref<80x16xf32, #tpu.memory_space<vmem>>, %arg6: memref<128x16xf32, #tpu.memory_space<vmem>>, %arg7: memref<20480x16xf32, #tpu.memory_space<vmem_shared>>) attributes {dimension_semantics = [#tpu.dimension_semantics<core_parallel>, #tpu.dimension_semantics<subcore_parallel>], iteration_bounds = array<i64: 2, 16>, scalar_prefetch = 0 : i64, scratch_operands = 4 : i64, tpu.core_type = #tpu.core_type<sc_vector_subcore>, window_params = [{transform_indices = #map}, {transform_indices = #map1}]} {
    %mul3A = arith.constant 2 : i32
    %mul3A_0 = arith.muli %arg1, %mul3A : i32
    %add3A = arith.addi %mul3A_0, %arg0 : i32
    %scan3A = arith.constant 0 : i32
    %scan3A_1 = arith.constant 0 : i32
    %scan3A_2 = arith.constant 128 : i32
    %scan3A_3 = arith.addi %scan3A_1, %scan3A_2 : i32
    %scan3A_4 = arith.constant 1 : i32
    %scan3A_5 = scf.for %scan3A_66 = %scan3A_1 to %scan3A_3 step %scan3A_4 iter_args(%scan3A_67 = %scan3A) -> (i32)  : i32 {
      %broadcast_in_dim3A = arith.constant 0.000000e+00 : f32
      %broadcast_in_dim3A_68 = vector.broadcast %broadcast_in_dim3A : f32 to vector<16xf32>
      %swap3A = arith.index_cast %scan3A_66 : i32 to index
      %swap3A_69 = arith.constant 0 : index
      %swap3A_70 = tpu.vector_load %arg6[%swap3A, %swap3A_69] {strides = array<i32>} : memref<128x16xf32, #tpu.memory_space<vmem>>, vector<1x16xf32>,
      %swap3A_71 = vector.shape_cast %swap3A_70 : vector<1x16xf32> to vector<16xf32>
      %swap3A_72 = vector.shape_cast %broadcast_in_dim3A_68 : vector<16xf32> to vector<1x16xf32>
      tpu.vector_store %arg6[%swap3A, %swap3A_69], %swap3A_72 {strides = array<i32>} : memref<128x16xf32, #tpu.memory_space<vmem>>, vector<1x16xf32>,
      %scan3A_73 = arith.constant 0 : i32
      scf.yield %scan3A_73 : i32
    }
    %scan3A_6 = arith.constant 128 : i32
    %scan3A_7 = arith.constant 0 : i32
    %scan3A_8 = arith.constant 0 : i32
    %scan3A_9 = arith.constant 80 : i32
    %scan3A_10 = arith.addi %scan3A_8, %scan3A_9 : i32
    %scan3A_11 = arith.constant 1 : i32
    %scan3A_12 = scf.for %scan3A_66 = %scan3A_8 to %scan3A_10 step %scan3A_11 iter_args(%scan3A_67 = %scan3A_7) -> (i32)  : i32 {
      %broadcast_in_dim3A = arith.constant 1.000000e+00 : f32
      %broadcast_in_dim3A_68 = vector.broadcast %broadcast_in_dim3A : f32 to vector<16xf32>
      %swap3A = arith.index_cast %scan3A_66 : i32 to index
      %swap3A_69 = arith.constant 0 : index
      %swap3A_70 = tpu.vector_load %arg5[%swap3A, %swap3A_69] {strides = array<i32>} : memref<80x16xf32, #tpu.memory_space<vmem>>, vector<1x16xf32>,
      %swap3A_71 = vector.shape_cast %swap3A_70 : vector<1x16xf32> to vector<16xf32>
      %swap3A_72 = vector.shape_cast %broadcast_in_dim3A_68 : vector<16xf32> to vector<1x16xf32>
      tpu.vector_store %arg5[%swap3A, %swap3A_69], %swap3A_72 {strides = array<i32>} : memref<80x16xf32, #tpu.memory_space<vmem>>, vector<1x16xf32>,
      %scan3A_73 = arith.constant 0 : i32
      scf.yield %scan3A_73 : i32
    }
    %scan3A_13 = arith.constant 80 : i32
    %mul3A_14 = arith.constant 1280 : i32
    %mul3A_15 = arith.muli %arg1, %mul3A_14 : i32
    %add3A_16 = arith.constant 0 : i32
    %add3A_17 = arith.addi %mul3A_15, %add3A_16 : i32
    "tpu.region"() ({
      %run_scoped3A = tpu.sem_alloc : memref<!tpu.dma_semaphore, #tpu.memory_space<semaphore_mem>>
      %dma_start3A = arith.constant 0 : i32
      %dma_start3A_66 = tpu.memref_slice %arg7[%add3A_17, %dma_start3A] : memref<20480x16xf32, #tpu.memory_space<vmem_shared>> -> memref<128x16xf32, #tpu.memory_space<vmem_shared>>
      %dma_start3A_67 = arith.constant 0 : i32
      %dma_start3A_68 = tpu.memref_slice %arg7[%add3A_17, %dma_start3A_67] : memref<20480x16xf32, #tpu.memory_space<vmem_shared>> -> memref<128x16xf32, #tpu.memory_space<vmem_shared>>
      tpu.enqueue_dma source(%arg6 : memref<128x16xf32, #tpu.memory_space<vmem>>) target(%dma_start3A_68 : memref<128x16xf32, #tpu.memory_space<vmem_shared>>) target_semaphore(%run_scoped3A : memref<!tpu.dma_semaphore, #tpu.memory_space<semaphore_mem>>)
      %dma_wait3A = arith.constant 0 : i32
      %dma_wait3A_69 = tpu.memref_slice %arg7[%add3A_17, %dma_wait3A] : memref<20480x16xf32, #tpu.memory_space<vmem_shared>> -> memref<128x16xf32, #tpu.memory_space<vmem_shared>>
      %dma_wait3A_70 = arith.constant 0 : i32
      %dma_wait3A_71 = tpu.memref_slice %arg7[%add3A_17, %dma_wait3A_70] : memref<20480x16xf32, #tpu.memory_space<vmem_shared>> -> memref<128x16xf32, #tpu.memory_space<vmem_shared>>
      tpu.wait_dma2 semaphore(%run_scoped3A : memref<!tpu.dma_semaphore, #tpu.memory_space<semaphore_mem>>) src(%arg6 : memref<128x16xf32, #tpu.memory_space<vmem>>) dst(%dma_wait3A_71 : memref<128x16xf32, #tpu.memory_space<vmem_shared>>)
      tpu.yield
    }) : () -> ()
    %mul3A_18 = arith.constant 1280 : i32
    %mul3A_19 = arith.muli %arg1, %mul3A_18 : i32
    %add3A_20 = arith.constant 128 : i32
    %add3A_21 = arith.addi %mul3A_19, %add3A_20 : i32
    "tpu.region"() ({
      %run_scoped3A = tpu.sem_alloc : memref<!tpu.dma_semaphore, #tpu.memory_space<semaphore_mem>>
      %dma_start3A = arith.constant 0 : i32
      %dma_start3A_66 = tpu.memref_slice %arg7[%add3A_21, %dma_start3A] : memref<20480x16xf32, #tpu.memory_space<vmem_shared>> -> memref<128x16xf32, #tpu.memory_space<vmem_shared>>
      %dma_start3A_67 = arith.constant 0 : i32
      %dma_start3A_68 = tpu.memref_slice %arg7[%add3A_21, %dma_start3A_67] : memref<20480x16xf32, #tpu.memory_space<vmem_shared>> -> memref<128x16xf32, #tpu.memory_space<vmem_shared>>
      tpu.enqueue_dma source(%arg6 : memref<128x16xf32, #tpu.memory_space<vmem>>) target(%dma_start3A_68 : memref<128x16xf32, #tpu.memory_space<vmem_shared>>) target_semaphore(%run_scoped3A : memref<!tpu.dma_semaphore, #tpu.memory_space<semaphore_mem>>)
      %dma_wait3A = arith.constant 0 : i32
      %dma_wait3A_69 = tpu.memref_slice %arg7[%add3A_21, %dma_wait3A] : memref<20480x16xf32, #tpu.memory_space<vmem_shared>> -> memref<128x16xf32, #tpu.memory_space<vmem_shared>>
      %dma_wait3A_70 = arith.constant 0 : i32
      %dma_wait3A_71 = tpu.memref_slice %arg7[%add3A_21, %dma_wait3A_70] : memref<20480x16xf32, #tpu.memory_space<vmem_shared>> -> memref<128x16xf32, #tpu.memory_space<vmem_shared>>
      tpu.wait_dma2 semaphore(%run_scoped3A : memref<!tpu.dma_semaphore, #tpu.memory_space<semaphore_mem>>) src(%arg6 : memref<128x16xf32, #tpu.memory_space<vmem>>) dst(%dma_wait3A_71 : memref<128x16xf32, #tpu.memory_space<vmem_shared>>)
      tpu.yield
    }) : () -> ()
    %mul3A_22 = arith.constant 1280 : i32
    %mul3A_23 = arith.muli %arg1, %mul3A_22 : i32
    %add3A_24 = arith.constant 256 : i32
    %add3A_25 = arith.addi %mul3A_23, %add3A_24 : i32
    "tpu.region"() ({
      %run_scoped3A = tpu.sem_alloc : memref<!tpu.dma_semaphore, #tpu.memory_space<semaphore_mem>>
      %dma_start3A = arith.constant 0 : i32
      %dma_start3A_66 = tpu.memref_slice %arg7[%add3A_25, %dma_start3A] : memref<20480x16xf32, #tpu.memory_space<vmem_shared>> -> memref<128x16xf32, #tpu.memory_space<vmem_shared>>
      %dma_start3A_67 = arith.constant 0 : i32
      %dma_start3A_68 = tpu.memref_slice %arg7[%add3A_25, %dma_start3A_67] : memref<20480x16xf32, #tpu.memory_space<vmem_shared>> -> memref<128x16xf32, #tpu.memory_space<vmem_shared>>
      tpu.enqueue_dma source(%arg6 : memref<128x16xf32, #tpu.memory_space<vmem>>) target(%dma_start3A_68 : memref<128x16xf32, #tpu.memory_space<vmem_shared>>) target_semaphore(%run_scoped3A : memref<!tpu.dma_semaphore, #tpu.memory_space<semaphore_mem>>)
      %dma_wait3A = arith.constant 0 : i32
      %dma_wait3A_69 = tpu.memref_slice %arg7[%add3A_25, %dma_wait3A] : memref<20480x16xf32, #tpu.memory_space<vmem_shared>> -> memref<128x16xf32, #tpu.memory_space<vmem_shared>>
      %dma_wait3A_70 = arith.constant 0 : i32
      %dma_wait3A_71 = tpu.memref_slice %arg7[%add3A_25, %dma_wait3A_70] : memref<20480x16xf32, #tpu.memory_space<vmem_shared>> -> memref<128x16xf32, #tpu.memory_space<vmem_shared>>
      tpu.wait_dma2 semaphore(%run_scoped3A : memref<!tpu.dma_semaphore, #tpu.memory_space<semaphore_mem>>) src(%arg6 : memref<128x16xf32, #tpu.memory_space<vmem>>) dst(%dma_wait3A_71 : memref<128x16xf32, #tpu.memory_space<vmem_shared>>)
      tpu.yield
    }) : () -> ()
    %mul3A_26 = arith.constant 1280 : i32
    %mul3A_27 = arith.muli %arg1, %mul3A_26 : i32
    %add3A_28 = arith.constant 384 : i32
    %add3A_29 = arith.addi %mul3A_27, %add3A_28 : i32
    "tpu.region"() ({
      %run_scoped3A = tpu.sem_alloc : memref<!tpu.dma_semaphore, #tpu.memory_space<semaphore_mem>>
      %dma_start3A = arith.constant 0 : i32
      %dma_start3A_66 = tpu.memref_slice %arg7[%add3A_29, %dma_start3A] : memref<20480x16xf32, #tpu.memory_space<vmem_shared>> -> memref<128x16xf32, #tpu.memory_space<vmem_shared>>
      %dma_start3A_67 = arith.constant 0 : i32
      %dma_start3A_68 = tpu.memref_slice %arg7[%add3A_29, %dma_start3A_67] : memref<20480x16xf32, #tpu.memory_space<vmem_shared>> -> memref<128x16xf32, #tpu.memory_space<vmem_shared>>
      tpu.enqueue_dma source(%arg6 : memref<128x16xf32, #tpu.memory_space<vmem>>) target(%dma_start3A_68 : memref<128x16xf32, #tpu.memory_space<vmem_shared>>) target_semaphore(%run_scoped3A : memref<!tpu.dma_semaphore, #tpu.memory_space<semaphore_mem>>)
      %dma_wait3A = arith.constant 0 : i32
      %dma_wait3A_69 = tpu.memref_slice %arg7[%add3A_29, %dma_wait3A] : memref<20480x16xf32, #tpu.memory_space<vmem_shared>> -> memref<128x16xf32, #tpu.memory_space<vmem_shared>>
      %dma_wait3A_70 = arith.constant 0 : i32
      %dma_wait3A_71 = tpu.memref_slice %arg7[%add3A_29, %dma_wait3A_70] : memref<20480x16xf32, #tpu.memory_space<vmem_shared>> -> memref<128x16xf32, #tpu.memory_space<vmem_shared>>
      tpu.wait_dma2 semaphore(%run_scoped3A : memref<!tpu.dma_semaphore, #tpu.memory_space<semaphore_mem>>) src(%arg6 : memref<128x16xf32, #tpu.memory_space<vmem>>) dst(%dma_wait3A_71 : memref<128x16xf32, #tpu.memory_space<vmem_shared>>)
      tpu.yield
    }) : () -> ()
    %mul3A_30 = arith.constant 1280 : i32
    %mul3A_31 = arith.muli %arg1, %mul3A_30 : i32
    %add3A_32 = arith.constant 512 : i32
    %add3A_33 = arith.addi %mul3A_31, %add3A_32 : i32
    "tpu.region"() ({
      %run_scoped3A = tpu.sem_alloc : memref<!tpu.dma_semaphore, #tpu.memory_space<semaphore_mem>>
      %dma_start3A = arith.constant 0 : i32
      %dma_start3A_66 = tpu.memref_slice %arg7[%add3A_33, %dma_start3A] : memref<20480x16xf32, #tpu.memory_space<vmem_shared>> -> memref<128x16xf32, #tpu.memory_space<vmem_shared>>
      %dma_start3A_67 = arith.constant 0 : i32
      %dma_start3A_68 = tpu.memref_slice %arg7[%add3A_33, %dma_start3A_67] : memref<20480x16xf32, #tpu.memory_space<vmem_shared>> -> memref<128x16xf32, #tpu.memory_space<vmem_shared>>
      tpu.enqueue_dma source(%arg6 : memref<128x16xf32, #tpu.memory_space<vmem>>) target(%dma_start3A_68 : memref<128x16xf32, #tpu.memory_space<vmem_shared>>) target_semaphore(%run_scoped3A : memref<!tpu.dma_semaphore, #tpu.memory_space<semaphore_mem>>)
      %dma_wait3A = arith.constant 0 : i32
      %dma_wait3A_69 = tpu.memref_slice %arg7[%add3A_33, %dma_wait3A] : memref<20480x16xf32, #tpu.memory_space<vmem_shared>> -> memref<128x16xf32, #tpu.memory_space<vmem_shared>>
      %dma_wait3A_70 = arith.constant 0 : i32
      %dma_wait3A_71 = tpu.memref_slice %arg7[%add3A_33, %dma_wait3A_70] : memref<20480x16xf32, #tpu.memory_space<vmem_shared>> -> memref<128x16xf32, #tpu.memory_space<vmem_shared>>
      tpu.wait_dma2 semaphore(%run_scoped3A : memref<!tpu.dma_semaphore, #tpu.memory_space<semaphore_mem>>) src(%arg6 : memref<128x16xf32, #tpu.memory_space<vmem>>) dst(%dma_wait3A_71 : memref<128x16xf32, #tpu.memory_space<vmem_shared>>)
      tpu.yield
    }) : () -> ()
    %mul3A_34 = arith.constant 1280 : i32
    %mul3A_35 = arith.muli %arg1, %mul3A_34 : i32
    %add3A_36 = arith.constant 640 : i32
    %add3A_37 = arith.addi %mul3A_35, %add3A_36 : i32
    "tpu.region"() ({
      %run_scoped3A = tpu.sem_alloc : memref<!tpu.dma_semaphore, #tpu.memory_space<semaphore_mem>>
      %dma_start3A = arith.constant 0 : i32
      %dma_start3A_66 = tpu.memref_slice %arg7[%add3A_37, %dma_start3A] : memref<20480x16xf32, #tpu.memory_space<vmem_shared>> -> memref<128x16xf32, #tpu.memory_space<vmem_shared>>
      %dma_start3A_67 = arith.constant 0 : i32
      %dma_start3A_68 = tpu.memref_slice %arg7[%add3A_37, %dma_start3A_67] : memref<20480x16xf32, #tpu.memory_space<vmem_shared>> -> memref<128x16xf32, #tpu.memory_space<vmem_shared>>
      tpu.enqueue_dma source(%arg6 : memref<128x16xf32, #tpu.memory_space<vmem>>) target(%dma_start3A_68 : memref<128x16xf32, #tpu.memory_space<vmem_shared>>) target_semaphore(%run_scoped3A : memref<!tpu.dma_semaphore, #tpu.memory_space<semaphore_mem>>)
      %dma_wait3A = arith.constant 0 : i32
      %dma_wait3A_69 = tpu.memref_slice %arg7[%add3A_37, %dma_wait3A] : memref<20480x16xf32, #tpu.memory_space<vmem_shared>> -> memref<128x16xf32, #tpu.memory_space<vmem_shared>>
      %dma_wait3A_70 = arith.constant 0 : i32
      %dma_wait3A_71 = tpu.memref_slice %arg7[%add3A_37, %dma_wait3A_70] : memref<20480x16xf32, #tpu.memory_space<vmem_shared>> -> memref<128x16xf32, #tpu.memory_space<vmem_shared>>
      tpu.wait_dma2 semaphore(%run_scoped3A : memref<!tpu.dma_semaphore, #tpu.memory_space<semaphore_mem>>) src(%arg6 : memref<128x16xf32, #tpu.memory_space<vmem>>) dst(%dma_wait3A_71 : memref<128x16xf32, #tpu.memory_space<vmem_shared>>)
      tpu.yield
    }) : () -> ()
    %mul3A_38 = arith.constant 1280 : i32
    %mul3A_39 = arith.muli %arg1, %mul3A_38 : i32
    %add3A_40 = arith.constant 768 : i32
    %add3A_41 = arith.addi %mul3A_39, %add3A_40 : i32
    "tpu.region"() ({
      %run_scoped3A = tpu.sem_alloc : memref<!tpu.dma_semaphore, #tpu.memory_space<semaphore_mem>>
      %dma_start3A = arith.constant 0 : i32
      %dma_start3A_66 = tpu.memref_slice %arg7[%add3A_41, %dma_start3A] : memref<20480x16xf32, #tpu.memory_space<vmem_shared>> -> memref<128x16xf32, #tpu.memory_space<vmem_shared>>
      %dma_start3A_67 = arith.constant 0 : i32
      %dma_start3A_68 = tpu.memref_slice %arg7[%add3A_41, %dma_start3A_67] : memref<20480x16xf32, #tpu.memory_space<vmem_shared>> -> memref<128x16xf32, #tpu.memory_space<vmem_shared>>
      tpu.enqueue_dma source(%arg6 : memref<128x16xf32, #tpu.memory_space<vmem>>) target(%dma_start3A_68 : memref<128x16xf32, #tpu.memory_space<vmem_shared>>) target_semaphore(%run_scoped3A : memref<!tpu.dma_semaphore, #tpu.memory_space<semaphore_mem>>)
      %dma_wait3A = arith.constant 0 : i32
      %dma_wait3A_69 = tpu.memref_slice %arg7[%add3A_41, %dma_wait3A] : memref<20480x16xf32, #tpu.memory_space<vmem_shared>> -> memref<128x16xf32, #tpu.memory_space<vmem_shared>>
      %dma_wait3A_70 = arith.constant 0 : i32
      %dma_wait3A_71 = tpu.memref_slice %arg7[%add3A_41, %dma_wait3A_70] : memref<20480x16xf32, #tpu.memory_space<vmem_shared>> -> memref<128x16xf32, #tpu.memory_space<vmem_shared>>
      tpu.wait_dma2 semaphore(%run_scoped3A : memref<!tpu.dma_semaphore, #tpu.memory_space<semaphore_mem>>) src(%arg6 : memref<128x16xf32, #tpu.memory_space<vmem>>) dst(%dma_wait3A_71 : memref<128x16xf32, #tpu.memory_space<vmem_shared>>)
      tpu.yield
    }) : () -> ()
    %mul3A_42 = arith.constant 1280 : i32
    %mul3A_43 = arith.muli %arg1, %mul3A_42 : i32
    %add3A_44 = arith.constant 896 : i32
    %add3A_45 = arith.addi %mul3A_43, %add3A_44 : i32
    "tpu.region"() ({
      %run_scoped3A = tpu.sem_alloc : memref<!tpu.dma_semaphore, #tpu.memory_space<semaphore_mem>>
      %dma_start3A = arith.constant 0 : i32
      %dma_start3A_66 = tpu.memref_slice %arg7[%add3A_45, %dma_start3A] : memref<20480x16xf32, #tpu.memory_space<vmem_shared>> -> memref<128x16xf32, #tpu.memory_space<vmem_shared>>
      %dma_start3A_67 = arith.constant 0 : i32
      %dma_start3A_68 = tpu.memref_slice %arg7[%add3A_45, %dma_start3A_67] : memref<20480x16xf32, #tpu.memory_space<vmem_shared>> -> memref<128x16xf32, #tpu.memory_space<vmem_shared>>
      tpu.enqueue_dma source(%arg6 : memref<128x16xf32, #tpu.memory_space<vmem>>) target(%dma_start3A_68 : memref<128x16xf32, #tpu.memory_space<vmem_shared>>) target_semaphore(%run_scoped3A : memref<!tpu.dma_semaphore, #tpu.memory_space<semaphore_mem>>)
      %dma_wait3A = arith.constant 0 : i32
      %dma_wait3A_69 = tpu.memref_slice %arg7[%add3A_45, %dma_wait3A] : memref<20480x16xf32, #tpu.memory_space<vmem_shared>> -> memref<128x16xf32, #tpu.memory_space<vmem_shared>>
      %dma_wait3A_70 = arith.constant 0 : i32
      %dma_wait3A_71 = tpu.memref_slice %arg7[%add3A_45, %dma_wait3A_70] : memref<20480x16xf32, #tpu.memory_space<vmem_shared>> -> memref<128x16xf32, #tpu.memory_space<vmem_shared>>
      tpu.wait_dma2 semaphore(%run_scoped3A : memref<!tpu.dma_semaphore, #tpu.memory_space<semaphore_mem>>) src(%arg6 : memref<128x16xf32, #tpu.memory_space<vmem>>) dst(%dma_wait3A_71 : memref<128x16xf32, #tpu.memory_space<vmem_shared>>)
      tpu.yield
    }) : () -> ()
    %mul3A_46 = arith.constant 1280 : i32
    %mul3A_47 = arith.muli %arg1, %mul3A_46 : i32
    %add3A_48 = arith.constant 1024 : i32
    %add3A_49 = arith.addi %mul3A_47, %add3A_48 : i32
    "tpu.region"() ({
      %run_scoped3A = tpu.sem_alloc : memref<!tpu.dma_semaphore, #tpu.memory_space<semaphore_mem>>
      %dma_start3A = arith.constant 0 : i32
      %dma_start3A_66 = tpu.memref_slice %arg7[%add3A_49, %dma_start3A] : memref<20480x16xf32, #tpu.memory_space<vmem_shared>> -> memref<128x16xf32, #tpu.memory_space<vmem_shared>>
      %dma_start3A_67 = arith.constant 0 : i32
      %dma_start3A_68 = tpu.memref_slice %arg7[%add3A_49, %dma_start3A_67] : memref<20480x16xf32, #tpu.memory_space<vmem_shared>> -> memref<128x16xf32, #tpu.memory_space<vmem_shared>>
      tpu.enqueue_dma source(%arg6 : memref<128x16xf32, #tpu.memory_space<vmem>>) target(%dma_start3A_68 : memref<128x16xf32, #tpu.memory_space<vmem_shared>>) target_semaphore(%run_scoped3A : memref<!tpu.dma_semaphore, #tpu.memory_space<semaphore_mem>>)
      %dma_wait3A = arith.constant 0 : i32
      %dma_wait3A_69 = tpu.memref_slice %arg7[%add3A_49, %dma_wait3A] : memref<20480x16xf32, #tpu.memory_space<vmem_shared>> -> memref<128x16xf32, #tpu.memory_space<vmem_shared>>
      %dma_wait3A_70 = arith.constant 0 : i32
      %dma_wait3A_71 = tpu.memref_slice %arg7[%add3A_49, %dma_wait3A_70] : memref<20480x16xf32, #tpu.memory_space<vmem_shared>> -> memref<128x16xf32, #tpu.memory_space<vmem_shared>>
      tpu.wait_dma2 semaphore(%run_scoped3A : memref<!tpu.dma_semaphore, #tpu.memory_space<semaphore_mem>>) src(%arg6 : memref<128x16xf32, #tpu.memory_space<vmem>>) dst(%dma_wait3A_71 : memref<128x16xf32, #tpu.memory_space<vmem_shared>>)
      tpu.yield
    }) : () -> ()
    %mul3A_50 = arith.constant 1280 : i32
    %mul3A_51 = arith.muli %arg1, %mul3A_50 : i32
    %add3A_52 = arith.constant 1152 : i32
    %add3A_53 = arith.addi %mul3A_51, %add3A_52 : i32
    "tpu.region"() ({
      %run_scoped3A = tpu.sem_alloc : memref<!tpu.dma_semaphore, #tpu.memory_space<semaphore_mem>>
      %dma_start3A = arith.constant 0 : i32
      %dma_start3A_66 = tpu.memref_slice %arg7[%add3A_53, %dma_start3A] : memref<20480x16xf32, #tpu.memory_space<vmem_shared>> -> memref<128x16xf32, #tpu.memory_space<vmem_shared>>
      %dma_start3A_67 = arith.constant 0 : i32
      %dma_start3A_68 = tpu.memref_slice %arg7[%add3A_53, %dma_start3A_67] : memref<20480x16xf32, #tpu.memory_space<vmem_shared>> -> memref<128x16xf32, #tpu.memory_space<vmem_shared>>
      tpu.enqueue_dma source(%arg6 : memref<128x16xf32, #tpu.memory_space<vmem>>) target(%dma_start3A_68 : memref<128x16xf32, #tpu.memory_space<vmem_shared>>) target_semaphore(%run_scoped3A : memref<!tpu.dma_semaphore, #tpu.memory_space<semaphore_mem>>)
      %dma_wait3A = arith.constant 0 : i32
      %dma_wait3A_69 = tpu.memref_slice %arg7[%add3A_53, %dma_wait3A] : memref<20480x16xf32, #tpu.memory_space<vmem_shared>> -> memref<128x16xf32, #tpu.memory_space<vmem_shared>>
      %dma_wait3A_70 = arith.constant 0 : i32
      %dma_wait3A_71 = tpu.memref_slice %arg7[%add3A_53, %dma_wait3A_70] : memref<20480x16xf32, #tpu.memory_space<vmem_shared>> -> memref<128x16xf32, #tpu.memory_space<vmem_shared>>
      tpu.wait_dma2 semaphore(%run_scoped3A : memref<!tpu.dma_semaphore, #tpu.memory_space<semaphore_mem>>) src(%arg6 : memref<128x16xf32, #tpu.memory_space<vmem>>) dst(%dma_wait3A_71 : memref<128x16xf32, #tpu.memory_space<vmem_shared>>)
      tpu.yield
    }) : () -> ()
    %barrier3A = arith.constant 0 : index
    tpu.barrier barrier_id(%barrier3A)
    %scan3A_54 = arith.constant 0 : i32
    %scan3A_55 = arith.constant 0 : i32
    %scan3A_56 = arith.constant 250 : i32
    %scan3A_57 = arith.addi %scan3A_55, %scan3A_56 : i32
    %scan3A_58 = arith.constant 1 : i32
    %scan3A_59 = scf.for %scan3A_66 = %scan3A_55 to %scan3A_57 step %scan3A_58 iter_args(%scan3A_67 = %scan3A_54) -> (i32)  : i32 {
      %mul3A_68 = arith.constant 20000 : i32
      %mul3A_69 = arith.muli %add3A, %mul3A_68 : i32
      %mul3A_70 = arith.constant 80 : i32
      %mul3A_71 = arith.muli %scan3A_66, %mul3A_70 : i32
      %add3A_72 = arith.addi %mul3A_69, %mul3A_71 : i32
      "tpu.region"() ({
        %run_scoped3A = tpu.sem_alloc : memref<!tpu.dma_semaphore, #tpu.memory_space<semaphore_mem>>
        %dma_start3A = tpu.memref_slice %arg2[%add3A_72] : memref<640000xi32, #tpu.memory_space<hbm>> -> memref<80xi32, #tpu.memory_space<hbm>>
        %dma_start3A_74 = tpu.memref_slice %arg2[%add3A_72] : memref<640000xi32, #tpu.memory_space<hbm>> -> memref<80xi32, #tpu.memory_space<hbm>>
        tpu.enqueue_dma source(%dma_start3A_74 : memref<80xi32, #tpu.memory_space<hbm>>) target(%arg4 : memref<80xi32, #tpu.memory_space<vmem>>) target_semaphore(%run_scoped3A : memref<!tpu.dma_semaphore, #tpu.memory_space<semaphore_mem>>)
        %dma_wait3A = tpu.memref_slice %arg2[%add3A_72] : memref<640000xi32, #tpu.memory_space<hbm>> -> memref<80xi32, #tpu.memory_space<hbm>>
        %dma_wait3A_75 = tpu.memref_slice %arg2[%add3A_72] : memref<640000xi32, #tpu.memory_space<hbm>> -> memref<80xi32, #tpu.memory_space<hbm>>
        tpu.wait_dma2 semaphore(%run_scoped3A : memref<!tpu.dma_semaphore, #tpu.memory_space<semaphore_mem>>) src(%dma_wait3A_75 : memref<80xi32, #tpu.memory_space<hbm>>) dst(%arg4 : memref<80xi32, #tpu.memory_space<vmem>>)
        tpu.yield
      }) : () -> ()
      "tpu.region"() ({
        %run_scoped3A = tpu.sem_alloc : memref<!tpu.dma_semaphore, #tpu.memory_space<semaphore_mem>>
        %dma_start3A = arith.constant 0 : i32
        %dma_start3A_74 = arith.constant 0 : i32
        %dma_start3A_75 = tpu.memref_slice %arg7[%dma_start3A, %dma_start3A_74] : memref<20480x16xf32, #tpu.memory_space<vmem_shared>> -> memref<20480x16xf32, #tpu.memory_space<vmem_shared>>
        tpu.enqueue_indirect_dma source(%arg5 : memref<80x16xf32, #tpu.memory_space<vmem>>) target(%dma_start3A_75 : memref<20480x16xf32, #tpu.memory_space<vmem_shared>>) offsets(%arg4 : memref<80xi32, #tpu.memory_space<vmem>>) semaphore(%run_scoped3A : memref<!tpu.dma_semaphore, #tpu.memory_space<semaphore_mem>>) {add = true}
        %dma_wait3A = arith.constant 0 : i32
        %dma_wait3A_76 = arith.constant 0 : i32
        %dma_wait3A_77 = tpu.memref_slice %arg7[%dma_wait3A, %dma_wait3A_76] : memref<20480x16xf32, #tpu.memory_space<vmem_shared>> -> memref<20480x16xf32, #tpu.memory_space<vmem_shared>>
        tpu.wait_indirect_dma semaphore(%run_scoped3A : memref<!tpu.dma_semaphore, #tpu.memory_space<semaphore_mem>>) src(%arg5 : memref<80x16xf32, #tpu.memory_space<vmem>>) dst(%dma_wait3A_77 : memref<20480x16xf32, #tpu.memory_space<vmem_shared>>)
        tpu.yield
      }) : () -> ()
      %scan3A_73 = arith.constant 0 : i32
      scf.yield %scan3A_73 : i32
    }
    %scan3A_60 = arith.constant 250 : i32
    %barrier3A_61 = arith.constant 0 : index
    tpu.barrier barrier_id(%barrier3A_61)
    %mul3A_62 = arith.constant 1280 : i32
    %mul3A_63 = arith.muli %arg1, %mul3A_62 : i32
    %mul3A_64 = arith.constant 1280 : i32
    %mul3A_65 = arith.muli %arg1, %mul3A_64 : i32
    "tpu.region"() ({
      %run_scoped3A = tpu.sem_alloc : memref<!tpu.dma_semaphore, #tpu.memory_space<semaphore_mem>>
      %dma_start3A = arith.constant 0 : i32
      %dma_start3A_66 = tpu.memref_slice %arg3[%arg0, %mul3A_65, %dma_start3A] : memref<2x20480x16xf32, #tpu.memory_space<hbm>> -> memref<1x1280x16xf32, #tpu.memory_space<hbm>>
      %dma_start3A_67 = tpu.memref_squeeze %dma_start3A_66 : memref<1x1280x16xf32, #tpu.memory_space<hbm>> -> memref<1280x16xf32, #tpu.memory_space<hbm>>
      %dma_start3A_68 = arith.constant 0 : i32
      %dma_start3A_69 = tpu.memref_slice %arg7[%mul3A_63, %dma_start3A_68] : memref<20480x16xf32, #tpu.memory_space<vmem_shared>> -> memref<1280x16xf32, #tpu.memory_space<vmem_shared>>
      tpu.enqueue_dma source(%dma_start3A_69 : memref<1280x16xf32, #tpu.memory_space<vmem_shared>>) target(%dma_start3A_67 : memref<1280x16xf32, #tpu.memory_space<hbm>>) target_semaphore(%run_scoped3A : memref<!tpu.dma_semaphore, #tpu.memory_space<semaphore_mem>>)
      %dma_wait3A = arith.constant 0 : i32
      %dma_wait3A_70 = tpu.memref_slice %arg3[%arg0, %mul3A_65, %dma_wait3A] : memref<2x20480x16xf32, #tpu.memory_space<hbm>> -> memref<1x1280x16xf32, #tpu.memory_space<hbm>>
      %dma_wait3A_71 = tpu.memref_squeeze %dma_wait3A_70 : memref<1x1280x16xf32, #tpu.memory_space<hbm>> -> memref<1280x16xf32, #tpu.memory_space<hbm>>
      %dma_wait3A_72 = arith.constant 0 : i32
      %dma_wait3A_73 = tpu.memref_slice %arg7[%mul3A_63, %dma_wait3A_72] : memref<20480x16xf32, #tpu.memory_space<vmem_shared>> -> memref<1280x16xf32, #tpu.memory_space<vmem_shared>>
      tpu.wait_dma2 semaphore(%run_scoped3A : memref<!tpu.dma_semaphore, #tpu.memory_space<semaphore_mem>>) src(%dma_wait3A_73 : memref<1280x16xf32, #tpu.memory_space<vmem_shared>>) dst(%dma_wait3A_71 : memref<1280x16xf32, #tpu.memory_space<hbm>>)
      tpu.yield
    }) : () -> ()
    return
  }
}

#map = affine_map<(d0, d1) -> (0, 0)>
#map1 = affine_map<(d0, d1) -> (0)>
#map2 = affine_map<(d0, d1) -> (0, 0, 0)>
module attributes {stable_mosaic.version = 14 : i64} {
  func.func @_layer_body(%arg0: i32, %arg1: i32, %arg2: memref<20480x16xf32, #tpu.memory_space<hbm>>, %arg3: memref<640000xi32, #tpu.memory_space<hbm>>, %arg4: memref<640000xi32, #tpu.memory_space<hbm>>, %arg5: memref<2x20480x16xf32, #tpu.memory_space<hbm>>, %arg6: memref<80xi32, #tpu.memory_space<vmem>>, %arg7: memref<80xi32, #tpu.memory_space<vmem>>, %arg8: memref<80x16xf32, #tpu.memory_space<vmem>>, %arg9: memref<128x16xf32, #tpu.memory_space<vmem>>, %arg10: memref<20480x16xf32, #tpu.memory_space<vmem_shared>>) attributes {dimension_semantics = [#tpu.dimension_semantics<core_parallel>, #tpu.dimension_semantics<subcore_parallel>], iteration_bounds = array<i64: 2, 16>, scalar_prefetch = 0 : i64, scratch_operands = 5 : i64, tpu.core_type = #tpu.core_type<sc_vector_subcore>, window_params = [{transform_indices = #map}, {transform_indices = #map1}, {transform_indices = #map1}, {transform_indices = #map2}]} {
    %mul3A = arith.constant 2 : i32
    %mul3A_0 = arith.muli %arg1, %mul3A : i32
    %add3A = arith.addi %mul3A_0, %arg0 : i32
    %scan3A = arith.constant 0 : i32
    %scan3A_1 = arith.constant 0 : i32
    %scan3A_2 = arith.constant 128 : i32
    %scan3A_3 = arith.addi %scan3A_1, %scan3A_2 : i32
    %scan3A_4 = arith.constant 1 : i32
    %scan3A_5 = scf.for %scan3A_59 = %scan3A_1 to %scan3A_3 step %scan3A_4 iter_args(%scan3A_60 = %scan3A) -> (i32)  : i32 {
      %broadcast_in_dim3A = arith.constant 0.000000e+00 : f32
      %broadcast_in_dim3A_61 = vector.broadcast %broadcast_in_dim3A : f32 to vector<16xf32>
      %swap3A = arith.index_cast %scan3A_59 : i32 to index
      %swap3A_62 = arith.constant 0 : index
      %swap3A_63 = tpu.vector_load %arg9[%swap3A, %swap3A_62] {strides = array<i32>} : memref<128x16xf32, #tpu.memory_space<vmem>>, vector<1x16xf32>,
      %swap3A_64 = vector.shape_cast %swap3A_63 : vector<1x16xf32> to vector<16xf32>
      %swap3A_65 = vector.shape_cast %broadcast_in_dim3A_61 : vector<16xf32> to vector<1x16xf32>
      tpu.vector_store %arg9[%swap3A, %swap3A_62], %swap3A_65 {strides = array<i32>} : memref<128x16xf32, #tpu.memory_space<vmem>>, vector<1x16xf32>,
      %scan3A_66 = arith.constant 0 : i32
      scf.yield %scan3A_66 : i32
    }
    %scan3A_6 = arith.constant 128 : i32
    %mul3A_7 = arith.constant 1280 : i32
    %mul3A_8 = arith.muli %arg1, %mul3A_7 : i32
    %add3A_9 = arith.constant 0 : i32
    %add3A_10 = arith.addi %mul3A_8, %add3A_9 : i32
    "tpu.region"() ({
      %run_scoped3A = tpu.sem_alloc : memref<!tpu.dma_semaphore, #tpu.memory_space<semaphore_mem>>
      %dma_start3A = arith.constant 0 : i32
      %dma_start3A_59 = tpu.memref_slice %arg10[%add3A_10, %dma_start3A] : memref<20480x16xf32, #tpu.memory_space<vmem_shared>> -> memref<128x16xf32, #tpu.memory_space<vmem_shared>>
      %dma_start3A_60 = arith.constant 0 : i32
      %dma_start3A_61 = tpu.memref_slice %arg10[%add3A_10, %dma_start3A_60] : memref<20480x16xf32, #tpu.memory_space<vmem_shared>> -> memref<128x16xf32, #tpu.memory_space<vmem_shared>>
      tpu.enqueue_dma source(%arg9 : memref<128x16xf32, #tpu.memory_space<vmem>>) target(%dma_start3A_61 : memref<128x16xf32, #tpu.memory_space<vmem_shared>>) target_semaphore(%run_scoped3A : memref<!tpu.dma_semaphore, #tpu.memory_space<semaphore_mem>>)
      %dma_wait3A = arith.constant 0 : i32
      %dma_wait3A_62 = tpu.memref_slice %arg10[%add3A_10, %dma_wait3A] : memref<20480x16xf32, #tpu.memory_space<vmem_shared>> -> memref<128x16xf32, #tpu.memory_space<vmem_shared>>
      %dma_wait3A_63 = arith.constant 0 : i32
      %dma_wait3A_64 = tpu.memref_slice %arg10[%add3A_10, %dma_wait3A_63] : memref<20480x16xf32, #tpu.memory_space<vmem_shared>> -> memref<128x16xf32, #tpu.memory_space<vmem_shared>>
      tpu.wait_dma2 semaphore(%run_scoped3A : memref<!tpu.dma_semaphore, #tpu.memory_space<semaphore_mem>>) src(%arg9 : memref<128x16xf32, #tpu.memory_space<vmem>>) dst(%dma_wait3A_64 : memref<128x16xf32, #tpu.memory_space<vmem_shared>>)
      tpu.yield
    }) : () -> ()
    %mul3A_11 = arith.constant 1280 : i32
    %mul3A_12 = arith.muli %arg1, %mul3A_11 : i32
    %add3A_13 = arith.constant 128 : i32
    %add3A_14 = arith.addi %mul3A_12, %add3A_13 : i32
    "tpu.region"() ({
      %run_scoped3A = tpu.sem_alloc : memref<!tpu.dma_semaphore, #tpu.memory_space<semaphore_mem>>
      %dma_start3A = arith.constant 0 : i32
      %dma_start3A_59 = tpu.memref_slice %arg10[%add3A_14, %dma_start3A] : memref<20480x16xf32, #tpu.memory_space<vmem_shared>> -> memref<128x16xf32, #tpu.memory_space<vmem_shared>>
      %dma_start3A_60 = arith.constant 0 : i32
      %dma_start3A_61 = tpu.memref_slice %arg10[%add3A_14, %dma_start3A_60] : memref<20480x16xf32, #tpu.memory_space<vmem_shared>> -> memref<128x16xf32, #tpu.memory_space<vmem_shared>>
      tpu.enqueue_dma source(%arg9 : memref<128x16xf32, #tpu.memory_space<vmem>>) target(%dma_start3A_61 : memref<128x16xf32, #tpu.memory_space<vmem_shared>>) target_semaphore(%run_scoped3A : memref<!tpu.dma_semaphore, #tpu.memory_space<semaphore_mem>>)
      %dma_wait3A = arith.constant 0 : i32
      %dma_wait3A_62 = tpu.memref_slice %arg10[%add3A_14, %dma_wait3A] : memref<20480x16xf32, #tpu.memory_space<vmem_shared>> -> memref<128x16xf32, #tpu.memory_space<vmem_shared>>
      %dma_wait3A_63 = arith.constant 0 : i32
      %dma_wait3A_64 = tpu.memref_slice %arg10[%add3A_14, %dma_wait3A_63] : memref<20480x16xf32, #tpu.memory_space<vmem_shared>> -> memref<128x16xf32, #tpu.memory_space<vmem_shared>>
      tpu.wait_dma2 semaphore(%run_scoped3A : memref<!tpu.dma_semaphore, #tpu.memory_space<semaphore_mem>>) src(%arg9 : memref<128x16xf32, #tpu.memory_space<vmem>>) dst(%dma_wait3A_64 : memref<128x16xf32, #tpu.memory_space<vmem_shared>>)
      tpu.yield
    }) : () -> ()
    %mul3A_15 = arith.constant 1280 : i32
    %mul3A_16 = arith.muli %arg1, %mul3A_15 : i32
    %add3A_17 = arith.constant 256 : i32
    %add3A_18 = arith.addi %mul3A_16, %add3A_17 : i32
    "tpu.region"() ({
      %run_scoped3A = tpu.sem_alloc : memref<!tpu.dma_semaphore, #tpu.memory_space<semaphore_mem>>
      %dma_start3A = arith.constant 0 : i32
      %dma_start3A_59 = tpu.memref_slice %arg10[%add3A_18, %dma_start3A] : memref<20480x16xf32, #tpu.memory_space<vmem_shared>> -> memref<128x16xf32, #tpu.memory_space<vmem_shared>>
      %dma_start3A_60 = arith.constant 0 : i32
      %dma_start3A_61 = tpu.memref_slice %arg10[%add3A_18, %dma_start3A_60] : memref<20480x16xf32, #tpu.memory_space<vmem_shared>> -> memref<128x16xf32, #tpu.memory_space<vmem_shared>>
      tpu.enqueue_dma source(%arg9 : memref<128x16xf32, #tpu.memory_space<vmem>>) target(%dma_start3A_61 : memref<128x16xf32, #tpu.memory_space<vmem_shared>>) target_semaphore(%run_scoped3A : memref<!tpu.dma_semaphore, #tpu.memory_space<semaphore_mem>>)
      %dma_wait3A = arith.constant 0 : i32
      %dma_wait3A_62 = tpu.memref_slice %arg10[%add3A_18, %dma_wait3A] : memref<20480x16xf32, #tpu.memory_space<vmem_shared>> -> memref<128x16xf32, #tpu.memory_space<vmem_shared>>
      %dma_wait3A_63 = arith.constant 0 : i32
      %dma_wait3A_64 = tpu.memref_slice %arg10[%add3A_18, %dma_wait3A_63] : memref<20480x16xf32, #tpu.memory_space<vmem_shared>> -> memref<128x16xf32, #tpu.memory_space<vmem_shared>>
      tpu.wait_dma2 semaphore(%run_scoped3A : memref<!tpu.dma_semaphore, #tpu.memory_space<semaphore_mem>>) src(%arg9 : memref<128x16xf32, #tpu.memory_space<vmem>>) dst(%dma_wait3A_64 : memref<128x16xf32, #tpu.memory_space<vmem_shared>>)
      tpu.yield
    }) : () -> ()
    %mul3A_19 = arith.constant 1280 : i32
    %mul3A_20 = arith.muli %arg1, %mul3A_19 : i32
    %add3A_21 = arith.constant 384 : i32
    %add3A_22 = arith.addi %mul3A_20, %add3A_21 : i32
    "tpu.region"() ({
      %run_scoped3A = tpu.sem_alloc : memref<!tpu.dma_semaphore, #tpu.memory_space<semaphore_mem>>
      %dma_start3A = arith.constant 0 : i32
      %dma_start3A_59 = tpu.memref_slice %arg10[%add3A_22, %dma_start3A] : memref<20480x16xf32, #tpu.memory_space<vmem_shared>> -> memref<128x16xf32, #tpu.memory_space<vmem_shared>>
      %dma_start3A_60 = arith.constant 0 : i32
      %dma_start3A_61 = tpu.memref_slice %arg10[%add3A_22, %dma_start3A_60] : memref<20480x16xf32, #tpu.memory_space<vmem_shared>> -> memref<128x16xf32, #tpu.memory_space<vmem_shared>>
      tpu.enqueue_dma source(%arg9 : memref<128x16xf32, #tpu.memory_space<vmem>>) target(%dma_start3A_61 : memref<128x16xf32, #tpu.memory_space<vmem_shared>>) target_semaphore(%run_scoped3A : memref<!tpu.dma_semaphore, #tpu.memory_space<semaphore_mem>>)
      %dma_wait3A = arith.constant 0 : i32
      %dma_wait3A_62 = tpu.memref_slice %arg10[%add3A_22, %dma_wait3A] : memref<20480x16xf32, #tpu.memory_space<vmem_shared>> -> memref<128x16xf32, #tpu.memory_space<vmem_shared>>
      %dma_wait3A_63 = arith.constant 0 : i32
      %dma_wait3A_64 = tpu.memref_slice %arg10[%add3A_22, %dma_wait3A_63] : memref<20480x16xf32, #tpu.memory_space<vmem_shared>> -> memref<128x16xf32, #tpu.memory_space<vmem_shared>>
      tpu.wait_dma2 semaphore(%run_scoped3A : memref<!tpu.dma_semaphore, #tpu.memory_space<semaphore_mem>>) src(%arg9 : memref<128x16xf32, #tpu.memory_space<vmem>>) dst(%dma_wait3A_64 : memref<128x16xf32, #tpu.memory_space<vmem_shared>>)
      tpu.yield
    }) : () -> ()
    %mul3A_23 = arith.constant 1280 : i32
    %mul3A_24 = arith.muli %arg1, %mul3A_23 : i32
    %add3A_25 = arith.constant 512 : i32
    %add3A_26 = arith.addi %mul3A_24, %add3A_25 : i32
    "tpu.region"() ({
      %run_scoped3A = tpu.sem_alloc : memref<!tpu.dma_semaphore, #tpu.memory_space<semaphore_mem>>
      %dma_start3A = arith.constant 0 : i32
      %dma_start3A_59 = tpu.memref_slice %arg10[%add3A_26, %dma_start3A] : memref<20480x16xf32, #tpu.memory_space<vmem_shared>> -> memref<128x16xf32, #tpu.memory_space<vmem_shared>>
      %dma_start3A_60 = arith.constant 0 : i32
      %dma_start3A_61 = tpu.memref_slice %arg10[%add3A_26, %dma_start3A_60] : memref<20480x16xf32, #tpu.memory_space<vmem_shared>> -> memref<128x16xf32, #tpu.memory_space<vmem_shared>>
      tpu.enqueue_dma source(%arg9 : memref<128x16xf32, #tpu.memory_space<vmem>>) target(%dma_start3A_61 : memref<128x16xf32, #tpu.memory_space<vmem_shared>>) target_semaphore(%run_scoped3A : memref<!tpu.dma_semaphore, #tpu.memory_space<semaphore_mem>>)
      %dma_wait3A = arith.constant 0 : i32
      %dma_wait3A_62 = tpu.memref_slice %arg10[%add3A_26, %dma_wait3A] : memref<20480x16xf32, #tpu.memory_space<vmem_shared>> -> memref<128x16xf32, #tpu.memory_space<vmem_shared>>
      %dma_wait3A_63 = arith.constant 0 : i32
      %dma_wait3A_64 = tpu.memref_slice %arg10[%add3A_26, %dma_wait3A_63] : memref<20480x16xf32, #tpu.memory_space<vmem_shared>> -> memref<128x16xf32, #tpu.memory_space<vmem_shared>>
      tpu.wait_dma2 semaphore(%run_scoped3A : memref<!tpu.dma_semaphore, #tpu.memory_space<semaphore_mem>>) src(%arg9 : memref<128x16xf32, #tpu.memory_space<vmem>>) dst(%dma_wait3A_64 : memref<128x16xf32, #tpu.memory_space<vmem_shared>>)
      tpu.yield
    }) : () -> ()
    %mul3A_27 = arith.constant 1280 : i32
    %mul3A_28 = arith.muli %arg1, %mul3A_27 : i32
    %add3A_29 = arith.constant 640 : i32
    %add3A_30 = arith.addi %mul3A_28, %add3A_29 : i32
    "tpu.region"() ({
      %run_scoped3A = tpu.sem_alloc : memref<!tpu.dma_semaphore, #tpu.memory_space<semaphore_mem>>
      %dma_start3A = arith.constant 0 : i32
      %dma_start3A_59 = tpu.memref_slice %arg10[%add3A_30, %dma_start3A] : memref<20480x16xf32, #tpu.memory_space<vmem_shared>> -> memref<128x16xf32, #tpu.memory_space<vmem_shared>>
      %dma_start3A_60 = arith.constant 0 : i32
      %dma_start3A_61 = tpu.memref_slice %arg10[%add3A_30, %dma_start3A_60] : memref<20480x16xf32, #tpu.memory_space<vmem_shared>> -> memref<128x16xf32, #tpu.memory_space<vmem_shared>>
      tpu.enqueue_dma source(%arg9 : memref<128x16xf32, #tpu.memory_space<vmem>>) target(%dma_start3A_61 : memref<128x16xf32, #tpu.memory_space<vmem_shared>>) target_semaphore(%run_scoped3A : memref<!tpu.dma_semaphore, #tpu.memory_space<semaphore_mem>>)
      %dma_wait3A = arith.constant 0 : i32
      %dma_wait3A_62 = tpu.memref_slice %arg10[%add3A_30, %dma_wait3A] : memref<20480x16xf32, #tpu.memory_space<vmem_shared>> -> memref<128x16xf32, #tpu.memory_space<vmem_shared>>
      %dma_wait3A_63 = arith.constant 0 : i32
      %dma_wait3A_64 = tpu.memref_slice %arg10[%add3A_30, %dma_wait3A_63] : memref<20480x16xf32, #tpu.memory_space<vmem_shared>> -> memref<128x16xf32, #tpu.memory_space<vmem_shared>>
      tpu.wait_dma2 semaphore(%run_scoped3A : memref<!tpu.dma_semaphore, #tpu.memory_space<semaphore_mem>>) src(%arg9 : memref<128x16xf32, #tpu.memory_space<vmem>>) dst(%dma_wait3A_64 : memref<128x16xf32, #tpu.memory_space<vmem_shared>>)
      tpu.yield
    }) : () -> ()
    %mul3A_31 = arith.constant 1280 : i32
    %mul3A_32 = arith.muli %arg1, %mul3A_31 : i32
    %add3A_33 = arith.constant 768 : i32
    %add3A_34 = arith.addi %mul3A_32, %add3A_33 : i32
    "tpu.region"() ({
      %run_scoped3A = tpu.sem_alloc : memref<!tpu.dma_semaphore, #tpu.memory_space<semaphore_mem>>
      %dma_start3A = arith.constant 0 : i32
      %dma_start3A_59 = tpu.memref_slice %arg10[%add3A_34, %dma_start3A] : memref<20480x16xf32, #tpu.memory_space<vmem_shared>> -> memref<128x16xf32, #tpu.memory_space<vmem_shared>>
      %dma_start3A_60 = arith.constant 0 : i32
      %dma_start3A_61 = tpu.memref_slice %arg10[%add3A_34, %dma_start3A_60] : memref<20480x16xf32, #tpu.memory_space<vmem_shared>> -> memref<128x16xf32, #tpu.memory_space<vmem_shared>>
      tpu.enqueue_dma source(%arg9 : memref<128x16xf32, #tpu.memory_space<vmem>>) target(%dma_start3A_61 : memref<128x16xf32, #tpu.memory_space<vmem_shared>>) target_semaphore(%run_scoped3A : memref<!tpu.dma_semaphore, #tpu.memory_space<semaphore_mem>>)
      %dma_wait3A = arith.constant 0 : i32
      %dma_wait3A_62 = tpu.memref_slice %arg10[%add3A_34, %dma_wait3A] : memref<20480x16xf32, #tpu.memory_space<vmem_shared>> -> memref<128x16xf32, #tpu.memory_space<vmem_shared>>
      %dma_wait3A_63 = arith.constant 0 : i32
      %dma_wait3A_64 = tpu.memref_slice %arg10[%add3A_34, %dma_wait3A_63] : memref<20480x16xf32, #tpu.memory_space<vmem_shared>> -> memref<128x16xf32, #tpu.memory_space<vmem_shared>>
      tpu.wait_dma2 semaphore(%run_scoped3A : memref<!tpu.dma_semaphore, #tpu.memory_space<semaphore_mem>>) src(%arg9 : memref<128x16xf32, #tpu.memory_space<vmem>>) dst(%dma_wait3A_64 : memref<128x16xf32, #tpu.memory_space<vmem_shared>>)
      tpu.yield
    }) : () -> ()
    %mul3A_35 = arith.constant 1280 : i32
    %mul3A_36 = arith.muli %arg1, %mul3A_35 : i32
    %add3A_37 = arith.constant 896 : i32
    %add3A_38 = arith.addi %mul3A_36, %add3A_37 : i32
    "tpu.region"() ({
      %run_scoped3A = tpu.sem_alloc : memref<!tpu.dma_semaphore, #tpu.memory_space<semaphore_mem>>
      %dma_start3A = arith.constant 0 : i32
      %dma_start3A_59 = tpu.memref_slice %arg10[%add3A_38, %dma_start3A] : memref<20480x16xf32, #tpu.memory_space<vmem_shared>> -> memref<128x16xf32, #tpu.memory_space<vmem_shared>>
      %dma_start3A_60 = arith.constant 0 : i32
      %dma_start3A_61 = tpu.memref_slice %arg10[%add3A_38, %dma_start3A_60] : memref<20480x16xf32, #tpu.memory_space<vmem_shared>> -> memref<128x16xf32, #tpu.memory_space<vmem_shared>>
      tpu.enqueue_dma source(%arg9 : memref<128x16xf32, #tpu.memory_space<vmem>>) target(%dma_start3A_61 : memref<128x16xf32, #tpu.memory_space<vmem_shared>>) target_semaphore(%run_scoped3A : memref<!tpu.dma_semaphore, #tpu.memory_space<semaphore_mem>>)
      %dma_wait3A = arith.constant 0 : i32
      %dma_wait3A_62 = tpu.memref_slice %arg10[%add3A_38, %dma_wait3A] : memref<20480x16xf32, #tpu.memory_space<vmem_shared>> -> memref<128x16xf32, #tpu.memory_space<vmem_shared>>
      %dma_wait3A_63 = arith.constant 0 : i32
      %dma_wait3A_64 = tpu.memref_slice %arg10[%add3A_38, %dma_wait3A_63] : memref<20480x16xf32, #tpu.memory_space<vmem_shared>> -> memref<128x16xf32, #tpu.memory_space<vmem_shared>>
      tpu.wait_dma2 semaphore(%run_scoped3A : memref<!tpu.dma_semaphore, #tpu.memory_space<semaphore_mem>>) src(%arg9 : memref<128x16xf32, #tpu.memory_space<vmem>>) dst(%dma_wait3A_64 : memref<128x16xf32, #tpu.memory_space<vmem_shared>>)
      tpu.yield
    }) : () -> ()
    %mul3A_39 = arith.constant 1280 : i32
    %mul3A_40 = arith.muli %arg1, %mul3A_39 : i32
    %add3A_41 = arith.constant 1024 : i32
    %add3A_42 = arith.addi %mul3A_40, %add3A_41 : i32
    "tpu.region"() ({
      %run_scoped3A = tpu.sem_alloc : memref<!tpu.dma_semaphore, #tpu.memory_space<semaphore_mem>>
      %dma_start3A = arith.constant 0 : i32
      %dma_start3A_59 = tpu.memref_slice %arg10[%add3A_42, %dma_start3A] : memref<20480x16xf32, #tpu.memory_space<vmem_shared>> -> memref<128x16xf32, #tpu.memory_space<vmem_shared>>
      %dma_start3A_60 = arith.constant 0 : i32
      %dma_start3A_61 = tpu.memref_slice %arg10[%add3A_42, %dma_start3A_60] : memref<20480x16xf32, #tpu.memory_space<vmem_shared>> -> memref<128x16xf32, #tpu.memory_space<vmem_shared>>
      tpu.enqueue_dma source(%arg9 : memref<128x16xf32, #tpu.memory_space<vmem>>) target(%dma_start3A_61 : memref<128x16xf32, #tpu.memory_space<vmem_shared>>) target_semaphore(%run_scoped3A : memref<!tpu.dma_semaphore, #tpu.memory_space<semaphore_mem>>)
      %dma_wait3A = arith.constant 0 : i32
      %dma_wait3A_62 = tpu.memref_slice %arg10[%add3A_42, %dma_wait3A] : memref<20480x16xf32, #tpu.memory_space<vmem_shared>> -> memref<128x16xf32, #tpu.memory_space<vmem_shared>>
      %dma_wait3A_63 = arith.constant 0 : i32
      %dma_wait3A_64 = tpu.memref_slice %arg10[%add3A_42, %dma_wait3A_63] : memref<20480x16xf32, #tpu.memory_space<vmem_shared>> -> memref<128x16xf32, #tpu.memory_space<vmem_shared>>
      tpu.wait_dma2 semaphore(%run_scoped3A : memref<!tpu.dma_semaphore, #tpu.memory_space<semaphore_mem>>) src(%arg9 : memref<128x16xf32, #tpu.memory_space<vmem>>) dst(%dma_wait3A_64 : memref<128x16xf32, #tpu.memory_space<vmem_shared>>)
      tpu.yield
    }) : () -> ()
    %mul3A_43 = arith.constant 1280 : i32
    %mul3A_44 = arith.muli %arg1, %mul3A_43 : i32
    %add3A_45 = arith.constant 1152 : i32
    %add3A_46 = arith.addi %mul3A_44, %add3A_45 : i32
    "tpu.region"() ({
      %run_scoped3A = tpu.sem_alloc : memref<!tpu.dma_semaphore, #tpu.memory_space<semaphore_mem>>
      %dma_start3A = arith.constant 0 : i32
      %dma_start3A_59 = tpu.memref_slice %arg10[%add3A_46, %dma_start3A] : memref<20480x16xf32, #tpu.memory_space<vmem_shared>> -> memref<128x16xf32, #tpu.memory_space<vmem_shared>>
      %dma_start3A_60 = arith.constant 0 : i32
      %dma_start3A_61 = tpu.memref_slice %arg10[%add3A_46, %dma_start3A_60] : memref<20480x16xf32, #tpu.memory_space<vmem_shared>> -> memref<128x16xf32, #tpu.memory_space<vmem_shared>>
      tpu.enqueue_dma source(%arg9 : memref<128x16xf32, #tpu.memory_space<vmem>>) target(%dma_start3A_61 : memref<128x16xf32, #tpu.memory_space<vmem_shared>>) target_semaphore(%run_scoped3A : memref<!tpu.dma_semaphore, #tpu.memory_space<semaphore_mem>>)
      %dma_wait3A = arith.constant 0 : i32
      %dma_wait3A_62 = tpu.memref_slice %arg10[%add3A_46, %dma_wait3A] : memref<20480x16xf32, #tpu.memory_space<vmem_shared>> -> memref<128x16xf32, #tpu.memory_space<vmem_shared>>
      %dma_wait3A_63 = arith.constant 0 : i32
      %dma_wait3A_64 = tpu.memref_slice %arg10[%add3A_46, %dma_wait3A_63] : memref<20480x16xf32, #tpu.memory_space<vmem_shared>> -> memref<128x16xf32, #tpu.memory_space<vmem_shared>>
      tpu.wait_dma2 semaphore(%run_scoped3A : memref<!tpu.dma_semaphore, #tpu.memory_space<semaphore_mem>>) src(%arg9 : memref<128x16xf32, #tpu.memory_space<vmem>>) dst(%dma_wait3A_64 : memref<128x16xf32, #tpu.memory_space<vmem_shared>>)
      tpu.yield
    }) : () -> ()
    %barrier3A = arith.constant 0 : index
    tpu.barrier barrier_id(%barrier3A)
    %scan3A_47 = arith.constant 0 : i32
    %scan3A_48 = arith.constant 0 : i32
    %scan3A_49 = arith.constant 250 : i32
    %scan3A_50 = arith.addi %scan3A_48, %scan3A_49 : i32
    %scan3A_51 = arith.constant 1 : i32
    %scan3A_52 = scf.for %scan3A_59 = %scan3A_48 to %scan3A_50 step %scan3A_51 iter_args(%scan3A_60 = %scan3A_47) -> (i32)  : i32 {
      %mul3A_61 = arith.constant 20000 : i32
      %mul3A_62 = arith.muli %add3A, %mul3A_61 : i32
      %mul3A_63 = arith.constant 80 : i32
      %mul3A_64 = arith.muli %scan3A_59, %mul3A_63 : i32
      %add3A_65 = arith.addi %mul3A_62, %mul3A_64 : i32
      "tpu.region"() ({
        %run_scoped3A = tpu.sem_alloc : memref<!tpu.dma_semaphore, #tpu.memory_space<semaphore_mem>>
        %dma_start3A = tpu.memref_slice %arg3[%add3A_65] : memref<640000xi32, #tpu.memory_space<hbm>> -> memref<80xi32, #tpu.memory_space<hbm>>
        %dma_start3A_72 = tpu.memref_slice %arg3[%add3A_65] : memref<640000xi32, #tpu.memory_space<hbm>> -> memref<80xi32, #tpu.memory_space<hbm>>
        tpu.enqueue_dma source(%dma_start3A_72 : memref<80xi32, #tpu.memory_space<hbm>>) target(%arg6 : memref<80xi32, #tpu.memory_space<vmem>>) target_semaphore(%run_scoped3A : memref<!tpu.dma_semaphore, #tpu.memory_space<semaphore_mem>>)
        %dma_wait3A = tpu.memref_slice %arg3[%add3A_65] : memref<640000xi32, #tpu.memory_space<hbm>> -> memref<80xi32, #tpu.memory_space<hbm>>
        %dma_wait3A_73 = tpu.memref_slice %arg3[%add3A_65] : memref<640000xi32, #tpu.memory_space<hbm>> -> memref<80xi32, #tpu.memory_space<hbm>>
        tpu.wait_dma2 semaphore(%run_scoped3A : memref<!tpu.dma_semaphore, #tpu.memory_space<semaphore_mem>>) src(%dma_wait3A_73 : memref<80xi32, #tpu.memory_space<hbm>>) dst(%arg6 : memref<80xi32, #tpu.memory_space<vmem>>)
        tpu.yield
      }) : () -> ()
      %mul3A_66 = arith.constant 20000 : i32
      %mul3A_67 = arith.muli %add3A, %mul3A_66 : i32
      %mul3A_68 = arith.constant 80 : i32
      %mul3A_69 = arith.muli %scan3A_59, %mul3A_68 : i32
      %add3A_70 = arith.addi %mul3A_67, %mul3A_69 : i32
      "tpu.region"() ({
        %run_scoped3A = tpu.sem_alloc : memref<!tpu.dma_semaphore, #tpu.memory_space<semaphore_mem>>
        %dma_start3A = tpu.memref_slice %arg4[%add3A_70] : memref<640000xi32, #tpu.memory_space<hbm>> -> memref<80xi32, #tpu.memory_space<hbm>>
        %dma_start3A_72 = tpu.memref_slice %arg4[%add3A_70] : memref<640000xi32, #tpu.memory_space<hbm>> -> memref<80xi32, #tpu.memory_space<hbm>>
        tpu.enqueue_dma source(%dma_start3A_72 : memref<80xi32, #tpu.memory_space<hbm>>) target(%arg7 : memref<80xi32, #tpu.memory_space<vmem>>) target_semaphore(%run_scoped3A : memref<!tpu.dma_semaphore, #tpu.memory_space<semaphore_mem>>)
        %dma_wait3A = tpu.memref_slice %arg4[%add3A_70] : memref<640000xi32, #tpu.memory_space<hbm>> -> memref<80xi32, #tpu.memory_space<hbm>>
        %dma_wait3A_73 = tpu.memref_slice %arg4[%add3A_70] : memref<640000xi32, #tpu.memory_space<hbm>> -> memref<80xi32, #tpu.memory_space<hbm>>
        tpu.wait_dma2 semaphore(%run_scoped3A : memref<!tpu.dma_semaphore, #tpu.memory_space<semaphore_mem>>) src(%dma_wait3A_73 : memref<80xi32, #tpu.memory_space<hbm>>) dst(%arg7 : memref<80xi32, #tpu.memory_space<vmem>>)
        tpu.yield
      }) : () -> ()
      "tpu.region"() ({
        %run_scoped3A = tpu.sem_alloc : memref<!tpu.dma_semaphore, #tpu.memory_space<semaphore_mem>>
        %dma_start3A = arith.constant 0 : i32
        %dma_start3A_72 = arith.constant 0 : i32
        %dma_start3A_73 = tpu.memref_slice %arg2[%dma_start3A, %dma_start3A_72] : memref<20480x16xf32, #tpu.memory_space<hbm>> -> memref<20480x16xf32, #tpu.memory_space<hbm>>
        tpu.enqueue_indirect_dma source(%dma_start3A_73 : memref<20480x16xf32, #tpu.memory_space<hbm>>) target(%arg8 : memref<80x16xf32, #tpu.memory_space<vmem>>) offsets(%arg6 : memref<80xi32, #tpu.memory_space<vmem>>) semaphore(%run_scoped3A : memref<!tpu.dma_semaphore, #tpu.memory_space<semaphore_mem>>)
        %dma_wait3A = arith.constant 0 : i32
        %dma_wait3A_74 = arith.constant 0 : i32
        %dma_wait3A_75 = tpu.memref_slice %arg2[%dma_wait3A, %dma_wait3A_74] : memref<20480x16xf32, #tpu.memory_space<hbm>> -> memref<20480x16xf32, #tpu.memory_space<hbm>>
        tpu.wait_indirect_dma semaphore(%run_scoped3A : memref<!tpu.dma_semaphore, #tpu.memory_space<semaphore_mem>>) src(%dma_wait3A_75 : memref<20480x16xf32, #tpu.memory_space<hbm>>) dst(%arg8 : memref<80x16xf32, #tpu.memory_space<vmem>>)
        tpu.yield
      }) : () -> ()
      "tpu.region"() ({
        %run_scoped3A = tpu.sem_alloc : memref<!tpu.dma_semaphore, #tpu.memory_space<semaphore_mem>>
        %dma_start3A = arith.constant 0 : i32
        %dma_start3A_72 = arith.constant 0 : i32
        %dma_start3A_73 = tpu.memref_slice %arg10[%dma_start3A, %dma_start3A_72] : memref<20480x16xf32, #tpu.memory_space<vmem_shared>> -> memref<20480x16xf32, #tpu.memory_space<vmem_shared>>
        tpu.enqueue_indirect_dma source(%arg8 : memref<80x16xf32, #tpu.memory_space<vmem>>) target(%dma_start3A_73 : memref<20480x16xf32, #tpu.memory_space<vmem_shared>>) offsets(%arg7 : memref<80xi32, #tpu.memory_space<vmem>>) semaphore(%run_scoped3A : memref<!tpu.dma_semaphore, #tpu.memory_space<semaphore_mem>>) {add = true}
        %dma_wait3A = arith.constant 0 : i32
        %dma_wait3A_74 = arith.constant 0 : i32
        %dma_wait3A_75 = tpu.memref_slice %arg10[%dma_wait3A, %dma_wait3A_74] : memref<20480x16xf32, #tpu.memory_space<vmem_shared>> -> memref<20480x16xf32, #tpu.memory_space<vmem_shared>>
        tpu.wait_indirect_dma semaphore(%run_scoped3A : memref<!tpu.dma_semaphore, #tpu.memory_space<semaphore_mem>>) src(%arg8 : memref<80x16xf32, #tpu.memory_space<vmem>>) dst(%dma_wait3A_75 : memref<20480x16xf32, #tpu.memory_space<vmem_shared>>)
        tpu.yield
      }) : () -> ()
      %scan3A_71 = arith.constant 0 : i32
      scf.yield %scan3A_71 : i32
    }
    %scan3A_53 = arith.constant 250 : i32
    %barrier3A_54 = arith.constant 0 : index
    tpu.barrier barrier_id(%barrier3A_54)
    %mul3A_55 = arith.constant 1280 : i32
    %mul3A_56 = arith.muli %arg1, %mul3A_55 : i32
    %mul3A_57 = arith.constant 1280 : i32
    %mul3A_58 = arith.muli %arg1, %mul3A_57 : i32
    "tpu.region"() ({
      %run_scoped3A = tpu.sem_alloc : memref<!tpu.dma_semaphore, #tpu.memory_space<semaphore_mem>>
      %dma_start3A = arith.constant 0 : i32
      %dma_start3A_59 = tpu.memref_slice %arg5[%arg0, %mul3A_58, %dma_start3A] : memref<2x20480x16xf32, #tpu.memory_space<hbm>> -> memref<1x1280x16xf32, #tpu.memory_space<hbm>>
      %dma_start3A_60 = tpu.memref_squeeze %dma_start3A_59 : memref<1x1280x16xf32, #tpu.memory_space<hbm>> -> memref<1280x16xf32, #tpu.memory_space<hbm>>
      %dma_start3A_61 = arith.constant 0 : i32
      %dma_start3A_62 = tpu.memref_slice %arg10[%mul3A_56, %dma_start3A_61] : memref<20480x16xf32, #tpu.memory_space<vmem_shared>> -> memref<1280x16xf32, #tpu.memory_space<vmem_shared>>
      tpu.enqueue_dma source(%dma_start3A_62 : memref<1280x16xf32, #tpu.memory_space<vmem_shared>>) target(%dma_start3A_60 : memref<1280x16xf32, #tpu.memory_space<hbm>>) target_semaphore(%run_scoped3A : memref<!tpu.dma_semaphore, #tpu.memory_space<semaphore_mem>>)
      %dma_wait3A = arith.constant 0 : i32
      %dma_wait3A_63 = tpu.memref_slice %arg5[%arg0, %mul3A_58, %dma_wait3A] : memref<2x20480x16xf32, #tpu.memory_space<hbm>> -> memref<1x1280x16xf32, #tpu.memory_space<hbm>>
      %dma_wait3A_64 = tpu.memref_squeeze %dma_wait3A_63 : memref<1x1280x16xf32, #tpu.memory_space<hbm>> -> memref<1280x16xf32, #tpu.memory_space<hbm>>
      %dma_wait3A_65 = arith.constant 0 : i32
      %dma_wait3A_66 = tpu.memref_slice %arg10[%mul3A_56, %dma_wait3A_65] : memref<20480x16xf32, #tpu.memory_space<vmem_shared>> -> memref<1280x16xf32, #tpu.memory_space<vmem_shared>>
      tpu.wait_dma2 semaphore(%run_scoped3A : memref<!tpu.dma_semaphore, #tpu.memory_space<semaphore_mem>>) src(%dma_wait3A_66 : memref<1280x16xf32, #tpu.memory_space<vmem_shared>>) dst(%dma_wait3A_64 : memref<1280x16xf32, #tpu.memory_space<hbm>>)
      tpu.yield
    }) : () -> ()
    return
  }
}

module attributes {stable_mosaic.version = 14 : i64} {
  func.func @_tc0_body(%arg0: memref<20480x128xf32, #tpu.memory_space<vmem>>, %arg1: memref<128x64xf32, #tpu.memory_space<vmem>>, %arg2: memref<2x20480x16xf32, #tpu.memory_space<vmem>>, %arg3: memref<20480x64xf32, #tpu.memory_space<vmem>>, %arg4: memref<20480x1xf32, #tpu.memory_space<vmem>>) attributes {dimension_semantics = [], scalar_prefetch = 0 : i64, scratch_operands = 0 : i64, tpu.core_type = #tpu.core_type<tc>} {
    %get3A = arith.constant 0 : index
    %get3A_0 = arith.constant 0 : index
    %get3A_1 = arith.constant 0 : index
    %get3A_2 = vector.load %arg2[%get3A, %get3A_0, %get3A_1] : memref<2x20480x16xf32, #tpu.memory_space<vmem>>, vector<1x20480x1xf32>
    %get3A_3 = vector.shape_cast %get3A_2 : vector<1x20480x1xf32> to vector<20480x1xf32>
    %get3A_4 = arith.constant 1 : index
    %get3A_5 = arith.constant 0 : index
    %get3A_6 = arith.constant 0 : index
    %get3A_7 = vector.load %arg2[%get3A_4, %get3A_5, %get3A_6] : memref<2x20480x16xf32, #tpu.memory_space<vmem>>, vector<1x20480x1xf32>
    %get3A_8 = vector.shape_cast %get3A_7 : vector<1x20480x1xf32> to vector<20480x1xf32>
    %add3A = arith.addf %get3A_3, %get3A_8 : vector<20480x1xf32>
    %add3A_9 = arith.constant 1.000000e+00 : f32
    %add3A_10 = vector.broadcast %add3A_9 : f32 to vector<20480x1xf32>
    %add3A_11 = arith.addf %add3A, %add3A_10 : vector<20480x1xf32>
    %rsqrt3A = math.rsqrt %add3A_11 : vector<20480x1xf32>
    %get3A_12 = arith.constant 0 : index
    %get3A_13 = arith.constant 0 : index
    %get3A_14 = vector.load %arg0[%get3A_12, %get3A_13] : memref<20480x128xf32, #tpu.memory_space<vmem>>, vector<20480x128xf32>
    %get3A_15 = arith.constant 0 : index
    %get3A_16 = arith.constant 0 : index
    %get3A_17 = vector.load %arg1[%get3A_15, %get3A_16] : memref<128x64xf32, #tpu.memory_space<vmem>>, vector<128x64xf32>
    %dot_general3A = arith.constant dense<0.000000e+00> : vector<20480x64xf32>
    %dot_general3A_18 = tpu.matmul %get3A_14, %get3A_17, %dot_general3A {dimension_numbers = #tpu.dot_dimension_numbers<[1], [0], [0], [1], [0, 0, 1, 1], [], []>, transpose_lhs_hint = false} : vector<20480x128xf32>, vector<128x64xf32>, vector<20480x64xf32> -> vector<20480x64xf32>
    %mul3A = vector.broadcast %rsqrt3A : vector<20480x1xf32> to vector<20480x64xf32>
    %mul3A_19 = arith.mulf %dot_general3A_18, %mul3A : vector<20480x64xf32>
    %swap3A = arith.constant 0 : index
    %swap3A_20 = arith.constant 0 : index
    %swap3A_21 = vector.load %arg3[%swap3A, %swap3A_20] : memref<20480x64xf32, #tpu.memory_space<vmem>>, vector<20480x64xf32>
    tpu.vector_store %arg3[%swap3A, %swap3A_20], %mul3A_19 {strides = array<i32>} : memref<20480x64xf32, #tpu.memory_space<vmem>>, vector<20480x64xf32>,
    %swap3A_22 = arith.constant 0 : index
    %swap3A_23 = arith.constant 0 : index
    %swap3A_24 = vector.load %arg4[%swap3A_22, %swap3A_23] : memref<20480x1xf32, #tpu.memory_space<vmem>>, vector<20480x1xf32>
    tpu.vector_store %arg4[%swap3A_22, %swap3A_23], %rsqrt3A {strides = array<i32>} : memref<20480x1xf32, #tpu.memory_space<vmem>>, vector<20480x1xf32>,
    return
  }
}

module attributes {stable_mosaic.version = 14 : i64} {
  func.func @_tc_mid_body(%arg0: memref<2x20480x64xf32, #tpu.memory_space<vmem>>, %arg1: memref<20480x64xf32, #tpu.memory_space<vmem>>, %arg2: memref<20480x1xf32, #tpu.memory_space<vmem>>, %arg3: memref<64xf32, #tpu.memory_space<vmem>>, %arg4: memref<64x32xf32, #tpu.memory_space<vmem>>, %arg5: memref<20480x32xf32, #tpu.memory_space<vmem>>) attributes {dimension_semantics = [], scalar_prefetch = 0 : i64, scratch_operands = 0 : i64, tpu.core_type = #tpu.core_type<tc>} {
    %get3A = arith.constant 0 : index
    %get3A_0 = arith.constant 0 : index
    %get3A_1 = vector.load %arg2[%get3A, %get3A_0] : memref<20480x1xf32, #tpu.memory_space<vmem>>, vector<20480x1xf32>
    %get3A_2 = arith.constant 0 : index
    %get3A_3 = arith.constant 0 : index
    %get3A_4 = arith.constant 0 : index
    %get3A_5 = vector.load %arg0[%get3A_2, %get3A_3, %get3A_4] : memref<2x20480x64xf32, #tpu.memory_space<vmem>>, vector<1x20480x64xf32>
    %get3A_6 = vector.shape_cast %get3A_5 : vector<1x20480x64xf32> to vector<20480x64xf32>
    %get3A_7 = arith.constant 1 : index
    %get3A_8 = arith.constant 0 : index
    %get3A_9 = arith.constant 0 : index
    %get3A_10 = vector.load %arg0[%get3A_7, %get3A_8, %get3A_9] : memref<2x20480x64xf32, #tpu.memory_space<vmem>>, vector<1x20480x64xf32>
    %get3A_11 = vector.shape_cast %get3A_10 : vector<1x20480x64xf32> to vector<20480x64xf32>
    %add3A = arith.addf %get3A_6, %get3A_11 : vector<20480x64xf32>
    %get3A_12 = arith.constant 0 : index
    %get3A_13 = arith.constant 0 : index
    %get3A_14 = vector.load %arg1[%get3A_12, %get3A_13] : memref<20480x64xf32, #tpu.memory_space<vmem>>, vector<20480x64xf32>
    %add3A_15 = arith.addf %add3A, %get3A_14 : vector<20480x64xf32>
    %mul3A = vector.broadcast %get3A_1 : vector<20480x1xf32> to vector<20480x64xf32>
    %mul3A_16 = arith.mulf %add3A_15, %mul3A : vector<20480x64xf32>
    %get3A_17 = arith.constant 0 : index
    %get3A_18 = vector.load %arg3[%get3A_17] : memref<64xf32, #tpu.memory_space<vmem>>, vector<64xf32>
    %broadcast_in_dim3A = vector.shape_cast %get3A_18 : vector<64xf32> to vector<1x64xf32>
    %add3A_19 = vector.broadcast %broadcast_in_dim3A : vector<1x64xf32> to vector<20480x64xf32>
    %add3A_20 = arith.addf %mul3A_16, %add3A_19 : vector<20480x64xf32>
    %max3A = arith.constant 0.000000e+00 : f32
    %max3A_21 = vector.broadcast %max3A : f32 to vector<20480x64xf32>
    %max3A_22 = arith.maximumf %add3A_20, %max3A_21 : vector<20480x64xf32>
    %get3A_23 = arith.constant 0 : index
    %get3A_24 = arith.constant 0 : index
    %get3A_25 = vector.load %arg4[%get3A_23, %get3A_24] : memref<64x32xf32, #tpu.memory_space<vmem>>, vector<64x32xf32>
    %dot_general3A = arith.constant dense<0.000000e+00> : vector<20480x32xf32>
    %dot_general3A_26 = tpu.matmul %max3A_22, %get3A_25, %dot_general3A {dimension_numbers = #tpu.dot_dimension_numbers<[1], [0], [0], [1], [0, 0, 1, 1], [], []>, transpose_lhs_hint = false} : vector<20480x64xf32>, vector<64x32xf32>, vector<20480x32xf32> -> vector<20480x32xf32>
    %mul3A_27 = vector.broadcast %get3A_1 : vector<20480x1xf32> to vector<20480x32xf32>
    %mul3A_28 = arith.mulf %dot_general3A_26, %mul3A_27 : vector<20480x32xf32>
    %swap3A = arith.constant 0 : index
    %swap3A_29 = arith.constant 0 : index
    %swap3A_30 = vector.load %arg5[%swap3A, %swap3A_29] : memref<20480x32xf32, #tpu.memory_space<vmem>>, vector<20480x32xf32>
    tpu.vector_store %arg5[%swap3A, %swap3A_29], %mul3A_28 {strides = array<i32>} : memref<20480x32xf32, #tpu.memory_space<vmem>>, vector<20480x32xf32>,
    return
  }
}

module attributes {stable_mosaic.version = 14 : i64} {
  func.func @_tc_mid_body(%arg0: memref<2x20480x32xf32, #tpu.memory_space<vmem>>, %arg1: memref<20480x32xf32, #tpu.memory_space<vmem>>, %arg2: memref<20480x1xf32, #tpu.memory_space<vmem>>, %arg3: memref<32xf32, #tpu.memory_space<vmem>>, %arg4: memref<32x16xf32, #tpu.memory_space<vmem>>, %arg5: memref<20480x16xf32, #tpu.memory_space<vmem>>) attributes {dimension_semantics = [], scalar_prefetch = 0 : i64, scratch_operands = 0 : i64, tpu.core_type = #tpu.core_type<tc>} {
    %get3A = arith.constant 0 : index
    %get3A_0 = arith.constant 0 : index
    %get3A_1 = vector.load %arg2[%get3A, %get3A_0] : memref<20480x1xf32, #tpu.memory_space<vmem>>, vector<20480x1xf32>
    %get3A_2 = arith.constant 0 : index
    %get3A_3 = arith.constant 0 : index
    %get3A_4 = arith.constant 0 : index
    %get3A_5 = vector.load %arg0[%get3A_2, %get3A_3, %get3A_4] : memref<2x20480x32xf32, #tpu.memory_space<vmem>>, vector<1x20480x32xf32>
    %get3A_6 = vector.shape_cast %get3A_5 : vector<1x20480x32xf32> to vector<20480x32xf32>
    %get3A_7 = arith.constant 1 : index
    %get3A_8 = arith.constant 0 : index
    %get3A_9 = arith.constant 0 : index
    %get3A_10 = vector.load %arg0[%get3A_7, %get3A_8, %get3A_9] : memref<2x20480x32xf32, #tpu.memory_space<vmem>>, vector<1x20480x32xf32>
    %get3A_11 = vector.shape_cast %get3A_10 : vector<1x20480x32xf32> to vector<20480x32xf32>
    %add3A = arith.addf %get3A_6, %get3A_11 : vector<20480x32xf32>
    %get3A_12 = arith.constant 0 : index
    %get3A_13 = arith.constant 0 : index
    %get3A_14 = vector.load %arg1[%get3A_12, %get3A_13] : memref<20480x32xf32, #tpu.memory_space<vmem>>, vector<20480x32xf32>
    %add3A_15 = arith.addf %add3A, %get3A_14 : vector<20480x32xf32>
    %mul3A = vector.broadcast %get3A_1 : vector<20480x1xf32> to vector<20480x32xf32>
    %mul3A_16 = arith.mulf %add3A_15, %mul3A : vector<20480x32xf32>
    %get3A_17 = arith.constant 0 : index
    %get3A_18 = vector.load %arg3[%get3A_17] : memref<32xf32, #tpu.memory_space<vmem>>, vector<32xf32>
    %broadcast_in_dim3A = vector.shape_cast %get3A_18 : vector<32xf32> to vector<1x32xf32>
    %add3A_19 = vector.broadcast %broadcast_in_dim3A : vector<1x32xf32> to vector<20480x32xf32>
    %add3A_20 = arith.addf %mul3A_16, %add3A_19 : vector<20480x32xf32>
    %max3A = arith.constant 0.000000e+00 : f32
    %max3A_21 = vector.broadcast %max3A : f32 to vector<20480x32xf32>
    %max3A_22 = arith.maximumf %add3A_20, %max3A_21 : vector<20480x32xf32>
    %get3A_23 = arith.constant 0 : index
    %get3A_24 = arith.constant 0 : index
    %get3A_25 = vector.load %arg4[%get3A_23, %get3A_24] : memref<32x16xf32, #tpu.memory_space<vmem>>, vector<32x16xf32>
    %dot_general3A = arith.constant dense<0.000000e+00> : vector<20480x16xf32>
    %dot_general3A_26 = tpu.matmul %max3A_22, %get3A_25, %dot_general3A {dimension_numbers = #tpu.dot_dimension_numbers<[1], [0], [0], [1], [0, 0, 1, 1], [], []>, transpose_lhs_hint = false} : vector<20480x32xf32>, vector<32x16xf32>, vector<20480x16xf32> -> vector<20480x16xf32>
    %mul3A_27 = vector.broadcast %get3A_1 : vector<20480x1xf32> to vector<20480x16xf32>
    %mul3A_28 = arith.mulf %dot_general3A_26, %mul3A_27 : vector<20480x16xf32>
    %swap3A = arith.constant 0 : index
    %swap3A_29 = arith.constant 0 : index
    %swap3A_30 = vector.load %arg5[%swap3A, %swap3A_29] : memref<20480x16xf32, #tpu.memory_space<vmem>>, vector<20480x16xf32>
    tpu.vector_store %arg5[%swap3A, %swap3A_29], %mul3A_28 {strides = array<i32>} : memref<20480x16xf32, #tpu.memory_space<vmem>>, vector<20480x16xf32>,
    return
  }
}

module attributes {stable_mosaic.version = 14 : i64} {
  func.func @_tc3_body(%arg0: memref<2x20480x16xf32, #tpu.memory_space<vmem>>, %arg1: memref<20480x16xf32, #tpu.memory_space<vmem>>, %arg2: memref<20480x1xf32, #tpu.memory_space<vmem>>, %arg3: memref<16xf32, #tpu.memory_space<vmem>>, %arg4: memref<16x16xf32, #tpu.memory_space<vmem>>, %arg5: memref<16x16x16xf32, #tpu.memory_space<vmem>>, %arg6: memref<16x32xf32, #tpu.memory_space<vmem>>, %arg7: memref<16x1xf32, #tpu.memory_space<vmem>>, %arg8: memref<16x16xf32, #tpu.memory_space<vmem>>, %arg9: memref<16xf32, #tpu.memory_space<vmem>>, %arg10: memref<16x1xf32, #tpu.memory_space<vmem>>, %arg11: memref<1xf32, #tpu.memory_space<vmem>>, %arg12: memref<1xf32, #tpu.memory_space<vmem>>) attributes {dimension_semantics = [], scalar_prefetch = 0 : i64, scratch_operands = 0 : i64, tpu.core_type = #tpu.core_type<tc>} {
    %get3A = arith.constant 0 : index
    %get3A_0 = arith.constant 0 : index
    %get3A_1 = arith.constant 0 : index
    %get3A_2 = vector.load %arg0[%get3A, %get3A_0, %get3A_1] : memref<2x20480x16xf32, #tpu.memory_space<vmem>>, vector<1x20480x16xf32>
    %get3A_3 = vector.shape_cast %get3A_2 : vector<1x20480x16xf32> to vector<20480x16xf32>
    %get3A_4 = arith.constant 1 : index
    %get3A_5 = arith.constant 0 : index
    %get3A_6 = arith.constant 0 : index
    %get3A_7 = vector.load %arg0[%get3A_4, %get3A_5, %get3A_6] : memref<2x20480x16xf32, #tpu.memory_space<vmem>>, vector<1x20480x16xf32>
    %get3A_8 = vector.shape_cast %get3A_7 : vector<1x20480x16xf32> to vector<20480x16xf32>
    %add3A = arith.addf %get3A_3, %get3A_8 : vector<20480x16xf32>
    %get3A_9 = arith.constant 0 : index
    %get3A_10 = arith.constant 0 : index
    %get3A_11 = vector.load %arg1[%get3A_9, %get3A_10] : memref<20480x16xf32, #tpu.memory_space<vmem>>, vector<20480x16xf32>
    %add3A_12 = arith.addf %add3A, %get3A_11 : vector<20480x16xf32>
    %get3A_13 = arith.constant 0 : index
    %get3A_14 = arith.constant 0 : index
    %get3A_15 = vector.load %arg2[%get3A_13, %get3A_14] : memref<20480x1xf32, #tpu.memory_space<vmem>>, vector<20480x1xf32>
    %mul3A = vector.broadcast %get3A_15 : vector<20480x1xf32> to vector<20480x16xf32>
    %mul3A_16 = arith.mulf %add3A_12, %mul3A : vector<20480x16xf32>
    %get3A_17 = arith.constant 0 : index
    %get3A_18 = vector.load %arg3[%get3A_17] : memref<16xf32, #tpu.memory_space<vmem>>, vector<16xf32>
    %broadcast_in_dim3A = vector.shape_cast %get3A_18 : vector<16xf32> to vector<1x16xf32>
    %add3A_19 = vector.broadcast %broadcast_in_dim3A : vector<1x16xf32> to vector<20480x16xf32>
    %add3A_20 = arith.addf %mul3A_16, %add3A_19 : vector<20480x16xf32>
    %slice3A = vector.extract_strided_slice %add3A_20 {offsets = [0, 0], sizes = [10000, 16], strides = [1, 1]} : vector<20480x16xf32> to vector<10000x16xf32>
    %reduce_sum3A = arith.constant dense<0.000000e+00> : vector<16xf32>
    %reduce_sum3A_21 = vector.multi_reduction <add>, %slice3A, %reduce_sum3A [0] : vector<10000x16xf32> to vector<16xf32>
    %div3A = arith.constant 1.000000e+04 : f32
    %div3A_22 = vector.broadcast %div3A : f32 to vector<16xf32>
    %div3A_23 = arith.divf %reduce_sum3A_21, %div3A_22 : vector<16xf32>
    %broadcast_in_dim3A_24 = vector.shape_cast %div3A_23 : vector<16xf32> to vector<16x1xf32>
    %get3A_25 = arith.constant 0 : index
    %get3A_26 = arith.constant 0 : index
    %get3A_27 = vector.load %arg4[%get3A_25, %get3A_26] : memref<16x16xf32, #tpu.memory_space<vmem>>, vector<16x16xf32>
    %mul3A_28 = vector.broadcast %broadcast_in_dim3A_24 : vector<16x1xf32> to vector<16x16xf32>
    %mul3A_29 = arith.mulf %mul3A_28, %get3A_27 : vector<16x16xf32>
    %reduce_sum3A_30 = arith.constant dense<0.000000e+00> : vector<16xf32>
    %reduce_sum3A_31 = vector.multi_reduction <add>, %mul3A_29, %reduce_sum3A_30 [0] : vector<16x16xf32> to vector<16xf32>
    %tanh3A = math.tanh %reduce_sum3A_31 : vector<16xf32>
    %broadcast_in_dim3A_32 = vector.shape_cast %tanh3A : vector<16xf32> to vector<16x1xf32>
    %dot_general3A = arith.constant dense<0.000000e+00> : vector<10000x1xf32>
    %dot_general3A_33 = tpu.matmul %slice3A, %broadcast_in_dim3A_32, %dot_general3A {dimension_numbers = #tpu.dot_dimension_numbers<[1], [0], [0], [1], [0, 0, 1, 1], [], []>, transpose_lhs_hint = false} : vector<10000x16xf32>, vector<16x1xf32>, vector<10000x1xf32> -> vector<10000x1xf32>
    %logistic3A = arith.negf %dot_general3A_33 : vector<10000x1xf32>
    %logistic3A_34 = math.exp %logistic3A : vector<10000x1xf32>
    %logistic3A_35 = arith.constant 1.000000e+00 : f32
    %logistic3A_36 = vector.broadcast %logistic3A_35 : f32 to vector<10000x1xf32>
    %logistic3A_37 = arith.addf %logistic3A_36, %logistic3A_34 : vector<10000x1xf32>
    %logistic3A_38 = arith.divf %logistic3A_36, %logistic3A_37 : vector<10000x1xf32>
    %mul3A_39 = vector.broadcast %logistic3A_38 : vector<10000x1xf32> to vector<10000x16xf32>
    %mul3A_40 = arith.mulf %slice3A, %mul3A_39 : vector<10000x16xf32>
    %reduce_sum3A_41 = arith.constant dense<0.000000e+00> : vector<16xf32>
    %reduce_sum3A_42 = vector.multi_reduction <add>, %mul3A_40, %reduce_sum3A_41 [0] : vector<10000x16xf32> to vector<16xf32>
    %slice3A_43 = vector.extract_strided_slice %add3A_20 {offsets = [10000, 0], sizes = [10000, 16], strides = [1, 1]} : vector<20480x16xf32> to vector<10000x16xf32>
    %reduce_sum3A_44 = arith.constant dense<0.000000e+00> : vector<16xf32>
    %reduce_sum3A_45 = vector.multi_reduction <add>, %slice3A_43, %reduce_sum3A_44 [0] : vector<10000x16xf32> to vector<16xf32>
    %div3A_46 = arith.constant 1.000000e+04 : f32
    %div3A_47 = vector.broadcast %div3A_46 : f32 to vector<16xf32>
    %div3A_48 = arith.divf %reduce_sum3A_45, %div3A_47 : vector<16xf32>
    %broadcast_in_dim3A_49 = vector.shape_cast %div3A_48 : vector<16xf32> to vector<16x1xf32>
    %get3A_50 = arith.constant 0 : index
    %get3A_51 = arith.constant 0 : index
    %get3A_52 = vector.load %arg4[%get3A_50, %get3A_51] : memref<16x16xf32, #tpu.memory_space<vmem>>, vector<16x16xf32>
    %mul3A_53 = vector.broadcast %broadcast_in_dim3A_49 : vector<16x1xf32> to vector<16x16xf32>
    %mul3A_54 = arith.mulf %mul3A_53, %get3A_52 : vector<16x16xf32>
    %reduce_sum3A_55 = arith.constant dense<0.000000e+00> : vector<16xf32>
    %reduce_sum3A_56 = vector.multi_reduction <add>, %mul3A_54, %reduce_sum3A_55 [0] : vector<16x16xf32> to vector<16xf32>
    %tanh3A_57 = math.tanh %reduce_sum3A_56 : vector<16xf32>
    %broadcast_in_dim3A_58 = vector.shape_cast %tanh3A_57 : vector<16xf32> to vector<16x1xf32>
    %dot_general3A_59 = arith.constant dense<0.000000e+00> : vector<10000x1xf32>
    %dot_general3A_60 = tpu.matmul %slice3A_43, %broadcast_in_dim3A_58, %dot_general3A_59 {dimension_numbers = #tpu.dot_dimension_numbers<[1], [0], [0], [1], [0, 0, 1, 1], [], []>, transpose_lhs_hint = false} : vector<10000x16xf32>, vector<16x1xf32>, vector<10000x1xf32> -> vector<10000x1xf32>
    %logistic3A_61 = arith.negf %dot_general3A_60 : vector<10000x1xf32>
    %logistic3A_62 = math.exp %logistic3A_61 : vector<10000x1xf32>
    %logistic3A_63 = arith.constant 1.000000e+00 : f32
    %logistic3A_64 = vector.broadcast %logistic3A_63 : f32 to vector<10000x1xf32>
    %logistic3A_65 = arith.addf %logistic3A_64, %logistic3A_62 : vector<10000x1xf32>
    %logistic3A_66 = arith.divf %logistic3A_64, %logistic3A_65 : vector<10000x1xf32>
    %mul3A_67 = vector.broadcast %logistic3A_66 : vector<10000x1xf32> to vector<10000x16xf32>
    %mul3A_68 = arith.mulf %slice3A_43, %mul3A_67 : vector<10000x16xf32>
    %reduce_sum3A_69 = arith.constant dense<0.000000e+00> : vector<16xf32>
    %reduce_sum3A_70 = vector.multi_reduction <add>, %mul3A_68, %reduce_sum3A_69 [0] : vector<10000x16xf32> to vector<16xf32>
    %broadcast_in_dim3A_71 = vector.shape_cast %reduce_sum3A_42 : vector<16xf32> to vector<16x1xf32>
    %broadcast_in_dim3A_72 = vector.shape_cast %reduce_sum3A_70 : vector<16xf32> to vector<1x16xf32>
    %mul3A_73 = vector.broadcast %broadcast_in_dim3A_71 : vector<16x1xf32> to vector<16x16xf32>
    %mul3A_74 = vector.broadcast %broadcast_in_dim3A_72 : vector<1x16xf32> to vector<16x16xf32>
    %mul3A_75 = arith.mulf %mul3A_73, %mul3A_74 : vector<16x16xf32>
    %broadcast_in_dim3A_76 = vector.shape_cast %mul3A_75 : vector<16x16xf32> to vector<16x16x1xf32>
    %get3A_77 = arith.constant 0 : index
    %get3A_78 = arith.constant 0 : index
    %get3A_79 = arith.constant 0 : index
    %get3A_80 = vector.load %arg5[%get3A_77, %get3A_78, %get3A_79] : memref<16x16x16xf32, #tpu.memory_space<vmem>>, vector<16x16x16xf32>
    %mul3A_81 = vector.broadcast %broadcast_in_dim3A_76 : vector<16x16x1xf32> to vector<16x16x16xf32>
    %mul3A_82 = arith.mulf %mul3A_81, %get3A_80 : vector<16x16x16xf32>
    %reduce_sum3A_83 = arith.constant dense<0.000000e+00> : vector<16x16xf32>
    %reduce_sum3A_84 = vector.multi_reduction <add>, %mul3A_82, %reduce_sum3A_83 [0] : vector<16x16x16xf32> to vector<16x16xf32>
    %reduce_sum3A_85 = arith.constant dense<0.000000e+00> : vector<16xf32>
    %reduce_sum3A_86 = vector.multi_reduction <add>, %reduce_sum3A_84, %reduce_sum3A_85 [0] : vector<16x16xf32> to vector<16xf32>
    %concatenate3A = tpu.concatenate %reduce_sum3A_42, %reduce_sum3A_70 in 0 : vector<16xf32>, vector<16xf32> -> vector<32xf32>
    %get3A_87 = arith.constant 0 : index
    %get3A_88 = arith.constant 0 : index
    %get3A_89 = vector.load %arg6[%get3A_87, %get3A_88] : memref<16x32xf32, #tpu.memory_space<vmem>>, vector<16x32xf32>
    %broadcast_in_dim3A_90 = vector.shape_cast %concatenate3A : vector<32xf32> to vector<1x32xf32>
    %mul3A_91 = vector.broadcast %broadcast_in_dim3A_90 : vector<1x32xf32> to vector<16x32xf32>
    %mul3A_92 = arith.mulf %get3A_89, %mul3A_91 : vector<16x32xf32>
    %reduce_sum3A_93 = arith.constant dense<0.000000e+00> : vector<16xf32>
    %reduce_sum3A_94 = vector.multi_reduction <add>, %mul3A_92, %reduce_sum3A_93 [1] : vector<16x32xf32> to vector<16xf32>
    %add3A_95 = arith.addf %reduce_sum3A_86, %reduce_sum3A_94 : vector<16xf32>
    %get3A_96 = arith.constant 0 : index
    %get3A_97 = arith.constant 0 : index
    %get3A_98 = vector.load %arg7[%get3A_96, %get3A_97] : memref<16x1xf32, #tpu.memory_space<vmem>>, vector<16x1xf32>
    %get3A_99 = vector.shape_cast %get3A_98 : vector<16x1xf32> to vector<16xf32>
    %add3A_100 = arith.addf %add3A_95, %get3A_99 : vector<16xf32>
    %max3A = arith.constant 0.000000e+00 : f32
    %max3A_101 = vector.broadcast %max3A : f32 to vector<16xf32>
    %max3A_102 = arith.maximumf %add3A_100, %max3A_101 : vector<16xf32>
    %broadcast_in_dim3A_103 = vector.shape_cast %max3A_102 : vector<16xf32> to vector<16x1xf32>
    %get3A_104 = arith.constant 0 : index
    %get3A_105 = arith.constant 0 : index
    %get3A_106 = vector.load %arg8[%get3A_104, %get3A_105] : memref<16x16xf32, #tpu.memory_space<vmem>>, vector<16x16xf32>
    %mul3A_107 = vector.broadcast %broadcast_in_dim3A_103 : vector<16x1xf32> to vector<16x16xf32>
    %mul3A_108 = arith.mulf %mul3A_107, %get3A_106 : vector<16x16xf32>
    %reduce_sum3A_109 = arith.constant dense<0.000000e+00> : vector<16xf32>
    %reduce_sum3A_110 = vector.multi_reduction <add>, %mul3A_108, %reduce_sum3A_109 [0] : vector<16x16xf32> to vector<16xf32>
    %get3A_111 = arith.constant 0 : index
    %get3A_112 = vector.load %arg9[%get3A_111] : memref<16xf32, #tpu.memory_space<vmem>>, vector<16xf32>
    %add3A_113 = arith.addf %reduce_sum3A_110, %get3A_112 : vector<16xf32>
    %tanh3A_114 = math.tanh %add3A_113 : vector<16xf32>
    %get3A_115 = arith.constant 0 : index
    %get3A_116 = arith.constant 0 : index
    %get3A_117 = vector.load %arg10[%get3A_115, %get3A_116] : memref<16x1xf32, #tpu.memory_space<vmem>>, vector<16x1xf32>
    %get3A_118 = vector.shape_cast %get3A_117 : vector<16x1xf32> to vector<16xf32>
    %mul3A_119 = arith.mulf %tanh3A_114, %get3A_118 : vector<16xf32>
    %reduce_sum3A_120 = vector.shape_cast %mul3A_119 : vector<16xf32> to vector<1x16xf32>
    %reduce_sum3A_121 = arith.constant dense<0.000000e+00> : vector<1xf32>
    %reduce_sum3A_122 = vector.multi_reduction <add>, %reduce_sum3A_120, %reduce_sum3A_121 [1] : vector<1x16xf32> to vector<1xf32>
    %reduce_sum3A_123 = vector.shape_cast %reduce_sum3A_122 : vector<1xf32> to vector<1x1xf32>
    %reduce_sum3A_124 = vector.extract %reduce_sum3A_123[0, 0] : f32 from vector<1x1xf32>
    %get3A_125 = arith.constant 0 : index
    %get3A_126 = vector.load %arg11[%get3A_125] : memref<1xf32, #tpu.memory_space<vmem>>, vector<1xf32>
    %add3A_127 = vector.broadcast %reduce_sum3A_124 : f32 to vector<1xf32>
    %add3A_128 = arith.addf %add3A_127, %get3A_126 : vector<1xf32>
    %logistic3A_129 = arith.negf %add3A_128 : vector<1xf32>
    %logistic3A_130 = math.exp %logistic3A_129 : vector<1xf32>
    %logistic3A_131 = arith.constant 1.000000e+00 : f32
    %logistic3A_132 = vector.broadcast %logistic3A_131 : f32 to vector<1xf32>
    %logistic3A_133 = arith.addf %logistic3A_132, %logistic3A_130 : vector<1xf32>
    %logistic3A_134 = arith.divf %logistic3A_132, %logistic3A_133 : vector<1xf32>
    %swap3A = arith.constant 0 : index
    %swap3A_135 = vector.load %arg12[%swap3A] : memref<1xf32, #tpu.memory_space<vmem>>, vector<1xf32>
    tpu.vector_store %arg12[%swap3A], %logistic3A_134 {strides = array<i32>} : memref<1xf32, #tpu.memory_space<vmem>>, vector<1xf32>,
    return
  }
}

</mosaic_0001>

<sc_bundles>
// kernel: kernel.10.cloned.1.call-start
scs
__scs_entry_jumppad:
0x0: {  	(pc) =	sbr.rel $0x88, $3  }
0x1: {  	(tag) =	ssettag $0x0;
	lr =	simm.s32 $0x1  }
0x2: {  	[smem:$0x3F8F] =	sst lr;
	_ =	strace $0xD0000000  }
0x3: {  	_ = 	snop  }
0x4: {  	_ = 	snop  }
0x5: {  	_ = 	snop  }
0x6: {  	_ = 	snop  }
0x7: {  	_ = 	snop  }
__scs_overlays_trampoline_lowered:
0x8: {  	[smem:$0x3F9E] =	sst s0  }
0x9: {  	[smem:$0x3F9F] =	sst s1  }
0xa: {  	[smem:$0x3FA0] =	sst s2  }
0xb: {  	[smem:$0x3FA1] =	sst s3  }
0xc: {  	[smem:$0x3FA2] =	sst s4  }
0xd: {  	[smem:$0x3FA3] =	sst s5  }
0xe: {  	[smem:$0x3FA4] =	sst s6  }
0xf: {  	[smem:$0x3FA5] =	sst s7  }
0x10: {  	[smem:$0x3FA6] =	sst s8  }
0x11: {  	[smem:$0x3FA7] =	sst s9;
	s0 =	simm.s32 @!p0 $0x0  }
0x12: {  	s1 =	sld [smem:$0x3F8D];
	s0 =	simm.s32 @p0 $0x1  }
0x13: {  	[smem:$0x3FA8] =	sst s0;
	s0 =	simm.s32 @!p1 $0x0  }
0x14: {  	s2 =	sld [smem:$0x3F8C];
	s0 =	simm.s32 @p1 $0x1  }
0x15: {  	[smem:$0x3FA9] =	sst s0;
	s0 =	simm.s32 @!p2 $0x0  }
0x16: {  	s3 =	sld [smem:$0x3FDB];
	s0 =	simm.s32 @p2 $0x1  }
0x17: {  	s4 =	simm.s32 $0x1BF5;
	[smem:$0x3FAB] =	sst s0  }
0x18: {  	s0 =	sld [smem:$0x3F8E];
	_ =	swait.ge [sflag:s4], $0x0  }
0x19: {  	s7 =	sld [smem:$0x3F8F]  }
0x1a: {  	s8 =	sadd.s32 $0xFFFFE003, lr  }
0x1b: {  	s9 =	sadd.s32 $0xFFFFFEF7, lr;
	s5 =	simm.s32 $0xFFFFFFFF;
	p2 =	slt.u32 s8, $0xFFFFF086  }
0x1c: {  	p1 =	slt.u32 s9, $0xF7A;
	s5 =	simm.s32 @!p2 $0x0  }
0x1d: {  	s5 =	simm.s32 @p1 $0x1;
	p0 =	seq.s32 s7, s2  }
0x1e: {  	s7 =	smul.u32 @!p0 $0xF7A, s2;
	p2 =	seq.s32 @!p0 s5, $0x0  }
0x1f: {  	s9 =	smul.u32 $0xF7A, s1;
	s8 =	simm.s32 @!p0 $0x1BF5;
	p2 =	por !p2, p0  }
0x20: {  	[sflag:s8] =	ssyncset.s32 @!p0 $0xFFFFF086;
	s6 =	sadd.s32 @!p0 s3, s7;
	s7 =	simm.s32 @!p0 $0x108  }
0x21: {  	s3 =	sadd.s32 s3, s9;
	s6 =	sadd.s32 @!p0 $0x88, s6;
	s7 =	simm.s32 @p2 $0x1082  }
0x22: {  	[simem:s7], [sflag:s8] =	dma.local @!p0 [hbm:s6], $0xF7A  }
0x23: {  	s9 =	sor.u32 $0xD0000000, s2;
	s6 =	simm.s32 $0x108;
	_ =	swait.ge @!p0 [sflag:s8], $0x0  }
0x24: {  	s3 =	sadd.s32 $0x88, s3;
	s6 =	simm.s32 @!p1 $0x1082;
	[sflag:s4] =	ssyncset.s32 $0xFFFFF086  }
0x25: {  	[simem:s6], [sflag:s4] =	dma.local [hbm:s3], $0xF7A  }
0x26: {  	[smem:$0x3F8F] =	sst s1;
	(tag) =	ssettag s2;
	_ =	strace s9  }
0x27: {  	s1 =	sld [smem:$0x3F9F]  }
0x28: {  	s2 =	sld [smem:$0x3FA0]  }
0x29: {  	s4 =	sld [smem:$0x3FA2]  }
0x2a: {  	p0 =	seq.s32 s5, $0x0;
	s5 =	sld [smem:$0x3FA3]  }
0x2b: {  	s6 =	sld [smem:$0x3FA4]  }
0x2c: {  	s7 =	sld [smem:$0x3FA5]  }
0x2d: {  	s3 =	simm.s32 $0x108;
	s8 =	sld [smem:$0x3FA6]  }
0x2e: {  	s3 =	simm.s32 @!p0 $0x1082;
	s9 =	sld [smem:$0x3FA7]  }
0x2f: {  	lr =	sadd.s32 s0, s3;
	s0 =	sld [smem:$0x3F9E]  }
0x30: {  	s3 =	sld [smem:$0x3FA1]  }
0x31: {  	[smem:$0x3FAA] =	sst s10  }
0x32: {  	s10 =	sld [smem:$0x3FA8];
	_ =	sdelay $0x3  }
0x33: {  	p0 =	seq.s32 s10, $0x1;
	s10 =	sld [smem:$0x3FAA];
	_ =	sdelay $0x3  }
0x34: {  	[smem:$0x3FAA] =	sst s10  }
0x35: {  	s10 =	sld [smem:$0x3FA9];
	_ =	sdelay $0x3  }
0x36: {  	p1 =	seq.s32 s10, $0x1;
	s10 =	sld [smem:$0x3FAA];
	_ =	sdelay $0x3  }
0x37: {  	[smem:$0x3FAA] =	sst s10  }
0x38: {  	s10 =	sld [smem:$0x3FAB]  }
0x39: {  	_ = 	snop;
	(pc) =	sbr.ind lr, $3  }
0x3a: {  	_ = 	snop  }
0x3b: {  	_ = 	snop  }
0x3c: {  	p2 =	seq.s32 s10, $0x1;
	s10 =	sld [smem:$0x3FAA]  }
0x3d: {  	_ =	shalt  }
0x3e: {  	_ =	shalt  }
0x3f: {  	_ =	shalt  }
0x40: {  	_ =	shalt  }
0x41: {  	_ =	shalt  }
0x42: {  	_ =	shalt  }
0x43: {  	_ =	shalt  }
0x44: {  	_ =	shalt  }
0x45: {  	_ =	shalt  }
0x46: {  	_ =	shalt  }
0x47: {  	_ =	shalt  }
0x48: {  	_ =	shalt  }
0x49: {  	_ =	shalt  }
0x4a: {  	_ =	shalt  }
0x4b: {  	_ =	shalt  }
0x4c: {  	_ =	shalt  }
0x4d: {  	_ =	shalt  }
0x4e: {  	_ =	shalt  }
0x4f: {  	_ =	shalt  }
0x50: {  	_ =	shalt  }
0x51: {  	_ =	shalt  }
0x52: {  	_ =	shalt  }
0x53: {  	_ =	shalt  }
0x54: {  	_ =	shalt  }
0x55: {  	_ =	shalt  }
0x56: {  	_ =	shalt  }
0x57: {  	_ =	shalt  }
0x58: {  	_ =	shalt  }
0x59: {  	_ =	shalt  }
0x5a: {  	_ =	shalt  }
0x5b: {  	_ =	shalt  }
0x5c: {  	_ =	shalt  }
0x5d: {  	_ =	shalt  }
0x5e: {  	_ =	shalt  }
0x5f: {  	_ =	shalt  }
0x60: {  	_ =	shalt  }
0x61: {  	_ =	shalt  }
0x62: {  	_ =	shalt  }
0x63: {  	_ =	shalt  }
0x64: {  	_ =	shalt  }
0x65: {  	_ =	shalt  }
0x66: {  	_ =	shalt  }
0x67: {  	_ =	shalt  }
0x68: {  	_ =	shalt  }
0x69: {  	_ =	shalt  }
0x6a: {  	_ =	shalt  }
0x6b: {  	_ =	shalt  }
0x6c: {  	_ =	shalt  }
0x6d: {  	_ =	shalt  }
0x6e: {  	_ =	shalt  }
0x6f: {  	_ =	shalt  }
0x70: {  	_ =	shalt  }
0x71: {  	_ =	shalt  }
0x72: {  	_ =	shalt  }
0x73: {  	_ =	shalt  }
0x74: {  	_ =	shalt  }
0x75: {  	_ =	shalt  }
0x76: {  	_ =	shalt  }
0x77: {  	_ =	shalt  }
0x78: {  	_ =	shalt  }
0x79: {  	_ =	shalt  }
0x7a: {  	_ =	shalt  }
0x7b: {  	_ =	shalt  }
0x7c: {  	_ =	shalt  }
0x7d: {  	_ =	shalt  }
0x7e: {  	_ =	shalt  }
0x7f: {  	_ =	shalt  }
0x80: {  	_ =	shalt  }
0x81: {  	_ =	shalt  }
0x82: {  	_ =	shalt  }
0x83: {  	_ =	shalt  }
0x84: {  	_ =	shalt  }
0x85: {  	_ =	shalt  }
0x86: {  	_ =	shalt  }
0x87: {  	_ =	shalt  }
.Lfunc_end0:
.L_simem_size_0:
called_computation_lowered:
.L_overlay_start_0:
0x88: {  	s2 =	sld [smem:$0x3FD9]  }
0x89: {  	s3 =	sld [smem:$0x3FFE];
	_ =	sdelay $0x1  }
0x8a: {  	s1 =	srdreg.scid  }
0x8b: {  	s0 =	sand.u32 $0x1, s1  }
0x8c: {  	s16 =	sshll.u32 s0, $0xA;
	s2 =	sadd.s32 s3, s2  }
0x8d: {  	s2 =	sadd.s32 s2, s16  }
0x8e: {  	[smem:$0x3FB6] =	sst s2  }
0x8f: {  	_ = 	snop  }
0x90: {  	(tm) =	ssettm $0x1  }
0x91: {  	s17 =	sld [smem:$0x3FFB];
	_ =	sdelay $0x3  }
0x92: {  	_ =	strace s17  }
0x93: {  	s2 =	sld [smem:$0x3FFC];
	_ =	sdelay $0x3  }
0x94: {  	_ =	strace s2  }
0x95: {  	s2 =	sld [smem:$0x3FFD];
	_ =	sdelay $0x3  }
0x96: {  	_ =	strace s2  }
0x97: {  	_ =	strace $0x8FFFFFFF  }
0x98: {  	s18 =	sld [smem:$0x3FDB];
	_ =	sdelay $0x1  }
0x99: {  	s19 =	simm.s32 $_scs_section_size  }
0x9a: {  	s4 =	simm.s32 $_size__tile_overlayer_lowered;
	s5 =	simm.s32 $_tile_overlayer_lowered  }
0x9b: {  	s22 =	simm.s32 $0x1BFF;
	s21 =	sshll.u32 s5, $0x1;
	s2 =	sadd.s32 s19, s18  }
0x9c: {  	s6 =	simm.s32 $0x0;
	s20 =	sshll.u32 s4, $0x1;
	s4 =	sadd.s32 s21, s2  }
0x9d: {  	[timem:s6], [sflag:s22] =	dma.local [hbm:s4], s20  }
0x9e: {  	_ =	swait.ge [sflag:s22], s20  }
0x9f: {  	s3 =	ssub.s32 $0x0, s20;
	[sflag:s22] =	ssyncset.done $0x0  }
0xa0: {  	[sflag:s22] =	ssyncadd.s32 s3;
	_ =	sdelay $0x1  }
0xa1: {  	s23 =	simm.s32 $0x1B8B  }
0xa2: {  	_ =	swait.ge [sflag:s23], $0x1  }
0xa3: {  	[sflag:s23] =	ssyncset.done $0x0  }
0xa4: {  	s25 =	simm.s32 $0x1B8E;
	s24 =	sld [smem:$0x3FFE];
	[sflag:s23] =	ssyncadd.s32 $0xFFFFFFFF  }
0xa5: {  	s26 =	simm.s32 $execute0_lowered;
	[smem:$0x3FD2] =	sst s25  }
0xa6: {  	s4 =	sshll.u32 s26, $0x1;
	_ =	strace $0x80000046;
	[dreg:$0x1] =	wrdreg $0xFFFFFFFF  }
0xa7: {  	s28 =	simm.s32 $_size_execute0_lowered;
	s2 =	sadd.s32 s2, s4;
	[dreg:$0x0] =	wrdreg $0x0  }
0xa8: {  	s4 =	sshll.u32 s28, $0x1;
	[dreg:$0x2] =	wrdreg s2  }
0xa9: {  	[dreg:$0x3] =	wrdreg s4  }
0xaa: {  	[dreg:$0x4] =	wrdreg $0xC0  }
0xab: {  	_ =	task [dreg:s6], $0x5FFFF  }
0xac: {  	[dreg:$0x1] =	wrdreg $0xFFFFFFFF  }
0xad: {  	[dreg:$0x0] =	wrdreg $0x60  }
0xae: {  	[dreg:$0x2] =	wrdreg s24  }
0xaf: {  	[dreg:$0x3] =	wrdreg $0xD500  }
0xb0: {  	[dreg:$0x4] =	wrdreg $0x9  }
0xb1: {  	_ =	task.clear_ibuf [dreg:s6], $0x5FFFF;
	_ =	strace $0x90000046  }
0xb2: {  	s29 =	simm.s32 $0x9;
	_ =	strace $0x80000048  }
0xb3: {  	_ =	swait.ge [sflag:s29], $0x1  }
0xb4: {  	[sflag:s29] =	ssyncadd.s32 $0xFFFFFFFF  }
0xb5: {  	_ =	strace $0x90000048  }
0xb6: {  	_ =	sfence  }
0xb7: {  	s30 =	sld [smem:$0x0];
	_ =	sdelay $0x2  }
0xb8: {  	s31 =	sshll.u32 s1, $0xD;
	s1 =	sshrl.u32 s1, $0x2  }
0xb9: {  	s3 =	sand.u32 $0x4000, s31;
	s1 =	sadd.s32 s1, s30  }
0xba: {  	s0 =	sor.u32 s3, s0;
	s1 =	sshll.u32 s1, $0x11  }
0xbb: {  	s0 =	sor.u32 s1, s0  }
0xbc: {  	s0 =	sadd.s32 $0x8F2B, s0  }
0xbd: {  	[sflag:s0] =	ssyncadd.remote.s32 $0x1  }
0xbe: {  	_ =	sfence.sel $0xFFFF  }
0xbf: {  	[dreg:$0x0] =	wrdreg $0xFFFFFFFF;
	(pc) =	sbr.abs _section_cstart, $3  }
0xc0: {  	[dreg:$0x1] =	wrdreg $0xFFFFFFFF  }
0xc1: {  	_ =	task.clear_ibuf [dreg:s6], $0x2FFFF;
	_ =	strace $0x9FFFFFFF  }
0xc2: {  	(tm) =	ssettm $0x7FFFFFFF  }
0xc3: {  	_ =	shalt  }
tec
execute0_lowered:
.L_overlay_start_1:
0x0: {  	(tag) =	ssettag $0x1  }
0x1: {  	s1 =	srdreg.scid  }
0x2: {  	s0 =	stileid.u32;
	s4 =	rddreg [dreg:$0x0]  }
0x3: {  	s2 =	rddreg [dreg:$0x1];
	s3 =	simm.s32 $0x0;
	s6 =	smul.u32 $0x9C40, s0  }
0x4: {  	s17 =	simm.s32 $0x550;
	s18 =	simm.s32 $0x1;
	s8 =	smul.u32 $0x5000, s0  }
0x5: {  	s19 =	simm.s32 $0x50;
	s5 =	sand.u32 $0x1, s1;
	s9 =	smul.u32 $0x14000, s0  }
0x6: {  	s20 =	simm.s32 $0x0;
	s1 =	rddreg [dreg:$0x2];
	s7 =	smul.u32 $0x4E20, s5  }
0x7: {  	[smem:$0x7FF] =	sst s3;
	s28 =	smul.u32 $0x50000, s5;
	s5 =	ssub.s32 $0x2, s5  }
0x8: {  	_ =	strace $0x80000047;
	s30 =	sshrl.u32 s9, $0x2;
	s31 =	sshrl.u32 s5, $0x1  }
0x9: {  	s6 =	sadd.s32 s7, s6;
	s29 =	sadd.s32 s8, s28;
	s13 =	sadd.s32 s30, s2  }
0xa: {  	s15 =	ssub.s32 s5, s31;
	s6 =	sshrl.u32 s6, $0x3;
	s5 =	sadd.s32 $0x800, s13  }
0xb: {  	s7 =	sadd.s32 $0x1800, s13;
	s9 =	sadd.s32 $0x2800, s13;
	s10 =	sadd.s32 $0x3000, s13  }
0xc: {  	s11 =	sadd.s32 $0x3800, s13;
	s16 =	sadd.s32 s6, s4;
	s6 =	sshrl.u32 s29, $0x3  }
0xd: {  	s12 =	sadd.s32 $0x4000, s13;
	s15 =	smax.u32 s15, $0x1;
	s14 =	sadd.s32 s6, s4  }
0xe: {  	s4 =	sadd.s32 s8, s2;
	s6 =	sadd.s32 $0x1000, s13;
	s8 =	sadd.s32 $0x2000, s13  }
0xf: {  	v0 =	vimm.f32 $0.0e+00;
	v1 =	vimm.f32 $1.000000000e+00;
	s13 =	sadd.s32 $0x4800, s13;
	s16 =	sadd.s32 $0x3C00, s16;
	s14 =	sadd.s32 $0x2B000, s14  }
.LBB2_1:
0x10: {  	s21 =	simm.s32 $0x0  }
.LBB2_2:
0x11: {  	p0 =	sne.s32 s21, $0x1FC0  }
.Ltmp0:
0x12: {  	_ = 	snop;
	(pc) =	sbr.rel @p0 .LBB2_2-.Ltmp0, $3  }
0x13: {  	_ =	sdelay $0x1  }
0x14: {  	s22 =	sshra.s32 s21, $0x2  }
0x15: {  	s21 =	sadd.s32 $0x40, s21;
	[tilespmem:s22+$0x550] =	vst v0  }
0x16: {  	s21 =	simm.s32 $0x40;
	s22 =	simm.s32 $0x0  }
.LBB2_4:
0x17: {  	p0 =	sne.s32 s21, $0x13C0;
	[tilespmem:s22+$0x50] =	vst v1;
	s22 =	smov.u32 s21;
	s21 =	sadd.s32 $0x40, s21  }
.Ltmp1:
0x18: {  	(pc) =	sbr.rel @p0 .LBB2_4-.Ltmp1, $2  }
0x19: {  	_ =	sdelay $0x2  }
0x1a: {  	s22 =	sshra.s32 s22, $0x2  }
0x1b: {  	[tilespmem:s22+$0x50] =	vst v1  }
0x1c: {  	[spmem:s4] =	stream.linear.scatter [tilespmem:s17], [sflag:$0x1], $0x800, $0x38;
	[tilespmem:$0x5D50] =	vst v63  }
0x1d: {  	_ =	swait.ge [sflag:s18], $0x800  }
0x1e: {  	[sflag:s18] =	ssyncset.done $0x0  }
0x1f: {  	[sflag:s18] =	ssyncadd.s32 $0xFFFFF800  }
0x20: {  	[spmem:s5] =	stream.linear.scatter [tilespmem:s17], [sflag:$0x1], $0x800, $0x38;
	[tilespmem:$0x5D50] =	vst v63  }
0x21: {  	_ =	swait.ge [sflag:s18], $0x800  }
0x22: {  	[sflag:s18] =	ssyncset.done $0x0  }
0x23: {  	[sflag:s18] =	ssyncadd.s32 $0xFFFFF800  }
0x24: {  	[spmem:s6] =	stream.linear.scatter [tilespmem:s17], [sflag:$0x1], $0x800, $0x38;
	[tilespmem:$0x5D50] =	vst v63  }
0x25: {  	_ =	swait.ge [sflag:s18], $0x800  }
0x26: {  	[sflag:s18] =	ssyncset.done $0x0  }
0x27: {  	[sflag:s18] =	ssyncadd.s32 $0xFFFFF800  }
0x28: {  	[spmem:s7] =	stream.linear.scatter [tilespmem:s17], [sflag:$0x1], $0x800, $0x38;
	[tilespmem:$0x5D50] =	vst v63  }
0x29: {  	_ =	swait.ge [sflag:s18], $0x800  }
0x2a: {  	[sflag:s18] =	ssyncset.done $0x0  }
0x2b: {  	[sflag:s18] =	ssyncadd.s32 $0xFFFFF800  }
0x2c: {  	[spmem:s8] =	stream.linear.scatter [tilespmem:s17], [sflag:$0x1], $0x800, $0x38;
	[tilespmem:$0x5D50] =	vst v63  }
0x2d: {  	_ =	swait.ge [sflag:s18], $0x800  }
0x2e: {  	[sflag:s18] =	ssyncset.done $0x0  }
0x2f: {  	[sflag:s18] =	ssyncadd.s32 $0xFFFFF800  }
0x30: {  	[spmem:s9] =	stream.linear.scatter [tilespmem:s17], [sflag:$0x1], $0x800, $0x38;
	[tilespmem:$0x5D50] =	vst v63  }
0x31: {  	_ =	swait.ge [sflag:s18], $0x800  }
0x32: {  	[sflag:s18] =	ssyncset.done $0x0  }
0x33: {  	[sflag:s18] =	ssyncadd.s32 $0xFFFFF800  }
0x34: {  	[spmem:s10] =	stream.linear.scatter [tilespmem:s17], [sflag:$0x1], $0x800, $0x38;
	[tilespmem:$0x5D50] =	vst v63  }
0x35: {  	_ =	swait.ge [sflag:s18], $0x800  }
0x36: {  	[sflag:s18] =	ssyncset.done $0x0  }
0x37: {  	[sflag:s18] =	ssyncadd.s32 $0xFFFFF800  }
0x38: {  	[spmem:s11] =	stream.linear.scatter [tilespmem:s17], [sflag:$0x1], $0x800, $0x38;
	[tilespmem:$0x5D50] =	vst v63  }
0x39: {  	_ =	swait.ge [sflag:s18], $0x800  }
0x3a: {  	[sflag:s18] =	ssyncset.done $0x0  }
0x3b: {  	[sflag:s18] =	ssyncadd.s32 $0xFFFFF800  }
0x3c: {  	[spmem:s12] =	stream.linear.scatter [tilespmem:s17], [sflag:$0x1], $0x800, $0x38;
	[tilespmem:$0x5D50] =	vst v63  }
0x3d: {  	_ =	swait.ge [sflag:s18], $0x800  }
0x3e: {  	[sflag:s18] =	ssyncset.done $0x0  }
0x3f: {  	[sflag:s18] =	ssyncadd.s32 $0xFFFFF800  }
0x40: {  	[spmem:s13] =	stream.linear.scatter [tilespmem:s17], [sflag:$0x1], $0x800, $0x38;
	[tilespmem:$0x5D50] =	vst v63  }
0x41: {  	_ =	swait.ge [sflag:s18], $0x800  }
0x42: {  	[sflag:s18] =	ssyncset.done $0x0  }
0x43: {  	[sflag:s18] =	ssyncadd.s32 $0xFFFFF800  }
0x44: {  	s21 =	sadd.s32 $0x0, s16;
	[bflag:$0x0] =	sbarrier.arrive $0xFFFF  }
0x45: {  	[tilespmem:s3], [sflag:$0x1] =	stream.linear.gather [hbm4b:s21+s3], $0x50, $0x38;
	[tilespmem:$0x5D50] =	vst v63  }
0x46: {  	_ =	swait.ge [sflag:s18], $0x50  }
0x47: {  	[sflag:s18] =	ssyncset.done $0x0  }
0x48: {  	[sflag:s18] =	ssyncadd.s32 $0xFFFFFFB0  }
0x49: {  	[spmem:s2] =	stream.indirect.scatter.add.f32 [tilespmem:s19], [sflag:$0x1], $0x10, s3, s19, $0xb8;
	[tilespmem:$0x5D50] =	vst v63  }
0x4a: {  	_ =	swait.ge [sflag:s18], $0x500  }
0x4b: {  	s22 =	simm.s32 $0x14;
	s21 =	simm.s32 $0xA;
	[sflag:s18] =	ssyncset.done $0x0  }
.LBB2_6:
0x4c: {  	s23 =	sadd.s32 s21, s16  }
0x4d: {  	[sflag:s18] =	ssyncadd.s32 $0xFFFFFB00;
	s21 =	smov.u32 s22;
	s24 =	sadd.s32 $0xA, s22  }
0x4e: {  	[tilespmem:s3], [sflag:$0x1] =	stream.linear.gather [hbm4b:s23+s3], $0x50, $0x38;
	[tilespmem:$0x5D50] =	vst v63  }
0x4f: {  	p0 =	sne.s32 s22, $0x9BA;
	_ =	swait.ge [sflag:s18], $0x50  }
.Ltmp2:
0x50: {  	[sflag:s18] =	ssyncset.done $0x0;
	(pc) =	sbr.rel @p0 .LBB2_6-.Ltmp2, $4  }
0x51: {  	[sflag:s18] =	ssyncadd.s32 $0xFFFFFFB0  }
0x52: {  	[spmem:s2] =	stream.indirect.scatter.add.f32 [tilespmem:s19], [sflag:$0x1], $0x10, s3, s19, $0xb8;
	[tilespmem:$0x5D50] =	vst v63  }
0x53: {  	_ =	swait.ge [sflag:s18], $0x500  }
0x54: {  	s22 =	smov.u32 s24;
	[sflag:s18] =	ssyncset.done $0x0  }
0x55: {  	s21 =	sadd.s32 s21, s16;
	[sflag:s18] =	ssyncadd.s32 $0xFFFFFB00  }
0x56: {  	[tilespmem:s3], [sflag:$0x1] =	stream.linear.gather [hbm4b:s21+s3], $0x50, $0x38;
	[tilespmem:$0x5D50] =	vst v63  }
0x57: {  	_ =	swait.ge [sflag:s18], $0x50  }
0x58: {  	[sflag:s18] =	ssyncset.done $0x0  }
0x59: {  	[sflag:s18] =	ssyncadd.s32 $0xFFFFFFB0  }
0x5a: {  	[spmem:s2] =	stream.indirect.scatter.add.f32 [tilespmem:s19], [sflag:$0x1], $0x10, s3, s19, $0xb8;
	[tilespmem:$0x5D50] =	vst v63  }
0x5b: {  	_ =	swait.ge [sflag:s18], $0x500  }
0x5c: {  	s31 =	sshll.u32 s0, $0x6;
	s20 =	sadd.s32 $0x1, s20;
	[sflag:s18] =	ssyncset.done $0x0  }
0x5d: {  	s22 =	sshrl.u32 s4, $0x3;
	p0 =	sne.s32 s20, s15;
	[sflag:s18] =	ssyncadd.s32 $0xFFFFFB00  }
.Ltmp3:
0x5e: {  	s21 =	sor.u32 $0x1C01, s31;
	[bflag:$0x0] =	sbarrier.arrive $0xFFFF;
	(pc) =	sbr.rel @p0 .LBB2_1-.Ltmp3, $4  }
0x5f: {  	[hbm:s14], [sflag:s21] =	dma.local [spmem:s22], $0xA00  }
0x60: {  	_ =	swait.ge [sflag:s18], $0xA00  }
0x61: {  	[sflag:s18] =	ssyncset.done $0x0  }
0x62: {  	[sflag:s18] =	ssyncadd.s32 $0xFFFFF600  }
0x63: {  	_ =	sfence.sel $0x180000  }
0x64: {  	[bflag:$0x0] =	sbarrier.arrive $0xFFFF  }
0x65: {  	p0 =	sne.s32 s0, $0x0;
	_ =	strace $0x90000047  }
0x66: {  	s0 =	sadd.s32 @!p0 $0x100000, s1;
	[bflag:$0x2] =	sbarrier.arrive $0xFFFF  }
0x67: {  	[sflag:s0] =	ssyncadd.tile.s32 @!p0 $0x1;
	_ =	shalt  }
.Lfunc_end2:
_tile_overlayer_lowered:
.L_overlay_start_2:
0x68: {  	(tag) =	ssettag $0x2  }
0x69: {  	s0 =	rddreg [dreg:$0x0];
	s2 =	stileid.u32  }
0x6a: {  	s1 =	rddreg [dreg:$0x1];
	p0 =	sne.s32 s2, $0x0  }
0x6b: {  	s3 =	rddreg [dreg:$0x2];
	[bflag:$0x3] =	sbarrier.arrive $0xFFFF;
	s2 =	simm.s32 @!p0 $0x1C01  }
0x6c: {  	[timem:s3], [sflag:s2] =	dma.local @!p0 [hbm:s0], s1  }
0x6d: {  	s0 =	simm.s32 @!p0 $0x1  }
0x6e: {  	_ =	swait.ge @!p0 [sflag:s0], s1  }
0x6f: {  	s1 =	ssub.s32 @!p0 $0x0, s1;
	[sflag:s0] =	ssyncset.done @!p0 $0x0  }
0x70: {  	[sflag:s0] =	ssyncadd.s32 @!p0 s1  }
0x71: {  	[bflag:$0x3] =	sbarrier.arrive $0xFFFF  }
0x72: {  	_ =	shalt  }

// kernel: kernel.13.cloned.1.call-start
scs
__scs_entry_jumppad:
0x0: {  	(pc) =	sbr.rel $0x88, $3  }
0x1: {  	(tag) =	ssettag $0x0;
	lr =	simm.s32 $0x1  }
0x2: {  	[smem:$0x3F8F] =	sst lr;
	_ =	strace $0xD0000000  }
0x3: {  	_ = 	snop  }
0x4: {  	_ = 	snop  }
0x5: {  	_ = 	snop  }
0x6: {  	_ = 	snop  }
0x7: {  	_ = 	snop  }
__scs_overlays_trampoline_lowered:
0x8: {  	[smem:$0x3F9E] =	sst s0  }
0x9: {  	[smem:$0x3F9F] =	sst s1  }
0xa: {  	[smem:$0x3FA0] =	sst s2  }
0xb: {  	[smem:$0x3FA1] =	sst s3  }
0xc: {  	[smem:$0x3FA2] =	sst s4  }
0xd: {  	[smem:$0x3FA3] =	sst s5  }
0xe: {  	[smem:$0x3FA4] =	sst s6  }
0xf: {  	[smem:$0x3FA5] =	sst s7  }
0x10: {  	[smem:$0x3FA6] =	sst s8  }
0x11: {  	[smem:$0x3FA7] =	sst s9;
	s0 =	simm.s32 @!p0 $0x0  }
0x12: {  	s1 =	sld [smem:$0x3F8D];
	s0 =	simm.s32 @p0 $0x1  }
0x13: {  	[smem:$0x3FA8] =	sst s0;
	s0 =	simm.s32 @!p1 $0x0  }
0x14: {  	s2 =	sld [smem:$0x3F8C];
	s0 =	simm.s32 @p1 $0x1  }
0x15: {  	[smem:$0x3FA9] =	sst s0;
	s0 =	simm.s32 @!p2 $0x0  }
0x16: {  	s3 =	sld [smem:$0x3FDB];
	s0 =	simm.s32 @p2 $0x1  }
0x17: {  	s4 =	simm.s32 $0x1BF5;
	[smem:$0x3FAB] =	sst s0  }
0x18: {  	s0 =	sld [smem:$0x3F8E];
	_ =	swait.ge [sflag:s4], $0x0  }
0x19: {  	s7 =	sld [smem:$0x3F8F]  }
0x1a: {  	s8 =	sadd.s32 $0xFFFFE003, lr  }
0x1b: {  	s9 =	sadd.s32 $0xFFFFFEF7, lr;
	s5 =	simm.s32 $0xFFFFFFFF;
	p2 =	slt.u32 s8, $0xFFFFF086  }
0x1c: {  	p1 =	slt.u32 s9, $0xF7A;
	s5 =	simm.s32 @!p2 $0x0  }
0x1d: {  	s5 =	simm.s32 @p1 $0x1;
	p0 =	seq.s32 s7, s2  }
0x1e: {  	s7 =	smul.u32 @!p0 $0xF7A, s2;
	p2 =	seq.s32 @!p0 s5, $0x0  }
0x1f: {  	s9 =	smul.u32 $0xF7A, s1;
	s8 =	simm.s32 @!p0 $0x1BF5;
	p2 =	por !p2, p0  }
0x20: {  	[sflag:s8] =	ssyncset.s32 @!p0 $0xFFFFF086;
	s6 =	sadd.s32 @!p0 s3, s7;
	s7 =	simm.s32 @!p0 $0x108  }
0x21: {  	s3 =	sadd.s32 s3, s9;
	s6 =	sadd.s32 @!p0 $0x88, s6;
	s7 =	simm.s32 @p2 $0x1082  }
0x22: {  	[simem:s7], [sflag:s8] =	dma.local @!p0 [hbm:s6], $0xF7A  }
0x23: {  	s9 =	sor.u32 $0xD0000000, s2;
	s6 =	simm.s32 $0x108;
	_ =	swait.ge @!p0 [sflag:s8], $0x0  }
0x24: {  	s3 =	sadd.s32 $0x88, s3;
	s6 =	simm.s32 @!p1 $0x1082;
	[sflag:s4] =	ssyncset.s32 $0xFFFFF086  }
0x25: {  	[simem:s6], [sflag:s4] =	dma.local [hbm:s3], $0xF7A  }
0x26: {  	[smem:$0x3F8F] =	sst s1;
	(tag) =	ssettag s2;
	_ =	strace s9  }
0x27: {  	s1 =	sld [smem:$0x3F9F]  }
0x28: {  	s2 =	sld [smem:$0x3FA0]  }
0x29: {  	s4 =	sld [smem:$0x3FA2]  }
0x2a: {  	p0 =	seq.s32 s5, $0x0;
	s5 =	sld [smem:$0x3FA3]  }
0x2b: {  	s6 =	sld [smem:$0x3FA4]  }
0x2c: {  	s7 =	sld [smem:$0x3FA5]  }
0x2d: {  	s3 =	simm.s32 $0x108;
	s8 =	sld [smem:$0x3FA6]  }
0x2e: {  	s3 =	simm.s32 @!p0 $0x1082;
	s9 =	sld [smem:$0x3FA7]  }
0x2f: {  	lr =	sadd.s32 s0, s3;
	s0 =	sld [smem:$0x3F9E]  }
0x30: {  	s3 =	sld [smem:$0x3FA1]  }
0x31: {  	[smem:$0x3FAA] =	sst s10  }
0x32: {  	s10 =	sld [smem:$0x3FA8];
	_ =	sdelay $0x3  }
0x33: {  	p0 =	seq.s32 s10, $0x1;
	s10 =	sld [smem:$0x3FAA];
	_ =	sdelay $0x3  }
0x34: {  	[smem:$0x3FAA] =	sst s10  }
0x35: {  	s10 =	sld [smem:$0x3FA9];
	_ =	sdelay $0x3  }
0x36: {  	p1 =	seq.s32 s10, $0x1;
	s10 =	sld [smem:$0x3FAA];
	_ =	sdelay $0x3  }
0x37: {  	[smem:$0x3FAA] =	sst s10  }
0x38: {  	s10 =	sld [smem:$0x3FAB]  }
0x39: {  	_ = 	snop;
	(pc) =	sbr.ind lr, $3  }
0x3a: {  	_ = 	snop  }
0x3b: {  	_ = 	snop  }
0x3c: {  	p2 =	seq.s32 s10, $0x1;
	s10 =	sld [smem:$0x3FAA]  }
0x3d: {  	_ =	shalt  }
0x3e: {  	_ =	shalt  }
0x3f: {  	_ =	shalt  }
0x40: {  	_ =	shalt  }
0x41: {  	_ =	shalt  }
0x42: {  	_ =	shalt  }
0x43: {  	_ =	shalt  }
0x44: {  	_ =	shalt  }
0x45: {  	_ =	shalt  }
0x46: {  	_ =	shalt  }
0x47: {  	_ =	shalt  }
0x48: {  	_ =	shalt  }
0x49: {  	_ =	shalt  }
0x4a: {  	_ =	shalt  }
0x4b: {  	_ =	shalt  }
0x4c: {  	_ =	shalt  }
0x4d: {  	_ =	shalt  }
0x4e: {  	_ =	shalt  }
0x4f: {  	_ =	shalt  }
0x50: {  	_ =	shalt  }
0x51: {  	_ =	shalt  }
0x52: {  	_ =	shalt  }
0x53: {  	_ =	shalt  }
0x54: {  	_ =	shalt  }
0x55: {  	_ =	shalt  }
0x56: {  	_ =	shalt  }
0x57: {  	_ =	shalt  }
0x58: {  	_ =	shalt  }
0x59: {  	_ =	shalt  }
0x5a: {  	_ =	shalt  }
0x5b: {  	_ =	shalt  }
0x5c: {  	_ =	shalt  }
0x5d: {  	_ =	shalt  }
0x5e: {  	_ =	shalt  }
0x5f: {  	_ =	shalt  }
0x60: {  	_ =	shalt  }
0x61: {  	_ =	shalt  }
0x62: {  	_ =	shalt  }
0x63: {  	_ =	shalt  }
0x64: {  	_ =	shalt  }
0x65: {  	_ =	shalt  }
0x66: {  	_ =	shalt  }
0x67: {  	_ =	shalt  }
0x68: {  	_ =	shalt  }
0x69: {  	_ =	shalt  }
0x6a: {  	_ =	shalt  }
0x6b: {  	_ =	shalt  }
0x6c: {  	_ =	shalt  }
0x6d: {  	_ =	shalt  }
0x6e: {  	_ =	shalt  }
0x6f: {  	_ =	shalt  }
0x70: {  	_ =	shalt  }
0x71: {  	_ =	shalt  }
0x72: {  	_ =	shalt  }
0x73: {  	_ =	shalt  }
0x74: {  	_ =	shalt  }
0x75: {  	_ =	shalt  }
0x76: {  	_ =	shalt  }
0x77: {  	_ =	shalt  }
0x78: {  	_ =	shalt  }
0x79: {  	_ =	shalt  }
0x7a: {  	_ =	shalt  }
0x7b: {  	_ =	shalt  }
0x7c: {  	_ =	shalt  }
0x7d: {  	_ =	shalt  }
0x7e: {  	_ =	shalt  }
0x7f: {  	_ =	shalt  }
0x80: {  	_ =	shalt  }
0x81: {  	_ =	shalt  }
0x82: {  	_ =	shalt  }
0x83: {  	_ =	shalt  }
0x84: {  	_ =	shalt  }
0x85: {  	_ =	shalt  }
0x86: {  	_ =	shalt  }
0x87: {  	_ =	shalt  }
.Lfunc_end0:
.L_simem_size_0:
called_computation.1_lowered:
.L_overlay_start_0:
0x88: {  	s2 =	sld [smem:$0x3FD9]  }
0x89: {  	s3 =	sld [smem:$0x3FFE];
	_ =	sdelay $0x1  }
0x8a: {  	s1 =	srdreg.scid  }
0x8b: {  	s0 =	sand.u32 $0x1, s1  }
0x8c: {  	s16 =	sshll.u32 s0, $0xA;
	s2 =	sadd.s32 s3, s2  }
0x8d: {  	s2 =	sadd.s32 s2, s16  }
0x8e: {  	[smem:$0x3FB6] =	sst s2  }
0x8f: {  	_ = 	snop  }
0x90: {  	(tm) =	ssettm $0x1  }
0x91: {  	s17 =	sld [smem:$0x3FFB];
	_ =	sdelay $0x3  }
0x92: {  	_ =	strace s17  }
0x93: {  	s2 =	sld [smem:$0x3FFC];
	_ =	sdelay $0x3  }
0x94: {  	_ =	strace s2  }
0x95: {  	s2 =	sld [smem:$0x3FFD];
	_ =	sdelay $0x3  }
0x96: {  	_ =	strace s2  }
0x97: {  	_ =	strace $0x8FFFFFFF  }
0x98: {  	s18 =	sld [smem:$0x3FDB];
	_ =	sdelay $0x1  }
0x99: {  	s19 =	simm.s32 $_scs_section_size  }
0x9a: {  	s4 =	simm.s32 $_size__tile_overlayer_lowered;
	s5 =	simm.s32 $_tile_overlayer_lowered  }
0x9b: {  	s22 =	simm.s32 $0x1BFF;
	s21 =	sshll.u32 s5, $0x1;
	s2 =	sadd.s32 s19, s18  }
0x9c: {  	s6 =	simm.s32 $0x0;
	s20 =	sshll.u32 s4, $0x1;
	s4 =	sadd.s32 s21, s2  }
0x9d: {  	[timem:s6], [sflag:s22] =	dma.local [hbm:s4], s20  }
0x9e: {  	_ =	swait.ge [sflag:s22], s20  }
0x9f: {  	s3 =	ssub.s32 $0x0, s20;
	[sflag:s22] =	ssyncset.done $0x0  }
0xa0: {  	[sflag:s22] =	ssyncadd.s32 s3;
	_ =	sdelay $0x1  }
0xa1: {  	s23 =	simm.s32 $0x1B8B  }
0xa2: {  	_ =	swait.ge [sflag:s23], $0x1  }
0xa3: {  	[sflag:s23] =	ssyncset.done $0x0  }
0xa4: {  	s25 =	simm.s32 $0x1B8E;
	s24 =	sld [smem:$0x3FFE];
	[sflag:s23] =	ssyncadd.s32 $0xFFFFFFFF  }
0xa5: {  	s26 =	simm.s32 $execute0_lowered;
	[smem:$0x3FD2] =	sst s25  }
0xa6: {  	s4 =	sshll.u32 s26, $0x1;
	_ =	strace $0x80000049;
	[dreg:$0x1] =	wrdreg $0xFFFFFFFF  }
0xa7: {  	s28 =	simm.s32 $_size_execute0_lowered;
	s2 =	sadd.s32 s2, s4;
	[dreg:$0x0] =	wrdreg $0x0  }
0xa8: {  	s4 =	sshll.u32 s28, $0x1;
	[dreg:$0x2] =	wrdreg s2  }
0xa9: {  	[dreg:$0x3] =	wrdreg s4  }
0xaa: {  	[dreg:$0x4] =	wrdreg $0xC0  }
0xab: {  	_ =	task [dreg:s6], $0x5FFFF  }
0xac: {  	[dreg:$0x1] =	wrdreg $0xFFFFFFFF  }
0xad: {  	[dreg:$0x0] =	wrdreg $0x60  }
0xae: {  	[dreg:$0x2] =	wrdreg s24  }
0xaf: {  	[dreg:$0x3] =	wrdreg $0x34A00  }
0xb0: {  	[dreg:$0x4] =	wrdreg $0x9  }
0xb1: {  	_ =	task.clear_ibuf [dreg:s6], $0x5FFFF;
	_ =	strace $0x90000049  }
0xb2: {  	s29 =	simm.s32 $0x9;
	_ =	strace $0x8000004B  }
0xb3: {  	_ =	swait.ge [sflag:s29], $0x1  }
0xb4: {  	[sflag:s29] =	ssyncadd.s32 $0xFFFFFFFF  }
0xb5: {  	_ =	strace $0x9000004B  }
0xb6: {  	_ =	sfence  }
0xb7: {  	s30 =	sld [smem:$0x0];
	_ =	sdelay $0x2  }
0xb8: {  	s31 =	sshll.u32 s1, $0xD;
	s1 =	sshrl.u32 s1, $0x2  }
0xb9: {  	s3 =	sand.u32 $0x4000, s31;
	s1 =	sadd.s32 s1, s30  }
0xba: {  	s0 =	sor.u32 s3, s0;
	s1 =	sshll.u32 s1, $0x11  }
0xbb: {  	s0 =	sor.u32 s1, s0  }
0xbc: {  	s0 =	sadd.s32 $0x8F2B, s0  }
0xbd: {  	[sflag:s0] =	ssyncadd.remote.s32 $0x1  }
0xbe: {  	_ =	sfence.sel $0xFFFF  }
0xbf: {  	[dreg:$0x0] =	wrdreg $0xFFFFFFFF;
	(pc) =	sbr.abs _section_cstart, $3  }
0xc0: {  	[dreg:$0x1] =	wrdreg $0xFFFFFFFF  }
0xc1: {  	_ =	task.clear_ibuf [dreg:s6], $0x2FFFF;
	_ =	strace $0x9FFFFFFF  }
0xc2: {  	(tm) =	ssettm $0x7FFFFFFF  }
0xc3: {  	_ =	shalt  }
tec
execute0_lowered:
.L_overlay_start_1:
0x0: {  	(tag) =	ssettag $0x1  }
0x1: {  	s1 =	srdreg.scid  }
0x2: {  	s0 =	stileid.u32;
	s5 =	rddreg [dreg:$0x0]  }
0x3: {  	s2 =	rddreg [dreg:$0x1];
	s3 =	simm.s32 $0x0;
	s19 =	simm.s32 $0x14A0  }
0x4: {  	s20 =	simm.s32 $0x1;
	s21 =	simm.s32 $0x50;
	s7 =	smul.u32 $0x9C40, s0  }
0x5: {  	s22 =	simm.s32 $0xA0;
	s23 =	simm.s32 $0x0;
	s9 =	smul.u32 $0x14000, s0  }
0x6: {  	s6 =	sand.u32 $0x1, s1;
	s1 =	rddreg [dreg:$0x2];
	s28 =	smul.u32 $0x50000, s0  }
0x7: {  	[smem:$0x7FF] =	sst s3;
	s4 =	sadd.s32 $0x7B000, s5;
	s8 =	smul.u32 $0x4E20, s6  }
0x8: {  	s10 =	smul.u32 $0x140000, s6;
	_ =	strace $0x8000004A;
	s6 =	ssub.s32 $0x2, s6  }
0x9: {  	s30 =	sshrl.u32 s6, $0x1;
	s31 =	sshrl.u32 s28, $0x2;
	s7 =	sadd.s32 s8, s7  }
0xa: {  	s26 =	sadd.s32 s9, s10;
	s16 =	ssub.s32 s6, s30;
	s14 =	sadd.s32 s31, s2  }
0xb: {  	s7 =	sshrl.u32 s7, $0x3;
	s29 =	sshrl.u32 s26, $0x3;
	s6 =	sadd.s32 $0x2000, s14  }
0xc: {  	s8 =	sadd.s32 $0x6000, s14;
	s10 =	sadd.s32 $0xA000, s14;
	s11 =	sadd.s32 $0xC000, s14  }
0xd: {  	s12 =	sadd.s32 $0xE000, s14;
	s13 =	sadd.s32 $0x10000, s14;
	s16 =	smax.u32 s16, $0x1  }
0xe: {  	s18 =	sadd.s32 s7, s5;
	s15 =	sadd.s32 s29, s5;
	s5 =	sadd.s32 s9, s2  }
0xf: {  	s7 =	sadd.s32 $0x4000, s14;
	s9 =	sadd.s32 $0x8000, s14;
	s14 =	sadd.s32 $0x12000, s14  }
0x10: {  	v0 =	vimm.f32 $0.0e+00;
	s15 =	sadd.s32 $0xA3000, s15;
	s17 =	sadd.s32 $0x3C00, s18;
	s18 =	sadd.s32 $0x17600, s18  }
.LBB2_1:
0x11: {  	s25 =	simm.s32 $0x100;
	s24 =	simm.s32 $0x0  }
.LBB2_2:
0x12: {  	p0 =	sne.s32 s25, $0x7F00;
	[tilespmem:s24+$0x14D0] =	vst v0;
	s26 =	smov.u32 s25;
	s25 =	sadd.s32 $0x100, s25  }
.Ltmp0:
0x13: {  	[tilespmem:s24+$0x14C0] =	vst v0;
	(pc) =	sbr.rel @p0 .LBB2_2-.Ltmp0, $3  }
0x14: {  	[tilespmem:s24+$0x14A0] =	vst v0  }
0x15: {  	[tilespmem:s24+$0x14B0] =	vst v0;
	_ =	sdelay $0x1  }
0x16: {  	s24 =	sshra.s32 s26, $0x2  }
0x17: {  	[tilespmem:s24+$0x14D0] =	vst v0  }
0x18: {  	[tilespmem:s24+$0x14C0] =	vst v0  }
0x19: {  	[tilespmem:s24+$0x14A0] =	vst v0  }
0x1a: {  	[tilespmem:s24+$0x14B0] =	vst v0  }
0x1b: {  	[spmem:s5] =	stream.linear.scatter [tilespmem:s19], [sflag:$0x1], $0x2000, $0x38;
	[tilespmem:$0x174A0] =	vst v63  }
0x1c: {  	_ =	swait.ge [sflag:s20], $0x2000  }
0x1d: {  	[sflag:s20] =	ssyncset.done $0x0  }
0x1e: {  	[sflag:s20] =	ssyncadd.s32 $0xFFFFE000  }
0x1f: {  	[spmem:s6] =	stream.linear.scatter [tilespmem:s19], [sflag:$0x1], $0x2000, $0x38;
	[tilespmem:$0x174A0] =	vst v63  }
0x20: {  	_ =	swait.ge [sflag:s20], $0x2000  }
0x21: {  	[sflag:s20] =	ssyncset.done $0x0  }
0x22: {  	[sflag:s20] =	ssyncadd.s32 $0xFFFFE000  }
0x23: {  	[spmem:s7] =	stream.linear.scatter [tilespmem:s19], [sflag:$0x1], $0x2000, $0x38;
	[tilespmem:$0x174A0] =	vst v63  }
0x24: {  	_ =	swait.ge [sflag:s20], $0x2000  }
0x25: {  	[sflag:s20] =	ssyncset.done $0x0  }
0x26: {  	[sflag:s20] =	ssyncadd.s32 $0xFFFFE000  }
0x27: {  	[spmem:s8] =	stream.linear.scatter [tilespmem:s19], [sflag:$0x1], $0x2000, $0x38;
	[tilespmem:$0x174A0] =	vst v63  }
0x28: {  	_ =	swait.ge [sflag:s20], $0x2000  }
0x29: {  	[sflag:s20] =	ssyncset.done $0x0  }
0x2a: {  	[sflag:s20] =	ssyncadd.s32 $0xFFFFE000  }
0x2b: {  	[spmem:s9] =	stream.linear.scatter [tilespmem:s19], [sflag:$0x1], $0x2000, $0x38;
	[tilespmem:$0x174A0] =	vst v63  }
0x2c: {  	_ =	swait.ge [sflag:s20], $0x2000  }
0x2d: {  	[sflag:s20] =	ssyncset.done $0x0  }
0x2e: {  	[sflag:s20] =	ssyncadd.s32 $0xFFFFE000  }
0x2f: {  	[spmem:s10] =	stream.linear.scatter [tilespmem:s19], [sflag:$0x1], $0x2000, $0x38;
	[tilespmem:$0x174A0] =	vst v63  }
0x30: {  	_ =	swait.ge [sflag:s20], $0x2000  }
0x31: {  	[sflag:s20] =	ssyncset.done $0x0  }
0x32: {  	[sflag:s20] =	ssyncadd.s32 $0xFFFFE000  }
0x33: {  	[spmem:s11] =	stream.linear.scatter [tilespmem:s19], [sflag:$0x1], $0x2000, $0x38;
	[tilespmem:$0x174A0] =	vst v63  }
0x34: {  	_ =	swait.ge [sflag:s20], $0x2000  }
0x35: {  	[sflag:s20] =	ssyncset.done $0x0  }
0x36: {  	[sflag:s20] =	ssyncadd.s32 $0xFFFFE000  }
0x37: {  	[spmem:s12] =	stream.linear.scatter [tilespmem:s19], [sflag:$0x1], $0x2000, $0x38;
	[tilespmem:$0x174A0] =	vst v63  }
0x38: {  	_ =	swait.ge [sflag:s20], $0x2000  }
0x39: {  	[sflag:s20] =	ssyncset.done $0x0  }
0x3a: {  	[sflag:s20] =	ssyncadd.s32 $0xFFFFE000  }
0x3b: {  	[spmem:s13] =	stream.linear.scatter [tilespmem:s19], [sflag:$0x1], $0x2000, $0x38;
	[tilespmem:$0x174A0] =	vst v63  }
0x3c: {  	_ =	swait.ge [sflag:s20], $0x2000  }
0x3d: {  	[sflag:s20] =	ssyncset.done $0x0  }
0x3e: {  	[sflag:s20] =	ssyncadd.s32 $0xFFFFE000  }
0x3f: {  	[spmem:s14] =	stream.linear.scatter [tilespmem:s19], [sflag:$0x1], $0x2000, $0x38;
	[tilespmem:$0x174A0] =	vst v63  }
0x40: {  	_ =	swait.ge [sflag:s20], $0x2000  }
0x41: {  	[sflag:s20] =	ssyncset.done $0x0  }
0x42: {  	[sflag:s20] =	ssyncadd.s32 $0xFFFFE000  }
0x43: {  	s30 =	sadd.s32 $0x0, s18;
	[bflag:$0x0] =	sbarrier.arrive $0xFFFF  }
0x44: {  	[tilespmem:s3], [sflag:$0x1] =	stream.linear.gather [hbm4b:s30+s3], $0x50, $0x38;
	[tilespmem:$0x174A0] =	vst v63  }
0x45: {  	_ =	swait.ge [sflag:s20], $0x50  }
0x46: {  	[sflag:s20] =	ssyncset.done $0x0  }
0x47: {  	s31 =	sadd.s32 $0x0, s17;
	[sflag:s20] =	ssyncadd.s32 $0xFFFFFFB0  }
0x48: {  	[tilespmem:s21], [sflag:$0x1] =	stream.linear.gather [hbm4b:s31+s3], $0x50, $0x38;
	[tilespmem:$0x174A0] =	vst v63  }
0x49: {  	_ =	swait.ge [sflag:s20], $0x50  }
0x4a: {  	[sflag:s20] =	ssyncset.done $0x0  }
0x4b: {  	[sflag:s20] =	ssyncadd.s32 $0xFFFFFFB0  }
0x4c: {  	[tilespmem:s22], [sflag:$0x1] =	stream.indirect.gather [hbm4b:s4+s21], $0x40, s3, s21, $0xb8;
	[tilespmem:$0x174A0] =	vst v63  }
0x4d: {  	_ =	swait.ge [sflag:s20], $0x1400  }
0x4e: {  	[sflag:s20] =	ssyncset.done $0x0  }
0x4f: {  	[sflag:s20] =	ssyncadd.s32 $0xFFFFEC00  }
0x50: {  	[spmem:s2] =	stream.indirect.scatter.add.f32 [tilespmem:s22], [sflag:$0x1], $0x40, s21, s21, $0xb8;
	[tilespmem:$0x174A0] =	vst v63  }
0x51: {  	_ =	swait.ge [sflag:s20], $0x1400  }
0x52: {  	s24 =	simm.s32 $0xA;
	s25 =	simm.s32 $0x14;
	[sflag:s20] =	ssyncset.done $0x0  }
.LBB2_4:
0x53: {  	s26 =	sadd.s32 s24, s18  }
0x54: {  	[sflag:s20] =	ssyncadd.s32 $0xFFFFEC00;
	s28 =	smov.u32 s25;
	s29 =	sadd.s32 $0xA, s25  }
0x55: {  	[tilespmem:s3], [sflag:$0x1] =	stream.linear.gather [hbm4b:s26+s3], $0x50, $0x38;
	[tilespmem:$0x174A0] =	vst v63  }
0x56: {  	p0 =	sne.s32 s25, $0x9BA;
	_ =	swait.ge [sflag:s20], $0x50  }
0x57: {  	[sflag:s20] =	ssyncset.done $0x0  }
0x58: {  	s25 =	sadd.s32 s24, s17;
	s24 =	smov.u32 s28;
	[sflag:s20] =	ssyncadd.s32 $0xFFFFFFB0  }
0x59: {  	[tilespmem:s21], [sflag:$0x1] =	stream.linear.gather [hbm4b:s25+s3], $0x50, $0x38;
	[tilespmem:$0x174A0] =	vst v63  }
0x5a: {  	_ =	swait.ge [sflag:s20], $0x50  }
0x5b: {  	[sflag:s20] =	ssyncset.done $0x0  }
0x5c: {  	[sflag:s20] =	ssyncadd.s32 $0xFFFFFFB0  }
0x5d: {  	[tilespmem:s22], [sflag:$0x1] =	stream.indirect.gather [hbm4b:s4+s21], $0x40, s3, s21, $0xb8;
	[tilespmem:$0x174A0] =	vst v63  }
0x5e: {  	_ =	swait.ge [sflag:s20], $0x1400  }
.Ltmp1:
0x5f: {  	[sflag:s20] =	ssyncset.done $0x0;
	(pc) =	sbr.rel @p0 .LBB2_4-.Ltmp1, $4  }
0x60: {  	[sflag:s20] =	ssyncadd.s32 $0xFFFFEC00  }
0x61: {  	[spmem:s2] =	stream.indirect.scatter.add.f32 [tilespmem:s22], [sflag:$0x1], $0x40, s21, s21, $0xb8;
	[tilespmem:$0x174A0] =	vst v63  }
0x62: {  	_ =	swait.ge [sflag:s20], $0x1400  }
0x63: {  	s25 =	smov.u32 s29;
	[sflag:s20] =	ssyncset.done $0x0  }
0x64: {  	s25 =	sadd.s32 s24, s18;
	[sflag:s20] =	ssyncadd.s32 $0xFFFFEC00  }
0x65: {  	[tilespmem:s3], [sflag:$0x1] =	stream.linear.gather [hbm4b:s25+s3], $0x50, $0x38;
	[tilespmem:$0x174A0] =	vst v63  }
0x66: {  	_ =	swait.ge [sflag:s20], $0x50  }
0x67: {  	[sflag:s20] =	ssyncset.done $0x0  }
0x68: {  	s29 =	sadd.s32 s24, s17;
	[sflag:s20] =	ssyncadd.s32 $0xFFFFFFB0  }
0x69: {  	[tilespmem:s21], [sflag:$0x1] =	stream.linear.gather [hbm4b:s29+s3], $0x50, $0x38;
	[tilespmem:$0x174A0] =	vst v63  }
0x6a: {  	_ =	swait.ge [sflag:s20], $0x50  }
0x6b: {  	[sflag:s20] =	ssyncset.done $0x0  }
0x6c: {  	[sflag:s20] =	ssyncadd.s32 $0xFFFFFFB0  }
0x6d: {  	[tilespmem:s22], [sflag:$0x1] =	stream.indirect.gather [hbm4b:s4+s21], $0x40, s3, s21, $0xb8;
	[tilespmem:$0x174A0] =	vst v63  }
0x6e: {  	_ =	swait.ge [sflag:s20], $0x1400  }
0x6f: {  	[sflag:s20] =	ssyncset.done $0x0  }
0x70: {  	[sflag:s20] =	ssyncadd.s32 $0xFFFFEC00  }
0x71: {  	[spmem:s2] =	stream.indirect.scatter.add.f32 [tilespmem:s22], [sflag:$0x1], $0x40, s21, s21, $0xb8;
	[tilespmem:$0x174A0] =	vst v63  }
0x72: {  	_ =	swait.ge [sflag:s20], $0x1400  }
0x73: {  	s30 =	sshll.u32 s0, $0x6;
	s23 =	sadd.s32 $0x1, s23;
	[sflag:s20] =	ssyncset.done $0x0  }
0x74: {  	s31 =	sshrl.u32 s5, $0x3;
	p0 =	sne.s32 s23, s16;
	[sflag:s20] =	ssyncadd.s32 $0xFFFFEC00  }
.Ltmp2:
0x75: {  	s24 =	sor.u32 $0x1C01, s30;
	[bflag:$0x0] =	sbarrier.arrive $0xFFFF;
	(pc) =	sbr.rel @p0 .LBB2_1-.Ltmp2, $4  }
0x76: {  	[hbm:s15], [sflag:s24] =	dma.local [spmem:s31], $0x2800  }
0x77: {  	_ =	swait.ge [sflag:s20], $0x2800  }
0x78: {  	[sflag:s20] =	ssyncset.done $0x0  }
0x79: {  	[sflag:s20] =	ssyncadd.s32 $0xFFFFD800  }
0x7a: {  	_ =	sfence.sel $0x180000  }
0x7b: {  	[bflag:$0x0] =	sbarrier.arrive $0xFFFF  }
0x7c: {  	p0 =	sne.s32 s0, $0x0;
	_ =	strace $0x9000004A  }
0x7d: {  	s0 =	sadd.s32 @!p0 $0x100000, s1;
	[bflag:$0x2] =	sbarrier.arrive $0xFFFF  }
0x7e: {  	[sflag:s0] =	ssyncadd.tile.s32 @!p0 $0x1;
	_ =	shalt  }
.Lfunc_end2:
_tile_overlayer_lowered:
.L_overlay_start_2:
0x7f: {  	(tag) =	ssettag $0x2  }
0x80: {  	s0 =	rddreg [dreg:$0x0];
	s2 =	stileid.u32  }
0x81: {  	s1 =	rddreg [dreg:$0x1];
	p0 =	sne.s32 s2, $0x0  }
0x82: {  	s3 =	rddreg [dreg:$0x2];
	[bflag:$0x3] =	sbarrier.arrive $0xFFFF;
	s2 =	simm.s32 @!p0 $0x1C01  }
0x83: {  	[timem:s3], [sflag:s2] =	dma.local @!p0 [hbm:s0], s1  }
0x84: {  	s0 =	simm.s32 @!p0 $0x1  }
0x85: {  	_ =	swait.ge @!p0 [sflag:s0], s1  }
0x86: {  	s1 =	ssub.s32 @!p0 $0x0, s1;
	[sflag:s0] =	ssyncset.done @!p0 $0x0  }
0x87: {  	[sflag:s0] =	ssyncadd.s32 @!p0 s1  }
0x88: {  	[bflag:$0x3] =	sbarrier.arrive $0xFFFF  }
0x89: {  	_ =	shalt  }

// kernel: kernel.16.cloned.1.call-start
scs
__scs_entry_jumppad:
0x0: {  	(pc) =	sbr.rel $0x88, $3  }
0x1: {  	(tag) =	ssettag $0x0;
	lr =	simm.s32 $0x1  }
0x2: {  	[smem:$0x3F8F] =	sst lr;
	_ =	strace $0xD0000000  }
0x3: {  	_ = 	snop  }
0x4: {  	_ = 	snop  }
0x5: {  	_ = 	snop  }
0x6: {  	_ = 	snop  }
0x7: {  	_ = 	snop  }
__scs_overlays_trampoline_lowered:
0x8: {  	[smem:$0x3F9E] =	sst s0  }
0x9: {  	[smem:$0x3F9F] =	sst s1  }
0xa: {  	[smem:$0x3FA0] =	sst s2  }
0xb: {  	[smem:$0x3FA1] =	sst s3  }
0xc: {  	[smem:$0x3FA2] =	sst s4  }
0xd: {  	[smem:$0x3FA3] =	sst s5  }
0xe: {  	[smem:$0x3FA4] =	sst s6  }
0xf: {  	[smem:$0x3FA5] =	sst s7  }
0x10: {  	[smem:$0x3FA6] =	sst s8  }
0x11: {  	[smem:$0x3FA7] =	sst s9;
	s0 =	simm.s32 @!p0 $0x0  }
0x12: {  	s1 =	sld [smem:$0x3F8D];
	s0 =	simm.s32 @p0 $0x1  }
0x13: {  	[smem:$0x3FA8] =	sst s0;
	s0 =	simm.s32 @!p1 $0x0  }
0x14: {  	s2 =	sld [smem:$0x3F8C];
	s0 =	simm.s32 @p1 $0x1  }
0x15: {  	[smem:$0x3FA9] =	sst s0;
	s0 =	simm.s32 @!p2 $0x0  }
0x16: {  	s3 =	sld [smem:$0x3FDB];
	s0 =	simm.s32 @p2 $0x1  }
0x17: {  	s4 =	simm.s32 $0x1BF5;
	[smem:$0x3FAB] =	sst s0  }
0x18: {  	s0 =	sld [smem:$0x3F8E];
	_ =	swait.ge [sflag:s4], $0x0  }
0x19: {  	s7 =	sld [smem:$0x3F8F]  }
0x1a: {  	s8 =	sadd.s32 $0xFFFFE003, lr  }
0x1b: {  	s9 =	sadd.s32 $0xFFFFFEF7, lr;
	s5 =	simm.s32 $0xFFFFFFFF;
	p2 =	slt.u32 s8, $0xFFFFF086  }
0x1c: {  	p1 =	slt.u32 s9, $0xF7A;
	s5 =	simm.s32 @!p2 $0x0  }
0x1d: {  	s5 =	simm.s32 @p1 $0x1;
	p0 =	seq.s32 s7, s2  }
0x1e: {  	s7 =	smul.u32 @!p0 $0xF7A, s2;
	p2 =	seq.s32 @!p0 s5, $0x0  }
0x1f: {  	s9 =	smul.u32 $0xF7A, s1;
	s8 =	simm.s32 @!p0 $0x1BF5;
	p2 =	por !p2, p0  }
0x20: {  	[sflag:s8] =	ssyncset.s32 @!p0 $0xFFFFF086;
	s6 =	sadd.s32 @!p0 s3, s7;
	s7 =	simm.s32 @!p0 $0x108  }
0x21: {  	s3 =	sadd.s32 s3, s9;
	s6 =	sadd.s32 @!p0 $0x88, s6;
	s7 =	simm.s32 @p2 $0x1082  }
0x22: {  	[simem:s7], [sflag:s8] =	dma.local @!p0 [hbm:s6], $0xF7A  }
0x23: {  	s9 =	sor.u32 $0xD0000000, s2;
	s6 =	simm.s32 $0x108;
	_ =	swait.ge @!p0 [sflag:s8], $0x0  }
0x24: {  	s3 =	sadd.s32 $0x88, s3;
	s6 =	simm.s32 @!p1 $0x1082;
	[sflag:s4] =	ssyncset.s32 $0xFFFFF086  }
0x25: {  	[simem:s6], [sflag:s4] =	dma.local [hbm:s3], $0xF7A  }
0x26: {  	[smem:$0x3F8F] =	sst s1;
	(tag) =	ssettag s2;
	_ =	strace s9  }
0x27: {  	s1 =	sld [smem:$0x3F9F]  }
0x28: {  	s2 =	sld [smem:$0x3FA0]  }
0x29: {  	s4 =	sld [smem:$0x3FA2]  }
0x2a: {  	p0 =	seq.s32 s5, $0x0;
	s5 =	sld [smem:$0x3FA3]  }
0x2b: {  	s6 =	sld [smem:$0x3FA4]  }
0x2c: {  	s7 =	sld [smem:$0x3FA5]  }
0x2d: {  	s3 =	simm.s32 $0x108;
	s8 =	sld [smem:$0x3FA6]  }
0x2e: {  	s3 =	simm.s32 @!p0 $0x1082;
	s9 =	sld [smem:$0x3FA7]  }
0x2f: {  	lr =	sadd.s32 s0, s3;
	s0 =	sld [smem:$0x3F9E]  }
0x30: {  	s3 =	sld [smem:$0x3FA1]  }
0x31: {  	[smem:$0x3FAA] =	sst s10  }
0x32: {  	s10 =	sld [smem:$0x3FA8];
	_ =	sdelay $0x3  }
0x33: {  	p0 =	seq.s32 s10, $0x1;
	s10 =	sld [smem:$0x3FAA];
	_ =	sdelay $0x3  }
0x34: {  	[smem:$0x3FAA] =	sst s10  }
0x35: {  	s10 =	sld [smem:$0x3FA9];
	_ =	sdelay $0x3  }
0x36: {  	p1 =	seq.s32 s10, $0x1;
	s10 =	sld [smem:$0x3FAA];
	_ =	sdelay $0x3  }
0x37: {  	[smem:$0x3FAA] =	sst s10  }
0x38: {  	s10 =	sld [smem:$0x3FAB]  }
0x39: {  	_ = 	snop;
	(pc) =	sbr.ind lr, $3  }
0x3a: {  	_ = 	snop  }
0x3b: {  	_ = 	snop  }
0x3c: {  	p2 =	seq.s32 s10, $0x1;
	s10 =	sld [smem:$0x3FAA]  }
0x3d: {  	_ =	shalt  }
0x3e: {  	_ =	shalt  }
0x3f: {  	_ =	shalt  }
0x40: {  	_ =	shalt  }
0x41: {  	_ =	shalt  }
0x42: {  	_ =	shalt  }
0x43: {  	_ =	shalt  }
0x44: {  	_ =	shalt  }
0x45: {  	_ =	shalt  }
0x46: {  	_ =	shalt  }
0x47: {  	_ =	shalt  }
0x48: {  	_ =	shalt  }
0x49: {  	_ =	shalt  }
0x4a: {  	_ =	shalt  }
0x4b: {  	_ =	shalt  }
0x4c: {  	_ =	shalt  }
0x4d: {  	_ =	shalt  }
0x4e: {  	_ =	shalt  }
0x4f: {  	_ =	shalt  }
0x50: {  	_ =	shalt  }
0x51: {  	_ =	shalt  }
0x52: {  	_ =	shalt  }
0x53: {  	_ =	shalt  }
0x54: {  	_ =	shalt  }
0x55: {  	_ =	shalt  }
0x56: {  	_ =	shalt  }
0x57: {  	_ =	shalt  }
0x58: {  	_ =	shalt  }
0x59: {  	_ =	shalt  }
0x5a: {  	_ =	shalt  }
0x5b: {  	_ =	shalt  }
0x5c: {  	_ =	shalt  }
0x5d: {  	_ =	shalt  }
0x5e: {  	_ =	shalt  }
0x5f: {  	_ =	shalt  }
0x60: {  	_ =	shalt  }
0x61: {  	_ =	shalt  }
0x62: {  	_ =	shalt  }
0x63: {  	_ =	shalt  }
0x64: {  	_ =	shalt  }
0x65: {  	_ =	shalt  }
0x66: {  	_ =	shalt  }
0x67: {  	_ =	shalt  }
0x68: {  	_ =	shalt  }
0x69: {  	_ =	shalt  }
0x6a: {  	_ =	shalt  }
0x6b: {  	_ =	shalt  }
0x6c: {  	_ =	shalt  }
0x6d: {  	_ =	shalt  }
0x6e: {  	_ =	shalt  }
0x6f: {  	_ =	shalt  }
0x70: {  	_ =	shalt  }
0x71: {  	_ =	shalt  }
0x72: {  	_ =	shalt  }
0x73: {  	_ =	shalt  }
0x74: {  	_ =	shalt  }
0x75: {  	_ =	shalt  }
0x76: {  	_ =	shalt  }
0x77: {  	_ =	shalt  }
0x78: {  	_ =	shalt  }
0x79: {  	_ =	shalt  }
0x7a: {  	_ =	shalt  }
0x7b: {  	_ =	shalt  }
0x7c: {  	_ =	shalt  }
0x7d: {  	_ =	shalt  }
0x7e: {  	_ =	shalt  }
0x7f: {  	_ =	shalt  }
0x80: {  	_ =	shalt  }
0x81: {  	_ =	shalt  }
0x82: {  	_ =	shalt  }
0x83: {  	_ =	shalt  }
0x84: {  	_ =	shalt  }
0x85: {  	_ =	shalt  }
0x86: {  	_ =	shalt  }
0x87: {  	_ =	shalt  }
.Lfunc_end0:
.L_simem_size_0:
called_computation.2_lowered:
.L_overlay_start_0:
0x88: {  	s2 =	sld [smem:$0x3FD9]  }
0x89: {  	s3 =	sld [smem:$0x3FFE];
	_ =	sdelay $0x1  }
0x8a: {  	s1 =	srdreg.scid  }
0x8b: {  	s0 =	sand.u32 $0x1, s1  }
0x8c: {  	s16 =	sshll.u32 s0, $0xA;
	s2 =	sadd.s32 s3, s2  }
0x8d: {  	s2 =	sadd.s32 s2, s16  }
0x8e: {  	[smem:$0x3FB6] =	sst s2  }
0x8f: {  	_ = 	snop  }
0x90: {  	(tm) =	ssettm $0x1  }
0x91: {  	s17 =	sld [smem:$0x3FFB];
	_ =	sdelay $0x3  }
0x92: {  	_ =	strace s17  }
0x93: {  	s2 =	sld [smem:$0x3FFC];
	_ =	sdelay $0x3  }
0x94: {  	_ =	strace s2  }
0x95: {  	s2 =	sld [smem:$0x3FFD];
	_ =	sdelay $0x3  }
0x96: {  	_ =	strace s2  }
0x97: {  	_ =	strace $0x8FFFFFFF  }
0x98: {  	s18 =	sld [smem:$0x3FDB];
	_ =	sdelay $0x1  }
0x99: {  	s19 =	simm.s32 $_scs_section_size  }
0x9a: {  	s4 =	simm.s32 $_size__tile_overlayer_lowered;
	s5 =	simm.s32 $_tile_overlayer_lowered  }
0x9b: {  	s22 =	simm.s32 $0x1BFF;
	s21 =	sshll.u32 s5, $0x1;
	s2 =	sadd.s32 s19, s18  }
0x9c: {  	s6 =	simm.s32 $0x0;
	s20 =	sshll.u32 s4, $0x1;
	s4 =	sadd.s32 s21, s2  }
0x9d: {  	[timem:s6], [sflag:s22] =	dma.local [hbm:s4], s20  }
0x9e: {  	_ =	swait.ge [sflag:s22], s20  }
0x9f: {  	s3 =	ssub.s32 $0x0, s20;
	[sflag:s22] =	ssyncset.done $0x0  }
0xa0: {  	[sflag:s22] =	ssyncadd.s32 s3;
	_ =	sdelay $0x1  }
0xa1: {  	s23 =	simm.s32 $0x1B8B  }
0xa2: {  	_ =	swait.ge [sflag:s23], $0x1  }
0xa3: {  	[sflag:s23] =	ssyncset.done $0x0  }
0xa4: {  	s25 =	simm.s32 $0x1B8E;
	s24 =	sld [smem:$0x3FFE];
	[sflag:s23] =	ssyncadd.s32 $0xFFFFFFFF  }
0xa5: {  	s26 =	simm.s32 $execute0_lowered;
	[smem:$0x3FD2] =	sst s25  }
0xa6: {  	s4 =	sshll.u32 s26, $0x1;
	_ =	strace $0x8000004C;
	[dreg:$0x1] =	wrdreg $0xFFFFFFFF  }
0xa7: {  	s28 =	simm.s32 $_size_execute0_lowered;
	s2 =	sadd.s32 s2, s4;
	[dreg:$0x0] =	wrdreg $0x0  }
0xa8: {  	s4 =	sshll.u32 s28, $0x1;
	[dreg:$0x2] =	wrdreg s2  }
0xa9: {  	[dreg:$0x3] =	wrdreg s4  }
0xaa: {  	[dreg:$0x4] =	wrdreg $0xC0  }
0xab: {  	_ =	task [dreg:s6], $0x5FFFF  }
0xac: {  	[dreg:$0x1] =	wrdreg $0xFFFFFFFF  }
0xad: {  	[dreg:$0x0] =	wrdreg $0x60  }
0xae: {  	[dreg:$0x2] =	wrdreg s24  }
0xaf: {  	[dreg:$0x3] =	wrdreg $0x1AA00  }
0xb0: {  	[dreg:$0x4] =	wrdreg $0x9  }
0xb1: {  	_ =	task.clear_ibuf [dreg:s6], $0x5FFFF;
	_ =	strace $0x9000004C  }
0xb2: {  	s29 =	simm.s32 $0x9;
	_ =	strace $0x8000004E  }
0xb3: {  	_ =	swait.ge [sflag:s29], $0x1  }
0xb4: {  	[sflag:s29] =	ssyncadd.s32 $0xFFFFFFFF  }
0xb5: {  	_ =	strace $0x9000004E  }
0xb6: {  	_ =	sfence  }
0xb7: {  	s30 =	sld [smem:$0x0];
	_ =	sdelay $0x2  }
0xb8: {  	s31 =	sshll.u32 s1, $0xD;
	s1 =	sshrl.u32 s1, $0x2  }
0xb9: {  	s3 =	sand.u32 $0x4000, s31;
	s1 =	sadd.s32 s1, s30  }
0xba: {  	s0 =	sor.u32 s3, s0;
	s1 =	sshll.u32 s1, $0x11  }
0xbb: {  	s0 =	sor.u32 s1, s0  }
0xbc: {  	s0 =	sadd.s32 $0x8F2B, s0  }
0xbd: {  	[sflag:s0] =	ssyncadd.remote.s32 $0x1  }
0xbe: {  	_ =	sfence.sel $0xFFFF  }
0xbf: {  	[dreg:$0x0] =	wrdreg $0xFFFFFFFF;
	(pc) =	sbr.abs _section_cstart, $3  }
0xc0: {  	[dreg:$0x1] =	wrdreg $0xFFFFFFFF  }
0xc1: {  	_ =	task.clear_ibuf [dreg:s6], $0x2FFFF;
	_ =	strace $0x9FFFFFFF  }
0xc2: {  	(tm) =	ssettm $0x7FFFFFFF  }
0xc3: {  	_ =	shalt  }
tec
execute0_lowered:
.L_overlay_start_1:
0x0: {  	(tag) =	ssettag $0x1  }
0x1: {  	s1 =	srdreg.scid  }
0x2: {  	s0 =	stileid.u32;
	s5 =	rddreg [dreg:$0x0]  }
0x3: {  	s2 =	rddreg [dreg:$0x1];
	s3 =	simm.s32 $0x0;
	s19 =	simm.s32 $0xAA0  }
0x4: {  	s20 =	simm.s32 $0x1;
	s21 =	simm.s32 $0x50;
	s7 =	smul.u32 $0x9C40, s0  }
0x5: {  	s22 =	simm.s32 $0xA0;
	s23 =	simm.s32 $0x0;
	s9 =	smul.u32 $0xA000, s0  }
0x6: {  	s6 =	sand.u32 $0x1, s1;
	s1 =	rddreg [dreg:$0x2];
	s28 =	smul.u32 $0x28000, s0  }
0x7: {  	[smem:$0x7FF] =	sst s3;
	s4 =	sadd.s32 $0x7B000, s5;
	s8 =	smul.u32 $0x4E20, s6  }
0x8: {  	s10 =	smul.u32 $0xA0000, s6;
	_ =	strace $0x8000004D;
	s6 =	ssub.s32 $0x2, s6  }
0x9: {  	s30 =	sshrl.u32 s6, $0x1;
	s31 =	sshrl.u32 s28, $0x2;
	s7 =	sadd.s32 s8, s7  }
0xa: {  	s26 =	sadd.s32 s9, s10;
	s16 =	ssub.s32 s6, s30;
	s14 =	sadd.s32 s31, s2  }
0xb: {  	s7 =	sshrl.u32 s7, $0x3;
	s29 =	sshrl.u32 s26, $0x3;
	s6 =	sadd.s32 $0x1000, s14  }
0xc: {  	s8 =	sadd.s32 $0x3000, s14;
	s10 =	sadd.s32 $0x5000, s14;
	s11 =	sadd.s32 $0x6000, s14  }
0xd: {  	s12 =	sadd.s32 $0x7000, s14;
	s13 =	sadd.s32 $0x8000, s14;
	s16 =	smax.u32 s16, $0x1  }
0xe: {  	s18 =	sadd.s32 s7, s5;
	s15 =	sadd.s32 s29, s5;
	s5 =	sadd.s32 s9, s2  }
0xf: {  	s7 =	sadd.s32 $0x2000, s14;
	s9 =	sadd.s32 $0x4000, s14;
	s14 =	sadd.s32 $0x9000, s14  }
0x10: {  	v0 =	vimm.f32 $0.0e+00;
	s15 =	sadd.s32 $0x8F000, s15;
	s17 =	sadd.s32 $0x3C00, s18;
	s18 =	sadd.s32 $0x17600, s18  }
.LBB2_1:
0x11: {  	s24 =	simm.s32 $0x80;
	s25 =	simm.s32 $0x0  }
.LBB2_2:
0x12: {  	p0 =	sne.s32 s24, $0x3F80;
	[tilespmem:s25+$0xAA0] =	vst v0;
	s26 =	smov.u32 s24;
	s24 =	sadd.s32 $0x80, s24  }
.Ltmp0:
0x13: {  	[tilespmem:s25+$0xAB0] =	vst v0;
	(pc) =	sbr.rel @p0 .LBB2_2-.Ltmp0, $2  }
0x14: {  	_ =	sdelay $0x2  }
0x15: {  	s25 =	sshra.s32 s26, $0x2  }
0x16: {  	[tilespmem:s25+$0xAA0] =	vst v0  }
0x17: {  	[tilespmem:s25+$0xAB0] =	vst v0  }
0x18: {  	[spmem:s5] =	stream.linear.scatter [tilespmem:s19], [sflag:$0x1], $0x1000, $0x38;
	[tilespmem:$0xBAA0] =	vst v63  }
0x19: {  	_ =	swait.ge [sflag:s20], $0x1000  }
0x1a: {  	[sflag:s20] =	ssyncset.done $0x0  }
0x1b: {  	[sflag:s20] =	ssyncadd.s32 $0xFFFFF000  }
0x1c: {  	[spmem:s6] =	stream.linear.scatter [tilespmem:s19], [sflag:$0x1], $0x1000, $0x38;
	[tilespmem:$0xBAA0] =	vst v63  }
0x1d: {  	_ =	swait.ge [sflag:s20], $0x1000  }
0x1e: {  	[sflag:s20] =	ssyncset.done $0x0  }
0x1f: {  	[sflag:s20] =	ssyncadd.s32 $0xFFFFF000  }
0x20: {  	[spmem:s7] =	stream.linear.scatter [tilespmem:s19], [sflag:$0x1], $0x1000, $0x38;
	[tilespmem:$0xBAA0] =	vst v63  }
0x21: {  	_ =	swait.ge [sflag:s20], $0x1000  }
0x22: {  	[sflag:s20] =	ssyncset.done $0x0  }
0x23: {  	[sflag:s20] =	ssyncadd.s32 $0xFFFFF000  }
0x24: {  	[spmem:s8] =	stream.linear.scatter [tilespmem:s19], [sflag:$0x1], $0x1000, $0x38;
	[tilespmem:$0xBAA0] =	vst v63  }
0x25: {  	_ =	swait.ge [sflag:s20], $0x1000  }
0x26: {  	[sflag:s20] =	ssyncset.done $0x0  }
0x27: {  	[sflag:s20] =	ssyncadd.s32 $0xFFFFF000  }
0x28: {  	[spmem:s9] =	stream.linear.scatter [tilespmem:s19], [sflag:$0x1], $0x1000, $0x38;
	[tilespmem:$0xBAA0] =	vst v63  }
0x29: {  	_ =	swait.ge [sflag:s20], $0x1000  }
0x2a: {  	[sflag:s20] =	ssyncset.done $0x0  }
0x2b: {  	[sflag:s20] =	ssyncadd.s32 $0xFFFFF000  }
0x2c: {  	[spmem:s10] =	stream.linear.scatter [tilespmem:s19], [sflag:$0x1], $0x1000, $0x38;
	[tilespmem:$0xBAA0] =	vst v63  }
0x2d: {  	_ =	swait.ge [sflag:s20], $0x1000  }
0x2e: {  	[sflag:s20] =	ssyncset.done $0x0  }
0x2f: {  	[sflag:s20] =	ssyncadd.s32 $0xFFFFF000  }
0x30: {  	[spmem:s11] =	stream.linear.scatter [tilespmem:s19], [sflag:$0x1], $0x1000, $0x38;
	[tilespmem:$0xBAA0] =	vst v63  }
0x31: {  	_ =	swait.ge [sflag:s20], $0x1000  }
0x32: {  	[sflag:s20] =	ssyncset.done $0x0  }
0x33: {  	[sflag:s20] =	ssyncadd.s32 $0xFFFFF000  }
0x34: {  	[spmem:s12] =	stream.linear.scatter [tilespmem:s19], [sflag:$0x1], $0x1000, $0x38;
	[tilespmem:$0xBAA0] =	vst v63  }
0x35: {  	_ =	swait.ge [sflag:s20], $0x1000  }
0x36: {  	[sflag:s20] =	ssyncset.done $0x0  }
0x37: {  	[sflag:s20] =	ssyncadd.s32 $0xFFFFF000  }
0x38: {  	[spmem:s13] =	stream.linear.scatter [tilespmem:s19], [sflag:$0x1], $0x1000, $0x38;
	[tilespmem:$0xBAA0] =	vst v63  }
0x39: {  	_ =	swait.ge [sflag:s20], $0x1000  }
0x3a: {  	[sflag:s20] =	ssyncset.done $0x0  }
0x3b: {  	[sflag:s20] =	ssyncadd.s32 $0xFFFFF000  }
0x3c: {  	[spmem:s14] =	stream.linear.scatter [tilespmem:s19], [sflag:$0x1], $0x1000, $0x38;
	[tilespmem:$0xBAA0] =	vst v63  }
0x3d: {  	_ =	swait.ge [sflag:s20], $0x1000  }
0x3e: {  	[sflag:s20] =	ssyncset.done $0x0  }
0x3f: {  	[sflag:s20] =	ssyncadd.s32 $0xFFFFF000  }
0x40: {  	s24 =	sadd.s32 $0x0, s18;
	[bflag:$0x0] =	sbarrier.arrive $0xFFFF  }
0x41: {  	[tilespmem:s3], [sflag:$0x1] =	stream.linear.gather [hbm4b:s24+s3], $0x50, $0x38;
	[tilespmem:$0xBAA0] =	vst v63  }
0x42: {  	_ =	swait.ge [sflag:s20], $0x50  }
0x43: {  	[sflag:s20] =	ssyncset.done $0x0  }
0x44: {  	s31 =	sadd.s32 $0x0, s17;
	[sflag:s20] =	ssyncadd.s32 $0xFFFFFFB0  }
0x45: {  	[tilespmem:s21], [sflag:$0x1] =	stream.linear.gather [hbm4b:s31+s3], $0x50, $0x38;
	[tilespmem:$0xBAA0] =	vst v63  }
0x46: {  	_ =	swait.ge [sflag:s20], $0x50  }
0x47: {  	[sflag:s20] =	ssyncset.done $0x0  }
0x48: {  	[sflag:s20] =	ssyncadd.s32 $0xFFFFFFB0  }
0x49: {  	[tilespmem:s22], [sflag:$0x1] =	stream.indirect.gather [hbm4b:s4+s21], $0x20, s3, s21, $0xb8;
	[tilespmem:$0xBAA0] =	vst v63  }
0x4a: {  	_ =	swait.ge [sflag:s20], $0xA00  }
0x4b: {  	[sflag:s20] =	ssyncset.done $0x0  }
0x4c: {  	[sflag:s20] =	ssyncadd.s32 $0xFFFFF600  }
0x4d: {  	[spmem:s2] =	stream.indirect.scatter.add.f32 [tilespmem:s22], [sflag:$0x1], $0x20, s21, s21, $0xb8;
	[tilespmem:$0xBAA0] =	vst v63  }
0x4e: {  	_ =	swait.ge [sflag:s20], $0xA00  }
0x4f: {  	s25 =	simm.s32 $0x14;
	s24 =	simm.s32 $0xA;
	[sflag:s20] =	ssyncset.done $0x0  }
.LBB2_4:
0x50: {  	s26 =	sadd.s32 s24, s18  }
0x51: {  	[sflag:s20] =	ssyncadd.s32 $0xFFFFF600;
	s28 =	smov.u32 s25;
	s29 =	sadd.s32 $0xA, s25  }
0x52: {  	[tilespmem:s3], [sflag:$0x1] =	stream.linear.gather [hbm4b:s26+s3], $0x50, $0x38;
	[tilespmem:$0xBAA0] =	vst v63  }
0x53: {  	p0 =	sne.s32 s25, $0x9BA;
	_ =	swait.ge [sflag:s20], $0x50  }
0x54: {  	[sflag:s20] =	ssyncset.done $0x0  }
0x55: {  	s25 =	sadd.s32 s24, s17;
	s24 =	smov.u32 s28;
	[sflag:s20] =	ssyncadd.s32 $0xFFFFFFB0  }
0x56: {  	[tilespmem:s21], [sflag:$0x1] =	stream.linear.gather [hbm4b:s25+s3], $0x50, $0x38;
	[tilespmem:$0xBAA0] =	vst v63  }
0x57: {  	_ =	swait.ge [sflag:s20], $0x50  }
0x58: {  	[sflag:s20] =	ssyncset.done $0x0  }
0x59: {  	[sflag:s20] =	ssyncadd.s32 $0xFFFFFFB0  }
0x5a: {  	[tilespmem:s22], [sflag:$0x1] =	stream.indirect.gather [hbm4b:s4+s21], $0x20, s3, s21, $0xb8;
	[tilespmem:$0xBAA0] =	vst v63  }
0x5b: {  	_ =	swait.ge [sflag:s20], $0xA00  }
.Ltmp1:
0x5c: {  	[sflag:s20] =	ssyncset.done $0x0;
	(pc) =	sbr.rel @p0 .LBB2_4-.Ltmp1, $4  }
0x5d: {  	[sflag:s20] =	ssyncadd.s32 $0xFFFFF600  }
0x5e: {  	[spmem:s2] =	stream.indirect.scatter.add.f32 [tilespmem:s22], [sflag:$0x1], $0x20, s21, s21, $0xb8;
	[tilespmem:$0xBAA0] =	vst v63  }
0x5f: {  	_ =	swait.ge [sflag:s20], $0xA00  }
0x60: {  	s25 =	smov.u32 s29;
	[sflag:s20] =	ssyncset.done $0x0  }
0x61: {  	s25 =	sadd.s32 s24, s18;
	[sflag:s20] =	ssyncadd.s32 $0xFFFFF600  }
0x62: {  	[tilespmem:s3], [sflag:$0x1] =	stream.linear.gather [hbm4b:s25+s3], $0x50, $0x38;
	[tilespmem:$0xBAA0] =	vst v63  }
0x63: {  	_ =	swait.ge [sflag:s20], $0x50  }
0x64: {  	[sflag:s20] =	ssyncset.done $0x0  }
0x65: {  	s29 =	sadd.s32 s24, s17;
	[sflag:s20] =	ssyncadd.s32 $0xFFFFFFB0  }
0x66: {  	[tilespmem:s21], [sflag:$0x1] =	stream.linear.gather [hbm4b:s29+s3], $0x50, $0x38;
	[tilespmem:$0xBAA0] =	vst v63  }
0x67: {  	_ =	swait.ge [sflag:s20], $0x50  }
0x68: {  	[sflag:s20] =	ssyncset.done $0x0  }
0x69: {  	[sflag:s20] =	ssyncadd.s32 $0xFFFFFFB0  }
0x6a: {  	[tilespmem:s22], [sflag:$0x1] =	stream.indirect.gather [hbm4b:s4+s21], $0x20, s3, s21, $0xb8;
	[tilespmem:$0xBAA0] =	vst v63  }
0x6b: {  	_ =	swait.ge [sflag:s20], $0xA00  }
0x6c: {  	[sflag:s20] =	ssyncset.done $0x0  }
0x6d: {  	[sflag:s20] =	ssyncadd.s32 $0xFFFFF600  }
0x6e: {  	[spmem:s2] =	stream.indirect.scatter.add.f32 [tilespmem:s22], [sflag:$0x1], $0x20, s21, s21, $0xb8;
	[tilespmem:$0xBAA0] =	vst v63  }
0x6f: {  	_ =	swait.ge [sflag:s20], $0xA00  }
0x70: {  	s30 =	sshll.u32 s0, $0x6;
	s23 =	sadd.s32 $0x1, s23;
	[sflag:s20] =	ssyncset.done $0x0  }
0x71: {  	s31 =	sshrl.u32 s5, $0x3;
	p0 =	sne.s32 s23, s16;
	[sflag:s20] =	ssyncadd.s32 $0xFFFFF600  }
.Ltmp2:
0x72: {  	s24 =	sor.u32 $0x1C01, s30;
	[bflag:$0x0] =	sbarrier.arrive $0xFFFF;
	(pc) =	sbr.rel @p0 .LBB2_1-.Ltmp2, $4  }
0x73: {  	[hbm:s15], [sflag:s24] =	dma.local [spmem:s31], $0x1400  }
0x74: {  	_ =	swait.ge [sflag:s20], $0x1400  }
0x75: {  	[sflag:s20] =	ssyncset.done $0x0  }
0x76: {  	[sflag:s20] =	ssyncadd.s32 $0xFFFFEC00  }
0x77: {  	_ =	sfence.sel $0x180000  }
0x78: {  	[bflag:$0x0] =	sbarrier.arrive $0xFFFF  }
0x79: {  	p0 =	sne.s32 s0, $0x0;
	_ =	strace $0x9000004D  }
0x7a: {  	s0 =	sadd.s32 @!p0 $0x100000, s1;
	[bflag:$0x2] =	sbarrier.arrive $0xFFFF  }
0x7b: {  	[sflag:s0] =	ssyncadd.tile.s32 @!p0 $0x1;
	_ =	shalt  }
.Lfunc_end2:
_tile_overlayer_lowered:
.L_overlay_start_2:
0x7c: {  	(tag) =	ssettag $0x2  }
0x7d: {  	s0 =	rddreg [dreg:$0x0];
	s2 =	stileid.u32  }
0x7e: {  	s1 =	rddreg [dreg:$0x1];
	p0 =	sne.s32 s2, $0x0  }
0x7f: {  	s3 =	rddreg [dreg:$0x2];
	[bflag:$0x3] =	sbarrier.arrive $0xFFFF;
	s2 =	simm.s32 @!p0 $0x1C01  }
0x80: {  	[timem:s3], [sflag:s2] =	dma.local @!p0 [hbm:s0], s1  }
0x81: {  	s0 =	simm.s32 @!p0 $0x1  }
0x82: {  	_ =	swait.ge @!p0 [sflag:s0], s1  }
0x83: {  	s1 =	ssub.s32 @!p0 $0x0, s1;
	[sflag:s0] =	ssyncset.done @!p0 $0x0  }
0x84: {  	[sflag:s0] =	ssyncadd.s32 @!p0 s1  }
0x85: {  	[bflag:$0x3] =	sbarrier.arrive $0xFFFF  }
0x86: {  	_ =	shalt  }

// kernel: kernel.19.cloned.1.call-start
scs
__scs_entry_jumppad:
0x0: {  	(pc) =	sbr.rel $0x88, $3  }
0x1: {  	(tag) =	ssettag $0x0;
	lr =	simm.s32 $0x1  }
0x2: {  	[smem:$0x3F8F] =	sst lr;
	_ =	strace $0xD0000000  }
0x3: {  	_ = 	snop  }
0x4: {  	_ = 	snop  }
0x5: {  	_ = 	snop  }
0x6: {  	_ = 	snop  }
0x7: {  	_ = 	snop  }
__scs_overlays_trampoline_lowered:
0x8: {  	[smem:$0x3F9E] =	sst s0  }
0x9: {  	[smem:$0x3F9F] =	sst s1  }
0xa: {  	[smem:$0x3FA0] =	sst s2  }
0xb: {  	[smem:$0x3FA1] =	sst s3  }
0xc: {  	[smem:$0x3FA2] =	sst s4  }
0xd: {  	[smem:$0x3FA3] =	sst s5  }
0xe: {  	[smem:$0x3FA4] =	sst s6  }
0xf: {  	[smem:$0x3FA5] =	sst s7  }
0x10: {  	[smem:$0x3FA6] =	sst s8  }
0x11: {  	[smem:$0x3FA7] =	sst s9;
	s0 =	simm.s32 @!p0 $0x0  }
0x12: {  	s1 =	sld [smem:$0x3F8D];
	s0 =	simm.s32 @p0 $0x1  }
0x13: {  	[smem:$0x3FA8] =	sst s0;
	s0 =	simm.s32 @!p1 $0x0  }
0x14: {  	s2 =	sld [smem:$0x3F8C];
	s0 =	simm.s32 @p1 $0x1  }
0x15: {  	[smem:$0x3FA9] =	sst s0;
	s0 =	simm.s32 @!p2 $0x0  }
0x16: {  	s3 =	sld [smem:$0x3FDB];
	s0 =	simm.s32 @p2 $0x1  }
0x17: {  	s4 =	simm.s32 $0x1BF5;
	[smem:$0x3FAB] =	sst s0  }
0x18: {  	s0 =	sld [smem:$0x3F8E];
	_ =	swait.ge [sflag:s4], $0x0  }
0x19: {  	s7 =	sld [smem:$0x3F8F]  }
0x1a: {  	s8 =	sadd.s32 $0xFFFFE003, lr  }
0x1b: {  	s9 =	sadd.s32 $0xFFFFFEF7, lr;
	s5 =	simm.s32 $0xFFFFFFFF;
	p2 =	slt.u32 s8, $0xFFFFF086  }
0x1c: {  	p1 =	slt.u32 s9, $0xF7A;
	s5 =	simm.s32 @!p2 $0x0  }
0x1d: {  	s5 =	simm.s32 @p1 $0x1;
	p0 =	seq.s32 s7, s2  }
0x1e: {  	s7 =	smul.u32 @!p0 $0xF7A, s2;
	p2 =	seq.s32 @!p0 s5, $0x0  }
0x1f: {  	s9 =	smul.u32 $0xF7A, s1;
	s8 =	simm.s32 @!p0 $0x1BF5;
	p2 =	por !p2, p0  }
0x20: {  	[sflag:s8] =	ssyncset.s32 @!p0 $0xFFFFF086;
	s6 =	sadd.s32 @!p0 s3, s7;
	s7 =	simm.s32 @!p0 $0x108  }
0x21: {  	s3 =	sadd.s32 s3, s9;
	s6 =	sadd.s32 @!p0 $0x88, s6;
	s7 =	simm.s32 @p2 $0x1082  }
0x22: {  	[simem:s7], [sflag:s8] =	dma.local @!p0 [hbm:s6], $0xF7A  }
0x23: {  	s9 =	sor.u32 $0xD0000000, s2;
	s6 =	simm.s32 $0x108;
	_ =	swait.ge @!p0 [sflag:s8], $0x0  }
0x24: {  	s3 =	sadd.s32 $0x88, s3;
	s6 =	simm.s32 @!p1 $0x1082;
	[sflag:s4] =	ssyncset.s32 $0xFFFFF086  }
0x25: {  	[simem:s6], [sflag:s4] =	dma.local [hbm:s3], $0xF7A  }
0x26: {  	[smem:$0x3F8F] =	sst s1;
	(tag) =	ssettag s2;
	_ =	strace s9  }
0x27: {  	s1 =	sld [smem:$0x3F9F]  }
0x28: {  	s2 =	sld [smem:$0x3FA0]  }
0x29: {  	s4 =	sld [smem:$0x3FA2]  }
0x2a: {  	p0 =	seq.s32 s5, $0x0;
	s5 =	sld [smem:$0x3FA3]  }
0x2b: {  	s6 =	sld [smem:$0x3FA4]  }
0x2c: {  	s7 =	sld [smem:$0x3FA5]  }
0x2d: {  	s3 =	simm.s32 $0x108;
	s8 =	sld [smem:$0x3FA6]  }
0x2e: {  	s3 =	simm.s32 @!p0 $0x1082;
	s9 =	sld [smem:$0x3FA7]  }
0x2f: {  	lr =	sadd.s32 s0, s3;
	s0 =	sld [smem:$0x3F9E]  }
0x30: {  	s3 =	sld [smem:$0x3FA1]  }
0x31: {  	[smem:$0x3FAA] =	sst s10  }
0x32: {  	s10 =	sld [smem:$0x3FA8];
	_ =	sdelay $0x3  }
0x33: {  	p0 =	seq.s32 s10, $0x1;
	s10 =	sld [smem:$0x3FAA];
	_ =	sdelay $0x3  }
0x34: {  	[smem:$0x3FAA] =	sst s10  }
0x35: {  	s10 =	sld [smem:$0x3FA9];
	_ =	sdelay $0x3  }
0x36: {  	p1 =	seq.s32 s10, $0x1;
	s10 =	sld [smem:$0x3FAA];
	_ =	sdelay $0x3  }
0x37: {  	[smem:$0x3FAA] =	sst s10  }
0x38: {  	s10 =	sld [smem:$0x3FAB]  }
0x39: {  	_ = 	snop;
	(pc) =	sbr.ind lr, $3  }
0x3a: {  	_ = 	snop  }
0x3b: {  	_ = 	snop  }
0x3c: {  	p2 =	seq.s32 s10, $0x1;
	s10 =	sld [smem:$0x3FAA]  }
0x3d: {  	_ =	shalt  }
0x3e: {  	_ =	shalt  }
0x3f: {  	_ =	shalt  }
0x40: {  	_ =	shalt  }
0x41: {  	_ =	shalt  }
0x42: {  	_ =	shalt  }
0x43: {  	_ =	shalt  }
0x44: {  	_ =	shalt  }
0x45: {  	_ =	shalt  }
0x46: {  	_ =	shalt  }
0x47: {  	_ =	shalt  }
0x48: {  	_ =	shalt  }
0x49: {  	_ =	shalt  }
0x4a: {  	_ =	shalt  }
0x4b: {  	_ =	shalt  }
0x4c: {  	_ =	shalt  }
0x4d: {  	_ =	shalt  }
0x4e: {  	_ =	shalt  }
0x4f: {  	_ =	shalt  }
0x50: {  	_ =	shalt  }
0x51: {  	_ =	shalt  }
0x52: {  	_ =	shalt  }
0x53: {  	_ =	shalt  }
0x54: {  	_ =	shalt  }
0x55: {  	_ =	shalt  }
0x56: {  	_ =	shalt  }
0x57: {  	_ =	shalt  }
0x58: {  	_ =	shalt  }
0x59: {  	_ =	shalt  }
0x5a: {  	_ =	shalt  }
0x5b: {  	_ =	shalt  }
0x5c: {  	_ =	shalt  }
0x5d: {  	_ =	shalt  }
0x5e: {  	_ =	shalt  }
0x5f: {  	_ =	shalt  }
0x60: {  	_ =	shalt  }
0x61: {  	_ =	shalt  }
0x62: {  	_ =	shalt  }
0x63: {  	_ =	shalt  }
0x64: {  	_ =	shalt  }
0x65: {  	_ =	shalt  }
0x66: {  	_ =	shalt  }
0x67: {  	_ =	shalt  }
0x68: {  	_ =	shalt  }
0x69: {  	_ =	shalt  }
0x6a: {  	_ =	shalt  }
0x6b: {  	_ =	shalt  }
0x6c: {  	_ =	shalt  }
0x6d: {  	_ =	shalt  }
0x6e: {  	_ =	shalt  }
0x6f: {  	_ =	shalt  }
0x70: {  	_ =	shalt  }
0x71: {  	_ =	shalt  }
0x72: {  	_ =	shalt  }
0x73: {  	_ =	shalt  }
0x74: {  	_ =	shalt  }
0x75: {  	_ =	shalt  }
0x76: {  	_ =	shalt  }
0x77: {  	_ =	shalt  }
0x78: {  	_ =	shalt  }
0x79: {  	_ =	shalt  }
0x7a: {  	_ =	shalt  }
0x7b: {  	_ =	shalt  }
0x7c: {  	_ =	shalt  }
0x7d: {  	_ =	shalt  }
0x7e: {  	_ =	shalt  }
0x7f: {  	_ =	shalt  }
0x80: {  	_ =	shalt  }
0x81: {  	_ =	shalt  }
0x82: {  	_ =	shalt  }
0x83: {  	_ =	shalt  }
0x84: {  	_ =	shalt  }
0x85: {  	_ =	shalt  }
0x86: {  	_ =	shalt  }
0x87: {  	_ =	shalt  }
.Lfunc_end0:
.L_simem_size_0:
called_computation.3_lowered:
.L_overlay_start_0:
0x88: {  	s2 =	sld [smem:$0x3FD9]  }
0x89: {  	s3 =	sld [smem:$0x3FFE];
	_ =	sdelay $0x1  }
0x8a: {  	s1 =	srdreg.scid  }
0x8b: {  	s0 =	sand.u32 $0x1, s1  }
0x8c: {  	s16 =	sshll.u32 s0, $0xA;
	s2 =	sadd.s32 s3, s2  }
0x8d: {  	s2 =	sadd.s32 s2, s16  }
0x8e: {  	[smem:$0x3FB6] =	sst s2  }
0x8f: {  	_ = 	snop  }
0x90: {  	(tm) =	ssettm $0x1  }
0x91: {  	s17 =	sld [smem:$0x3FFB];
	_ =	sdelay $0x3  }
0x92: {  	_ =	strace s17  }
0x93: {  	s2 =	sld [smem:$0x3FFC];
	_ =	sdelay $0x3  }
0x94: {  	_ =	strace s2  }
0x95: {  	s2 =	sld [smem:$0x3FFD];
	_ =	sdelay $0x3  }
0x96: {  	_ =	strace s2  }
0x97: {  	_ =	strace $0x8FFFFFFF  }
0x98: {  	s18 =	sld [smem:$0x3FDB];
	_ =	sdelay $0x1  }
0x99: {  	s19 =	simm.s32 $_scs_section_size  }
0x9a: {  	s4 =	simm.s32 $_size__tile_overlayer_lowered;
	s5 =	simm.s32 $_tile_overlayer_lowered  }
0x9b: {  	s22 =	simm.s32 $0x1BFF;
	s21 =	sshll.u32 s5, $0x1;
	s2 =	sadd.s32 s19, s18  }
0x9c: {  	s6 =	simm.s32 $0x0;
	s20 =	sshll.u32 s4, $0x1;
	s4 =	sadd.s32 s21, s2  }
0x9d: {  	[timem:s6], [sflag:s22] =	dma.local [hbm:s4], s20  }
0x9e: {  	_ =	swait.ge [sflag:s22], s20  }
0x9f: {  	s3 =	ssub.s32 $0x0, s20;
	[sflag:s22] =	ssyncset.done $0x0  }
0xa0: {  	[sflag:s22] =	ssyncadd.s32 s3;
	_ =	sdelay $0x1  }
0xa1: {  	s23 =	simm.s32 $0x1B8B  }
0xa2: {  	_ =	swait.ge [sflag:s23], $0x1  }
0xa3: {  	[sflag:s23] =	ssyncset.done $0x0  }
0xa4: {  	s25 =	simm.s32 $0x1B8E;
	s24 =	sld [smem:$0x3FFE];
	[sflag:s23] =	ssyncadd.s32 $0xFFFFFFFF  }
0xa5: {  	s26 =	simm.s32 $execute0_lowered;
	[smem:$0x3FD2] =	sst s25  }
0xa6: {  	s4 =	sshll.u32 s26, $0x1;
	_ =	strace $0x8000004F;
	[dreg:$0x1] =	wrdreg $0xFFFFFFFF  }
0xa7: {  	s28 =	simm.s32 $_size_execute0_lowered;
	s2 =	sadd.s32 s2, s4;
	[dreg:$0x0] =	wrdreg $0x0  }
0xa8: {  	s4 =	sshll.u32 s28, $0x1;
	[dreg:$0x2] =	wrdreg s2  }
0xa9: {  	[dreg:$0x3] =	wrdreg s4  }
0xaa: {  	[dreg:$0x4] =	wrdreg $0xC0  }
0xab: {  	_ =	task [dreg:s6], $0x5FFFF  }
0xac: {  	[dreg:$0x1] =	wrdreg $0xFFFFFFFF  }
0xad: {  	[dreg:$0x0] =	wrdreg $0x60  }
0xae: {  	[dreg:$0x2] =	wrdreg s24  }
0xaf: {  	[dreg:$0x3] =	wrdreg $0xDA00  }
0xb0: {  	[dreg:$0x4] =	wrdreg $0x9  }
0xb1: {  	_ =	task.clear_ibuf [dreg:s6], $0x5FFFF;
	_ =	strace $0x9000004F  }
0xb2: {  	s29 =	simm.s32 $0x9;
	_ =	strace $0x80000051  }
0xb3: {  	_ =	swait.ge [sflag:s29], $0x1  }
0xb4: {  	[sflag:s29] =	ssyncadd.s32 $0xFFFFFFFF  }
0xb5: {  	_ =	strace $0x90000051  }
0xb6: {  	_ =	sfence  }
0xb7: {  	s30 =	sld [smem:$0x0];
	_ =	sdelay $0x2  }
0xb8: {  	s31 =	sshll.u32 s1, $0xD;
	s1 =	sshrl.u32 s1, $0x2  }
0xb9: {  	s3 =	sand.u32 $0x4000, s31;
	s1 =	sadd.s32 s1, s30  }
0xba: {  	s0 =	sor.u32 s3, s0;
	s1 =	sshll.u32 s1, $0x11  }
0xbb: {  	s0 =	sor.u32 s1, s0  }
0xbc: {  	s0 =	sadd.s32 $0x8F2B, s0  }
0xbd: {  	[sflag:s0] =	ssyncadd.remote.s32 $0x1  }
0xbe: {  	_ =	sfence.sel $0xFFFF  }
0xbf: {  	[dreg:$0x0] =	wrdreg $0xFFFFFFFF;
	(pc) =	sbr.abs _section_cstart, $3  }
0xc0: {  	[dreg:$0x1] =	wrdreg $0xFFFFFFFF  }
0xc1: {  	_ =	task.clear_ibuf [dreg:s6], $0x2FFFF;
	_ =	strace $0x9FFFFFFF  }
0xc2: {  	(tm) =	ssettm $0x7FFFFFFF  }
0xc3: {  	_ =	shalt  }
tec
execute0_lowered:
.L_overlay_start_1:
0x0: {  	(tag) =	ssettag $0x1  }
0x1: {  	s1 =	srdreg.scid  }
0x2: {  	s0 =	stileid.u32;
	s5 =	rddreg [dreg:$0x0]  }
0x3: {  	s2 =	rddreg [dreg:$0x1];
	s3 =	simm.s32 $0x0;
	s19 =	simm.s32 $0x5A0  }
0x4: {  	s20 =	simm.s32 $0x1;
	s21 =	simm.s32 $0x50;
	s7 =	smul.u32 $0x9C40, s0  }
0x5: {  	s22 =	simm.s32 $0xA0;
	s23 =	simm.s32 $0x0;
	s9 =	smul.u32 $0x5000, s0  }
0x6: {  	s6 =	sand.u32 $0x1, s1;
	s1 =	rddreg [dreg:$0x2];
	s28 =	smul.u32 $0x14000, s0  }
0x7: {  	[smem:$0x7FF] =	sst s3;
	s4 =	sadd.s32 $0x7B000, s5;
	s8 =	smul.u32 $0x4E20, s6  }
0x8: {  	s10 =	smul.u32 $0x50000, s6;
	_ =	strace $0x80000050;
	s6 =	ssub.s32 $0x2, s6  }
0x9: {  	s30 =	sshrl.u32 s6, $0x1;
	s31 =	sshrl.u32 s28, $0x2;
	s7 =	sadd.s32 s8, s7  }
0xa: {  	s26 =	sadd.s32 s9, s10;
	s16 =	ssub.s32 s6, s30;
	s14 =	sadd.s32 s31, s2  }
0xb: {  	s7 =	sshrl.u32 s7, $0x3;
	s29 =	sshrl.u32 s26, $0x3;
	s6 =	sadd.s32 $0x800, s14  }
0xc: {  	s8 =	sadd.s32 $0x1800, s14;
	s10 =	sadd.s32 $0x2800, s14;
	s11 =	sadd.s32 $0x3000, s14  }
0xd: {  	s12 =	sadd.s32 $0x3800, s14;
	s13 =	sadd.s32 $0x4000, s14;
	s16 =	smax.u32 s16, $0x1  }
0xe: {  	s18 =	sadd.s32 s7, s5;
	s15 =	sadd.s32 s29, s5;
	s5 =	sadd.s32 s9, s2  }
0xf: {  	s7 =	sadd.s32 $0x1000, s14;
	s9 =	sadd.s32 $0x2000, s14;
	s14 =	sadd.s32 $0x4800, s14  }
0x10: {  	v0 =	vimm.f32 $0.0e+00;
	s15 =	sadd.s32 $0x85000, s15;
	s17 =	sadd.s32 $0x3C00, s18;
	s18 =	sadd.s32 $0x17600, s18  }
.LBB2_1:
0x11: {  	s24 =	simm.s32 $0x40;
	s25 =	simm.s32 $0x0  }
.LBB2_2:
0x12: {  	p0 =	sne.s32 s24, $0x1FC0;
	[tilespmem:s25+$0x5A0] =	vst v0;
	s25 =	smov.u32 s24;
	s24 =	sadd.s32 $0x40, s24  }
.Ltmp0:
0x13: {  	(pc) =	sbr.rel @p0 .LBB2_2-.Ltmp0, $2  }
0x14: {  	_ =	sdelay $0x2  }
0x15: {  	s25 =	sshra.s32 s25, $0x2  }
0x16: {  	[tilespmem:s25+$0x5A0] =	vst v0  }
0x17: {  	[spmem:s5] =	stream.linear.scatter [tilespmem:s19], [sflag:$0x1], $0x800, $0x38;
	[tilespmem:$0x5DA0] =	vst v63  }
0x18: {  	_ =	swait.ge [sflag:s20], $0x800  }
0x19: {  	[sflag:s20] =	ssyncset.done $0x0  }
0x1a: {  	[sflag:s20] =	ssyncadd.s32 $0xFFFFF800  }
0x1b: {  	[spmem:s6] =	stream.linear.scatter [tilespmem:s19], [sflag:$0x1], $0x800, $0x38;
	[tilespmem:$0x5DA0] =	vst v63  }
0x1c: {  	_ =	swait.ge [sflag:s20], $0x800  }
0x1d: {  	[sflag:s20] =	ssyncset.done $0x0  }
0x1e: {  	[sflag:s20] =	ssyncadd.s32 $0xFFFFF800  }
0x1f: {  	[spmem:s7] =	stream.linear.scatter [tilespmem:s19], [sflag:$0x1], $0x800, $0x38;
	[tilespmem:$0x5DA0] =	vst v63  }
0x20: {  	_ =	swait.ge [sflag:s20], $0x800  }
0x21: {  	[sflag:s20] =	ssyncset.done $0x0  }
0x22: {  	[sflag:s20] =	ssyncadd.s32 $0xFFFFF800  }
0x23: {  	[spmem:s8] =	stream.linear.scatter [tilespmem:s19], [sflag:$0x1], $0x800, $0x38;
	[tilespmem:$0x5DA0] =	vst v63  }
0x24: {  	_ =	swait.ge [sflag:s20], $0x800  }
0x25: {  	[sflag:s20] =	ssyncset.done $0x0  }
0x26: {  	[sflag:s20] =	ssyncadd.s32 $0xFFFFF800  }
0x27: {  	[spmem:s9] =	stream.linear.scatter [tilespmem:s19], [sflag:$0x1], $0x800, $0x38;
	[tilespmem:$0x5DA0] =	vst v63  }
0x28: {  	_ =	swait.ge [sflag:s20], $0x800  }
0x29: {  	[sflag:s20] =	ssyncset.done $0x0  }
0x2a: {  	[sflag:s20] =	ssyncadd.s32 $0xFFFFF800  }
0x2b: {  	[spmem:s10] =	stream.linear.scatter [tilespmem:s19], [sflag:$0x1], $0x800, $0x38;
	[tilespmem:$0x5DA0] =	vst v63  }
0x2c: {  	_ =	swait.ge [sflag:s20], $0x800  }
0x2d: {  	[sflag:s20] =	ssyncset.done $0x0  }
0x2e: {  	[sflag:s20] =	ssyncadd.s32 $0xFFFFF800  }
0x2f: {  	[spmem:s11] =	stream.linear.scatter [tilespmem:s19], [sflag:$0x1], $0x800, $0x38;
	[tilespmem:$0x5DA0] =	vst v63  }
0x30: {  	_ =	swait.ge [sflag:s20], $0x800  }
0x31: {  	[sflag:s20] =	ssyncset.done $0x0  }
0x32: {  	[sflag:s20] =	ssyncadd.s32 $0xFFFFF800  }
0x33: {  	[spmem:s12] =	stream.linear.scatter [tilespmem:s19], [sflag:$0x1], $0x800, $0x38;
	[tilespmem:$0x5DA0] =	vst v63  }
0x34: {  	_ =	swait.ge [sflag:s20], $0x800  }
0x35: {  	[sflag:s20] =	ssyncset.done $0x0  }
0x36: {  	[sflag:s20] =	ssyncadd.s32 $0xFFFFF800  }
0x37: {  	[spmem:s13] =	stream.linear.scatter [tilespmem:s19], [sflag:$0x1], $0x800, $0x38;
	[tilespmem:$0x5DA0] =	vst v63  }
0x38: {  	_ =	swait.ge [sflag:s20], $0x800  }
0x39: {  	[sflag:s20] =	ssyncset.done $0x0  }
0x3a: {  	[sflag:s20] =	ssyncadd.s32 $0xFFFFF800  }
0x3b: {  	[spmem:s14] =	stream.linear.scatter [tilespmem:s19], [sflag:$0x1], $0x800, $0x38;
	[tilespmem:$0x5DA0] =	vst v63  }
0x3c: {  	_ =	swait.ge [sflag:s20], $0x800  }
0x3d: {  	[sflag:s20] =	ssyncset.done $0x0  }
0x3e: {  	[sflag:s20] =	ssyncadd.s32 $0xFFFFF800  }
0x3f: {  	s24 =	sadd.s32 $0x0, s18;
	[bflag:$0x0] =	sbarrier.arrive $0xFFFF  }
0x40: {  	[tilespmem:s3], [sflag:$0x1] =	stream.linear.gather [hbm4b:s24+s3], $0x50, $0x38;
	[tilespmem:$0x5DA0] =	vst v63  }
0x41: {  	_ =	swait.ge [sflag:s20], $0x50  }
0x42: {  	[sflag:s20] =	ssyncset.done $0x0  }
0x43: {  	s31 =	sadd.s32 $0x0, s17;
	[sflag:s20] =	ssyncadd.s32 $0xFFFFFFB0  }
0x44: {  	[tilespmem:s21], [sflag:$0x1] =	stream.linear.gather [hbm4b:s31+s3], $0x50, $0x38;
	[tilespmem:$0x5DA0] =	vst v63  }
0x45: {  	_ =	swait.ge [sflag:s20], $0x50  }
0x46: {  	[sflag:s20] =	ssyncset.done $0x0  }
0x47: {  	[sflag:s20] =	ssyncadd.s32 $0xFFFFFFB0  }
0x48: {  	[tilespmem:s22], [sflag:$0x1] =	stream.indirect.gather [hbm4b:s4+s21], $0x10, s3, s21, $0xb8;
	[tilespmem:$0x5DA0] =	vst v63  }
0x49: {  	_ =	swait.ge [sflag:s20], $0x500  }
0x4a: {  	[sflag:s20] =	ssyncset.done $0x0  }
0x4b: {  	[sflag:s20] =	ssyncadd.s32 $0xFFFFFB00  }
0x4c: {  	[spmem:s2] =	stream.indirect.scatter.add.f32 [tilespmem:s22], [sflag:$0x1], $0x10, s21, s21, $0xb8;
	[tilespmem:$0x5DA0] =	vst v63  }
0x4d: {  	_ =	swait.ge [sflag:s20], $0x500  }
0x4e: {  	s25 =	simm.s32 $0x14;
	s24 =	simm.s32 $0xA;
	[sflag:s20] =	ssyncset.done $0x0  }
.LBB2_4:
0x4f: {  	s26 =	sadd.s32 s24, s18  }
0x50: {  	[sflag:s20] =	ssyncadd.s32 $0xFFFFFB00;
	s28 =	smov.u32 s25;
	s29 =	sadd.s32 $0xA, s25  }
0x51: {  	[tilespmem:s3], [sflag:$0x1] =	stream.linear.gather [hbm4b:s26+s3], $0x50, $0x38;
	[tilespmem:$0x5DA0] =	vst v63  }
0x52: {  	p0 =	sne.s32 s25, $0x9BA;
	_ =	swait.ge [sflag:s20], $0x50  }
0x53: {  	[sflag:s20] =	ssyncset.done $0x0  }
0x54: {  	s25 =	sadd.s32 s24, s17;
	s24 =	smov.u32 s28;
	[sflag:s20] =	ssyncadd.s32 $0xFFFFFFB0  }
0x55: {  	[tilespmem:s21], [sflag:$0x1] =	stream.linear.gather [hbm4b:s25+s3], $0x50, $0x38;
	[tilespmem:$0x5DA0] =	vst v63  }
0x56: {  	_ =	swait.ge [sflag:s20], $0x50  }
0x57: {  	[sflag:s20] =	ssyncset.done $0x0  }
0x58: {  	[sflag:s20] =	ssyncadd.s32 $0xFFFFFFB0  }
0x59: {  	[tilespmem:s22], [sflag:$0x1] =	stream.indirect.gather [hbm4b:s4+s21], $0x10, s3, s21, $0xb8;
	[tilespmem:$0x5DA0] =	vst v63  }
0x5a: {  	_ =	swait.ge [sflag:s20], $0x500  }
.Ltmp1:
0x5b: {  	[sflag:s20] =	ssyncset.done $0x0;
	(pc) =	sbr.rel @p0 .LBB2_4-.Ltmp1, $4  }
0x5c: {  	[sflag:s20] =	ssyncadd.s32 $0xFFFFFB00  }
0x5d: {  	[spmem:s2] =	stream.indirect.scatter.add.f32 [tilespmem:s22], [sflag:$0x1], $0x10, s21, s21, $0xb8;
	[tilespmem:$0x5DA0] =	vst v63  }
0x5e: {  	_ =	swait.ge [sflag:s20], $0x500  }
0x5f: {  	s25 =	smov.u32 s29;
	[sflag:s20] =	ssyncset.done $0x0  }
0x60: {  	s25 =	sadd.s32 s24, s18;
	[sflag:s20] =	ssyncadd.s32 $0xFFFFFB00  }
0x61: {  	[tilespmem:s3], [sflag:$0x1] =	stream.linear.gather [hbm4b:s25+s3], $0x50, $0x38;
	[tilespmem:$0x5DA0] =	vst v63  }
0x62: {  	_ =	swait.ge [sflag:s20], $0x50  }
0x63: {  	[sflag:s20] =	ssyncset.done $0x0  }
0x64: {  	s29 =	sadd.s32 s24, s17;
	[sflag:s20] =	ssyncadd.s32 $0xFFFFFFB0  }
0x65: {  	[tilespmem:s21], [sflag:$0x1] =	stream.linear.gather [hbm4b:s29+s3], $0x50, $0x38;
	[tilespmem:$0x5DA0] =	vst v63  }
0x66: {  	_ =	swait.ge [sflag:s20], $0x50  }
0x67: {  	[sflag:s20] =	ssyncset.done $0x0  }
0x68: {  	[sflag:s20] =	ssyncadd.s32 $0xFFFFFFB0  }
0x69: {  	[tilespmem:s22], [sflag:$0x1] =	stream.indirect.gather [hbm4b:s4+s21], $0x10, s3, s21, $0xb8;
	[tilespmem:$0x5DA0] =	vst v63  }
0x6a: {  	_ =	swait.ge [sflag:s20], $0x500  }
0x6b: {  	[sflag:s20] =	ssyncset.done $0x0  }
0x6c: {  	[sflag:s20] =	ssyncadd.s32 $0xFFFFFB00  }
0x6d: {  	[spmem:s2] =	stream.indirect.scatter.add.f32 [tilespmem:s22], [sflag:$0x1], $0x10, s21, s21, $0xb8;
	[tilespmem:$0x5DA0] =	vst v63  }
0x6e: {  	_ =	swait.ge [sflag:s20], $0x500  }
0x6f: {  	s30 =	sshll.u32 s0, $0x6;
	s23 =	sadd.s32 $0x1, s23;
	[sflag:s20] =	ssyncset.done $0x0  }
0x70: {  	s31 =	sshrl.u32 s5, $0x3;
	p0 =	sne.s32 s23, s16;
	[sflag:s20] =	ssyncadd.s32 $0xFFFFFB00  }
.Ltmp2:
0x71: {  	s24 =	sor.u32 $0x1C01, s30;
	[bflag:$0x0] =	sbarrier.arrive $0xFFFF;
	(pc) =	sbr.rel @p0 .LBB2_1-.Ltmp2, $4  }
0x72: {  	[hbm:s15], [sflag:s24] =	dma.local [spmem:s31], $0xA00  }
0x73: {  	_ =	swait.ge [sflag:s20], $0xA00  }
0x74: {  	[sflag:s20] =	ssyncset.done $0x0  }
0x75: {  	[sflag:s20] =	ssyncadd.s32 $0xFFFFF600  }
0x76: {  	_ =	sfence.sel $0x180000  }
0x77: {  	[bflag:$0x0] =	sbarrier.arrive $0xFFFF  }
0x78: {  	p0 =	sne.s32 s0, $0x0;
	_ =	strace $0x90000050  }
0x79: {  	s0 =	sadd.s32 @!p0 $0x100000, s1;
	[bflag:$0x2] =	sbarrier.arrive $0xFFFF  }
0x7a: {  	[sflag:s0] =	ssyncadd.tile.s32 @!p0 $0x1;
	_ =	shalt  }
.Lfunc_end2:
_tile_overlayer_lowered:
.L_overlay_start_2:
0x7b: {  	(tag) =	ssettag $0x2  }
0x7c: {  	s0 =	rddreg [dreg:$0x0];
	s2 =	stileid.u32  }
0x7d: {  	s1 =	rddreg [dreg:$0x1];
	p0 =	sne.s32 s2, $0x0  }
0x7e: {  	s3 =	rddreg [dreg:$0x2];
	[bflag:$0x3] =	sbarrier.arrive $0xFFFF;
	s2 =	simm.s32 @!p0 $0x1C01  }
0x7f: {  	[timem:s3], [sflag:s2] =	dma.local @!p0 [hbm:s0], s1  }
0x80: {  	s0 =	simm.s32 @!p0 $0x1  }
0x81: {  	_ =	swait.ge @!p0 [sflag:s0], s1  }
0x82: {  	s1 =	ssub.s32 @!p0 $0x0, s1;
	[sflag:s0] =	ssyncset.done @!p0 $0x0  }
0x83: {  	[sflag:s0] =	ssyncadd.s32 @!p0 s1  }
0x84: {  	[bflag:$0x3] =	sbarrier.arrive $0xFFFF  }
0x85: {  	_ =	shalt  }

</sc_bundles>
